<compile_context>
chip_gen: v7x
topology: tpu7x:2x2x1
jax: 0.10.2.dev20260603
libtpu: 0.0.44.dev20260713+nightly
codegen_flags: <defaults>
</compile_context>

<pallas_src>
import functools

import jax
import jax.numpy as jnp
from jax import lax
from jax.experimental import pallas as pl
from jax.experimental.pallas import tpu as pltpu
from jax.experimental.pallas import tpu_sc as plsc

N = 10000
E = 320000
G = 100
STEPS = 3
EPS = 0.01
CLAMP_STEP = 0.1

B = 256
KSTATIC = 3
NPAD = 10240
T = NPAD // B
NTILES = 32
EPT = E // NTILES
EPAD = EPT + 240
LANES = 16
UNROLL = 5
PAD_SENT = 2 ** 30


def _prep_body(batch_ref, bt_ref, sqrtcnt_ref, invcnt_ref,
               bf_ref, bfT_ref, lo_ref, hi_ref):
    b = batch_ref[...]
    g = lax.broadcasted_iota(jnp.int32, (G, 1), 0)
    m = (b == g).astype(jnp.float32)
    cnt_g = jnp.sum(m, axis=1, keepdims=True)
    cnode = jnp.sum(m * cnt_g, axis=0, keepdims=True)
    c = jnp.maximum(cnode, 1.0)
    sqrtcnt_ref[...] = jnp.sqrt(c)
    invcnt_ref[...] = 1.0 / c
    bf = b.astype(jnp.float32)
    bf_ref[...] = bf
    bfT_ref[...] = bf.T
    bt = bt_ref[...]
    tmin_c = bt[:, 0:1]
    tmax_c = bt[:, B - 1:B]
    tmin_r = tmin_c.T
    tmax_r = tmax_c.T
    lo_ref[...] = jnp.sum((tmax_c < tmin_r).astype(jnp.int32),
                          axis=0, keepdims=True)
    hi_ref[...] = jnp.sum((tmin_c <= tmax_r).astype(jnp.int32),
                          axis=0, keepdims=True)


_prep = pl.pallas_call(
    _prep_body,
    out_shape=(
        jax.ShapeDtypeStruct((1, NPAD), jnp.float32),
        jax.ShapeDtypeStruct((1, NPAD), jnp.float32),
        jax.ShapeDtypeStruct((1, NPAD), jnp.float32),
        jax.ShapeDtypeStruct((NPAD, 1), jnp.float32),
        jax.ShapeDtypeStruct((1, T), jnp.int32),
        jax.ShapeDtypeStruct((1, T), jnp.int32),
    ),
)


def _sc_attract_body(co_hbm, sq_hbm, ei_hbm, out_hbm,
                     cov, sqv, ev, fxv, fyv):
    wid = lax.axis_index("s") * 2 + lax.axis_index("c")
    base = wid * EPT
    base_al = jnp.minimum((base // 128) * 128, E - EPAD)
    off0 = base - base_al
    pltpu.sync_copy(co_hbm, cov)
    pltpu.sync_copy(sq_hbm, sqv)
    pltpu.sync_copy(ei_hbm.at[:, pl.ds(base_al, EPAD)], ev)

    zero16 = jnp.zeros((LANES,), jnp.float32)

    def _zero(i, carry):
        fxv[pl.ds(i * LANES, LANES)] = zero16
        fyv[pl.ds(i * LANES, LANES)] = zero16
        return carry

    lax.fori_loop(0, NPAD // LANES, _zero, 0)

    def _edges(i, carry):
        for u in range(UNROLL):
            o = off0 + (i * UNROLL + u) * LANES
            r = ev[0, pl.ds(o, LANES)]
            c = ev[1, pl.ds(o, LANES)]
            zero = jnp.zeros((LANES,), jnp.int32)
            one = jnp.ones((LANES,), jnp.int32)
            xr = plsc.load_gather(cov, [zero, r])
            yr = plsc.load_gather(cov, [one, r])
            xc = plsc.load_gather(cov, [zero, c])
            yc = plsc.load_gather(cov, [one, c])
            sq = plsc.load_gather(sqv, [r])
            dx = xr - xc
            dy = yr - yc
            d2 = dx * dx + dy * dy + 1e-20
            ib = plsc.bitcast(d2, jnp.int32)
            y = plsc.bitcast(jnp.int32(0x5F3759DF) - (ib >> 1), jnp.float32)
            h = 0.5 * d2
            y = y * (1.5 - h * y * y)
            y = y * (1.5 - h * y * y)
            coef = -(d2 * y + EPS) * sq
            ax = coef * dx
            ay = coef * dy
            plsc.addupdate_scatter(fxv, [r], ax)
            plsc.addupdate_scatter(fyv, [r], ay)
            plsc.addupdate_scatter(fxv, [c], -ax)
            plsc.addupdate_scatter(fyv, [c], -ay)
        return carry

    lax.fori_loop(0, EPT // (LANES * UNROLL), _edges, 0)

    pltpu.sync_copy(fxv, out_hbm.at[0, wid])
    pltpu.sync_copy(fyv, out_hbm.at[1, wid])


@functools.cache
def _sc_attract_kernel():
    mesh = plsc.VectorSubcoreMesh(core_axis_name="c", subcore_axis_name="s")
    return pl.kernel(
        _sc_attract_body,
        mesh=mesh,
        compiler_params=pltpu.CompilerParams(needs_layout_passes=False),
        out_type=jax.ShapeDtypeStruct((2, NTILES, NPAD), jnp.float32),
        scratch_types=[
            pltpu.VMEM((2, NPAD), jnp.float32),
            pltpu.VMEM((NPAD,), jnp.float32),
            pltpu.VMEM((2, EPAD), jnp.int32),
            pltpu.VMEM((NPAD,), jnp.float32),
            pltpu.VMEM((NPAD,), jnp.float32),
        ],
    )


def _rep_body(co_ref, bf_ref, ic_ref, coT_ref, bfT_ref, lo_ref, hi_ref,
              rep_ref):
    i = pl.program_id(0)
    xi = co_ref[0:1, :]
    yi = co_ref[1:2, :]
    bi = bf_ref[...]
    ki2 = ic_ref[...]

    def tile_sum(off, valid, sx, sy):
        xj = coT_ref[pl.ds(off, B), 0:1]
        yj = coT_ref[pl.ds(off, B), 1:2]
        bj = bfT_ref[pl.ds(off, B), :]
        dx = xi - xj
        dy = yi - yj
        d2 = dx * dx + dy * dy
        dist = jnp.sqrt(d2) + EPS
        w = jnp.where(bi == bj, valid / (dist * dist), 0.0)
        sx = sx + jnp.sum(w * dx, axis=0, keepdims=True)
        sy = sy + jnp.sum(w * dy, axis=0, keepdims=True)
        return sx, sy

    lo = lo_ref[0, i]
    hi = hi_ref[0, i]
    z = jnp.zeros((1, B), jnp.float32)
    sx, sy = z, z
    for k in range(KSTATIC):
        j = lo + k
        jc = jnp.minimum(j, T - 1)
        valid = (j < hi).astype(jnp.float32)
        sx, sy = tile_sum(jc * B, valid, sx, sy)

    def jbody(j, carry):
        return tile_sum(j * B, jnp.float32(1.0), *carry)

    sx, sy = lax.fori_loop(jnp.minimum(lo + KSTATIC, hi), hi, jbody, (sx, sy))
    rep_ref[0:1, :] = ki2 * sx
    rep_ref[1:2, :] = ki2 * sy


_smem = pl.BlockSpec(memory_space=pltpu.SMEM)

_rep = pl.pallas_call(
    _rep_body,
    grid=(T,),
    in_specs=[
        pl.BlockSpec((2, B), lambda i: (0, i)),
        pl.BlockSpec((1, B), lambda i: (0, i)),
        pl.BlockSpec((1, B), lambda i: (0, i)),
        pl.BlockSpec((NPAD, 2), lambda i: (0, 0)),
        pl.BlockSpec((NPAD, 1), lambda i: (0, 0)),
        _smem,
        _smem,
    ],
    out_specs=pl.BlockSpec((2, B), lambda i: (0, i)),
    out_shape=jax.ShapeDtypeStruct((2, NPAD), jnp.float32),
)


def _upd_body(co_ref, rep_ref, par_ref, alpha_ref, out_ref, outT_ref):
    fax = jnp.sum(par_ref[0], axis=0, keepdims=True)
    fay = jnp.sum(par_ref[1], axis=0, keepdims=True)
    a = alpha_ref[0, 0]
    dxt = a * (fax + rep_ref[0:1, :])
    dyt = a * (fay + rep_ref[1:2, :])
    nrm = jnp.sqrt(dxt * dxt + dyt * dyt + 1e-20)
    scale = jnp.minimum(CLAMP_STEP / (nrm + 1e-9), 1.0)
    nco = jnp.concatenate(
        [co_ref[0:1, :] + dxt * scale, co_ref[1:2, :] + dyt * scale], axis=0)
    out_ref[...] = nco
    outT_ref[...] = nco.T


_upd = pl.pallas_call(
    _upd_body,
    in_specs=[
        pl.BlockSpec((2, NPAD), lambda: (0, 0)),
        pl.BlockSpec((2, NPAD), lambda: (0, 0)),
        pl.BlockSpec((2, NTILES, NPAD), lambda: (0, 0, 0)),
        _smem,
    ],
    out_specs=(
        pl.BlockSpec((2, NPAD), lambda: (0, 0)),
        pl.BlockSpec((NPAD, 2), lambda: (0, 0)),
    ),
    out_shape=(
        jax.ShapeDtypeStruct((2, NPAD), jnp.float32),
        jax.ShapeDtypeStruct((NPAD, 2), jnp.float32),
    ),
)


def kernel(x, alpha, edge_index, batch):
    coT = jnp.pad(x[:, -2:], ((0, NPAD - N), (0, 0)))
    co = coT.T
    batch_p = jnp.pad(batch, (0, NPAD - N), constant_values=PAD_SENT)

    sqrtcnt, invcnt, bf2, bfT, lo, hi = _prep(
        batch_p.reshape(1, NPAD), batch_p.reshape(T, B))

    alpha_s = jnp.reshape(alpha, (1, 1)).astype(jnp.float32)
    sq1 = sqrtcnt.reshape(NPAD)

    for step in range(STEPS):
        par = _sc_attract_kernel()(co, sq1, edge_index)
        rep = _rep(co, bf2, invcnt, coT, bfT, lo, hi)
        co, coT = _upd(co, rep, par, alpha_s)
    return coT[:N, :]

# --- scband reference (transcript-rebuilt; emitter-appended) ---
"""Pipeline reference for scband-frunrolled-36455682408728 (READ-ONLY COPY).

The authoritative reference and input builder live on the scoring server;
editing this copy changes nothing except your own understanding.
"""

import jax
import jax.numpy as jnp
import numpy as np

N = 10000
E = 320000
FDIM = 130
G = 100
STEPS = 3
EPS = 0.01
CLAMP_STEP = 0.1


def _fr_forces(coords, row, col, batch, k_per_graph, k_node):
    diff = coords[row] - coords[col]
    dist = jnp.sqrt(jnp.sum(diff * diff, axis=1) + 1e-20) + EPS
    k_e = k_node[row]
    attr = -(dist / k_e)[:, None] * diff
    F_attr = jnp.zeros_like(coords).at[row].add(attr).at[col].add(-attr)
    n = coords.shape[0]
    dg = coords[:, None, :] - coords[None, :, :]
    eye = jnp.eye(n, dtype=coords.dtype)
    # eye added under sqrt keeps the (zeroed-out) diagonal finite; off-diagonal math is exact
    distg = jnp.sqrt(jnp.sum(dg * dg, axis=-1) + eye) + EPS
    same = (batch[:, None] == batch[None, :]).astype(coords.dtype)
    kg = k_per_graph[batch]
    mag = (kg[:, None] * kg[:, None] / distg) * (1.0 - eye) * same
    dirg = dg / distg[..., None]
    F_rep = jnp.sum(mag[..., None] * dirg, axis=1)
    return F_attr + F_rep


def _forward(x, alpha, row, col, batch):
    ones = jnp.ones(x.shape[0], dtype=x.dtype)
    npg = jax.ops.segment_sum(ones, batch, num_segments=G)
    k_per_graph = 1.0 / jnp.sqrt(jnp.clip(npg, 1.0, None))
    k_node = k_per_graph[batch]
    coords = x[:, -2:]
    feat = x[:, :-2]
    h = jnp.concatenate([coords, feat], axis=1)
    for _ in range(STEPS):
        c = h[:, :2]
        f = h[:, 2:]
        delta = alpha * _fr_forces(c, row, col, batch, k_per_graph, k_node)
        step_norm = jnp.sqrt(jnp.sum(delta * delta, axis=1, keepdims=True) + 1e-20)
        scale = jnp.minimum(CLAMP_STEP / (step_norm + 1e-09), 1.0)
        h = jnp.concatenate([c + delta * scale, f], axis=1)
    return h[:, :2]


def setup_inputs(seed: int = 0):
    key = jax.random.key(seed)
    k1, k2, k3 = jax.random.split(key, 3)
    x = jax.random.normal(k1, (N, FDIM), dtype=jnp.float32)
    edge_index = jax.random.randint(k2, (2, E), 0, N, dtype=jnp.int32)
    batch = jnp.sort(jax.random.randint(k3, (N,), 0, G, dtype=jnp.int32))
    alpha = jnp.array(1.0, dtype=jnp.float32)
    return {"x": x, "alpha": alpha, "edge_index": edge_index, "batch": batch}


def reference(x, alpha, edge_index, batch):
    row = edge_index[0]
    col = edge_index[1]
    return _forward(x, alpha, row, col, batch)

if __name__ == "__main__":
    import jax
    _d = setup_inputs()
    print(jax.jit(kernel)(*tuple(_d.values())))

</pallas_src>

<mosaic_0001>
#map = affine_map<(d0, d1) -> (0, 0)>
#map1 = affine_map<(d0, d1) -> (0)>
#map2 = affine_map<(d0, d1) -> (0, 0, 0)>
module attributes {stable_mosaic.version = 14 : i64} {
  func.func @_sc_attract_body(%arg0: i32, %arg1: i32, %arg2: memref<2x10240xf32, #tpu.memory_space<hbm>>, %arg3: memref<10240xf32, #tpu.memory_space<hbm>>, %arg4: memref<2x320000xi32, #tpu.memory_space<hbm>>, %arg5: memref<2x32x10240xf32, #tpu.memory_space<hbm>>, %arg6: memref<2x10240xf32, #tpu.memory_space<vmem>>, %arg7: memref<10240xf32, #tpu.memory_space<vmem>>, %arg8: memref<2x10240xi32, #tpu.memory_space<vmem>>, %arg9: memref<10240xf32, #tpu.memory_space<vmem>>, %arg10: memref<10240xf32, #tpu.memory_space<vmem>>) attributes {dimension_semantics = [#tpu.dimension_semantics<core_parallel>, #tpu.dimension_semantics<subcore_parallel>], iteration_bounds = array<i64: 2, 16>, scalar_prefetch = 0 : i64, scratch_operands = 5 : i64, tpu.core_type = #tpu.core_type<sc_vector_subcore>, window_params = [{transform_indices = #map}, {transform_indices = #map1}, {transform_indices = #map}, {transform_indices = #map2}]} {
    %mul3A = arith.constant 2 : i32
    %mul3A_0 = arith.muli %arg1, %mul3A : i32
    %add3A = arith.addi %mul3A_0, %arg0 : i32
    %mul3A_1 = arith.constant 10000 : i32
    %mul3A_2 = arith.muli %add3A, %mul3A_1 : i32
    %jit3A = arith.constant 128 : i32
    %div3A = arith.divsi %mul3A_2, %jit3A : i32
    %sign3A = arith.constant 0 : i32
    %sign3A_3 = arith.cmpi sgt, %mul3A_2, %sign3A : i32
    %sign3A_4 = arith.extui %sign3A_3 : i1 to i32
    %sign3A_5 = arith.constant 0 : i32
    %sign3A_6 = arith.cmpi slt, %mul3A_2, %sign3A_5 : i32
    %sign3A_7 = arith.extui %sign3A_6 : i1 to i32
    %sign3A_8 = arith.subi %sign3A_4, %sign3A_7 : i32
    %sign3A_9 = arith.constant 0 : i32
    %sign3A_10 = arith.cmpi sgt, %jit3A, %sign3A_9 : i32
    %sign3A_11 = arith.extui %sign3A_10 : i1 to i32
    %sign3A_12 = arith.constant 0 : i32
    %sign3A_13 = arith.cmpi slt, %jit3A, %sign3A_12 : i32
    %sign3A_14 = arith.extui %sign3A_13 : i1 to i32
    %sign3A_15 = arith.subi %sign3A_11, %sign3A_14 : i32
    %ne3A = arith.cmpi ne, %sign3A_8, %sign3A_15 : i32
    %rem3A = arith.remsi %mul3A_2, %jit3A : i32
    %ne3A_16 = arith.constant 0 : i32
    %ne3A_17 = arith.cmpi ne, %rem3A, %ne3A_16 : i32
    %and3A = arith.andi %ne3A, %ne3A_17 : i1
    %sub3A = arith.constant 1 : i32
    %sub3A_18 = arith.subi %div3A, %sub3A : i32
    %select_n3A = arith.select %and3A, %sub3A_18, %div3A : i32
    %mul3A_19 = arith.constant 128 : i32
    %mul3A_20 = arith.muli %select_n3A, %mul3A_19 : i32
    %min3A = arith.constant 309760 : i32
    %min3A_21 = arith.minsi %mul3A_20, %min3A : i32
    %sub3A_22 = arith.subi %mul3A_2, %min3A_21 : i32
    "tpu.region"() ({
      %run_scoped3A_36 = tpu.sem_alloc : memref<!tpu.dma_semaphore, #tpu.memory_space<semaphore_mem>>
      tpu.enqueue_dma source(%arg2 : memref<2x10240xf32, #tpu.memory_space<hbm>>) target(%arg6 : memref<2x10240xf32, #tpu.memory_space<vmem>>) target_semaphore(%run_scoped3A_36 : memref<!tpu.dma_semaphore, #tpu.memory_space<semaphore_mem>>)
      tpu.wait_dma2 semaphore(%run_scoped3A_36 : memref<!tpu.dma_semaphore, #tpu.memory_space<semaphore_mem>>) src(%arg2 : memref<2x10240xf32, #tpu.memory_space<hbm>>) dst(%arg6 : memref<2x10240xf32, #tpu.memory_space<vmem>>)
      tpu.yield
    }) : () -> ()
    "tpu.region"() ({
      %run_scoped3A_36 = tpu.sem_alloc : memref<!tpu.dma_semaphore, #tpu.memory_space<semaphore_mem>>
      tpu.enqueue_dma source(%arg3 : memref<10240xf32, #tpu.memory_space<hbm>>) target(%arg7 : memref<10240xf32, #tpu.memory_space<vmem>>) target_semaphore(%run_scoped3A_36 : memref<!tpu.dma_semaphore, #tpu.memory_space<semaphore_mem>>)
      tpu.wait_dma2 semaphore(%run_scoped3A_36 : memref<!tpu.dma_semaphore, #tpu.memory_space<semaphore_mem>>) src(%arg3 : memref<10240xf32, #tpu.memory_space<hbm>>) dst(%arg7 : memref<10240xf32, #tpu.memory_space<vmem>>)
      tpu.yield
    }) : () -> ()
    "tpu.region"() ({
      %run_scoped3A_36 = tpu.sem_alloc : memref<!tpu.dma_semaphore, #tpu.memory_space<semaphore_mem>>
      %dma_start3A = arith.constant 0 : i32
      %dma_start3A_37 = tpu.memref_slice %arg4[%dma_start3A, %min3A_21] : memref<2x320000xi32, #tpu.memory_space<hbm>> -> memref<2x10240xi32, #tpu.memory_space<hbm>>
      %dma_start3A_38 = arith.constant 0 : i32
      %dma_start3A_39 = tpu.memref_slice %arg4[%dma_start3A_38, %min3A_21] : memref<2x320000xi32, #tpu.memory_space<hbm>> -> memref<2x10240xi32, #tpu.memory_space<hbm>>
      tpu.enqueue_dma source(%dma_start3A_39 : memref<2x10240xi32, #tpu.memory_space<hbm>>) target(%arg8 : memref<2x10240xi32, #tpu.memory_space<vmem>>) target_semaphore(%run_scoped3A_36 : memref<!tpu.dma_semaphore, #tpu.memory_space<semaphore_mem>>)
      %dma_wait3A = arith.constant 0 : i32
      %dma_wait3A_40 = tpu.memref_slice %arg4[%dma_wait3A, %min3A_21] : memref<2x320000xi32, #tpu.memory_space<hbm>> -> memref<2x10240xi32, #tpu.memory_space<hbm>>
      %dma_wait3A_41 = arith.constant 0 : i32
      %dma_wait3A_42 = tpu.memref_slice %arg4[%dma_wait3A_41, %min3A_21] : memref<2x320000xi32, #tpu.memory_space<hbm>> -> memref<2x10240xi32, #tpu.memory_space<hbm>>
      tpu.wait_dma2 semaphore(%run_scoped3A_36 : memref<!tpu.dma_semaphore, #tpu.memory_space<semaphore_mem>>) src(%dma_wait3A_42 : memref<2x10240xi32, #tpu.memory_space<hbm>>) dst(%arg8 : memref<2x10240xi32, #tpu.memory_space<vmem>>)
      tpu.yield
    }) : () -> ()
    %broadcast_in_dim3A = arith.constant 0.000000e+00 : f32
    %broadcast_in_dim3A_23 = vector.broadcast %broadcast_in_dim3A : f32 to vector<16xf32>
    %scan3A = arith.constant 0 : i32
    %scan3A_24 = arith.constant 0 : i32
    %scan3A_25 = arith.constant 640 : i32
    %scan3A_26 = arith.addi %scan3A_24, %scan3A_25 : i32
    %scan3A_27 = arith.constant 1 : i32
    scf.for %scan3A_36 = %scan3A_24 to %scan3A_26 step %scan3A_27  : i32 {
      %mul3A_37 = arith.constant 16 : i32
      %mul3A_38 = arith.muli %scan3A_36, %mul3A_37 : i32
      %swap3A = arith.index_cast %mul3A_38 : i32 to index
      %swap3A_39 = tpu.vector_load %arg9[%swap3A] {strides = array<i32>} : memref<10240xf32, #tpu.memory_space<vmem>>, vector<16xf32>,
      tpu.vector_store %arg9[%swap3A], %broadcast_in_dim3A_23 {strides = array<i32>} : memref<10240xf32, #tpu.memory_space<vmem>>, vector<16xf32>,
      %mul3A_40 = arith.constant 16 : i32
      %mul3A_41 = arith.muli %scan3A_36, %mul3A_40 : i32
      %swap3A_42 = arith.index_cast %mul3A_41 : i32 to index
      %swap3A_43 = tpu.vector_load %arg10[%swap3A_42] {strides = array<i32>} : memref<10240xf32, #tpu.memory_space<vmem>>, vector<16xf32>,
      tpu.vector_store %arg10[%swap3A_42], %broadcast_in_dim3A_23 {strides = array<i32>} : memref<10240xf32, #tpu.memory_space<vmem>>, vector<16xf32>,
    }
    %scan3A_28 = arith.constant 640 : i32
    %scan3A_29 = arith.constant 0 : i32
    %scan3A_30 = arith.constant 0 : i32
    %scan3A_31 = arith.constant 125 : i32
    %scan3A_32 = arith.addi %scan3A_30, %scan3A_31 : i32
    %scan3A_33 = arith.constant 1 : i32
    scf.for %scan3A_36 = %scan3A_30 to %scan3A_32 step %scan3A_33  : i32 {
      %mul3A_37 = arith.constant 5 : i32
      %mul3A_38 = arith.muli %scan3A_36, %mul3A_37 : i32
      %add3A_39 = arith.constant 0 : i32
      %add3A_40 = arith.addi %mul3A_38, %add3A_39 : i32
      %mul3A_41 = arith.constant 16 : i32
      %mul3A_42 = arith.muli %add3A_40, %mul3A_41 : i32
      %add3A_43 = arith.addi %sub3A_22, %mul3A_42 : i32
      %get3A = arith.constant 0 : i32
      %get3A_44 = arith.index_cast %get3A : i32 to index
      %get3A_45 = arith.index_cast %add3A_43 : i32 to index
      %get3A_46 = tpu.vector_load %arg8[%get3A_44, %get3A_45] {strides = array<i32>} : memref<2x10240xi32, #tpu.memory_space<vmem>>, vector<16xi32>,
      %get3A_47 = arith.constant 1 : i32
      %get3A_48 = arith.index_cast %get3A_47 : i32 to index
      %get3A_49 = arith.index_cast %add3A_43 : i32 to index
      %get3A_50 = tpu.vector_load %arg8[%get3A_48, %get3A_49] {strides = array<i32>} : memref<2x10240xi32, #tpu.memory_space<vmem>>, vector<16xi32>,
      %broadcast_in_dim3A_51 = arith.constant 0 : i32
      %broadcast_in_dim3A_52 = vector.broadcast %broadcast_in_dim3A_51 : i32 to vector<16xi32>
      %broadcast_in_dim3A_53 = arith.constant 1 : i32
      %broadcast_in_dim3A_54 = vector.broadcast %broadcast_in_dim3A_53 : i32 to vector<16xi32>
      %gather3A = tpu.vector_load_idx %arg6[%broadcast_in_dim3A_52, %get3A_46] : memref<2x10240xf32, #tpu.memory_space<vmem>>[vector<16xi32>, vector<16xi32>], vector<16xf32>,
      %gather3A_55 = tpu.vector_load_idx %arg6[%broadcast_in_dim3A_54, %get3A_46] : memref<2x10240xf32, #tpu.memory_space<vmem>>[vector<16xi32>, vector<16xi32>], vector<16xf32>,
      %gather3A_56 = tpu.vector_load_idx %arg6[%broadcast_in_dim3A_52, %get3A_50] : memref<2x10240xf32, #tpu.memory_space<vmem>>[vector<16xi32>, vector<16xi32>], vector<16xf32>,
      %gather3A_57 = tpu.vector_load_idx %arg6[%broadcast_in_dim3A_54, %get3A_50] : memref<2x10240xf32, #tpu.memory_space<vmem>>[vector<16xi32>, vector<16xi32>], vector<16xf32>,
      %gather3A_58 = tpu.vector_load_idx %arg7[%get3A_46] : memref<10240xf32, #tpu.memory_space<vmem>>[vector<16xi32>], vector<16xf32>,
      %sub3A_59 = arith.subf %gather3A, %gather3A_56 : vector<16xf32>
      %sub3A_60 = arith.subf %gather3A_55, %gather3A_57 : vector<16xf32>
      %mul3A_61 = arith.mulf %sub3A_59, %sub3A_59 : vector<16xf32>
      %mul3A_62 = arith.mulf %sub3A_60, %sub3A_60 : vector<16xf32>
      %add3A_63 = arith.addf %mul3A_61, %mul3A_62 : vector<16xf32>
      %add3A_64 = arith.constant 9.99999968E-21 : f32
      %add3A_65 = vector.broadcast %add3A_64 : f32 to vector<16xf32>
      %add3A_66 = arith.addf %add3A_63, %add3A_65 : vector<16xf32>
      %bitcast3A = vector.bitcast %add3A_66 : vector<16xf32> to vector<16xi32>
      %shift_right_arithmetic3A = arith.constant 1 : i32
      %shift_right_arithmetic3A_67 = vector.broadcast %shift_right_arithmetic3A : i32 to vector<16xi32>
      %shift_right_arithmetic3A_68 = arith.shrsi %bitcast3A, %shift_right_arithmetic3A_67 : vector<16xi32>
      %sub3A_69 = arith.constant 1597463007 : i32
      %sub3A_70 = vector.broadcast %sub3A_69 : i32 to vector<16xi32>
      %sub3A_71 = arith.subi %sub3A_70, %shift_right_arithmetic3A_68 : vector<16xi32>
      %bitcast3A_72 = vector.bitcast %sub3A_71 : vector<16xi32> to vector<16xf32>
      %mul3A_73 = arith.constant 5.000000e-01 : f32
      %mul3A_74 = vector.broadcast %mul3A_73 : f32 to vector<16xf32>
      %mul3A_75 = arith.mulf %mul3A_74, %add3A_66 : vector<16xf32>
      %mul3A_76 = arith.mulf %mul3A_75, %bitcast3A_72 : vector<16xf32>
      %mul3A_77 = arith.mulf %mul3A_76, %bitcast3A_72 : vector<16xf32>
      %sub3A_78 = arith.constant 1.500000e+00 : f32
      %sub3A_79 = vector.broadcast %sub3A_78 : f32 to vector<16xf32>
      %sub3A_80 = arith.subf %sub3A_79, %mul3A_77 : vector<16xf32>
      %mul3A_81 = arith.mulf %bitcast3A_72, %sub3A_80 : vector<16xf32>
      %mul3A_82 = arith.mulf %mul3A_75, %mul3A_81 : vector<16xf32>
      %mul3A_83 = arith.mulf %mul3A_82, %mul3A_81 : vector<16xf32>
      %sub3A_84 = arith.constant 1.500000e+00 : f32
      %sub3A_85 = vector.broadcast %sub3A_84 : f32 to vector<16xf32>
      %sub3A_86 = arith.subf %sub3A_85, %mul3A_83 : vector<16xf32>
      %mul3A_87 = arith.mulf %mul3A_81, %sub3A_86 : vector<16xf32>
      %mul3A_88 = arith.mulf %add3A_66, %mul3A_87 : vector<16xf32>
      %add3A_89 = arith.constant 0.00999999977 : f32
      %add3A_90 = vector.broadcast %add3A_89 : f32 to vector<16xf32>
      %add3A_91 = arith.addf %mul3A_88, %add3A_90 : vector<16xf32>
      %neg3A = arith.constant 0.000000e+00 : f32
      %neg3A_92 = vector.broadcast %neg3A : f32 to vector<16xf32>
      %neg3A_93 = arith.subf %neg3A_92, %add3A_91 : vector<16xf32>
      %mul3A_94 = arith.mulf %neg3A_93, %gather3A_58 : vector<16xf32>
      %mul3A_95 = arith.mulf %mul3A_94, %sub3A_59 : vector<16xf32>
      %mul3A_96 = arith.mulf %mul3A_94, %sub3A_60 : vector<16xf32>
      tpu.vector_store_idx %arg9[%get3A_46], %mul3A_95 {add = true} : memref<10240xf32, #tpu.memory_space<vmem>>[vector<16xi32>], vector<16xf32>,
      tpu.vector_store_idx %arg10[%get3A_46], %mul3A_96 {add = true} : memref<10240xf32, #tpu.memory_space<vmem>>[vector<16xi32>], vector<16xf32>,
      %neg3A_97 = arith.constant 0.000000e+00 : f32
      %neg3A_98 = vector.broadcast %neg3A_97 : f32 to vector<16xf32>
      %neg3A_99 = arith.subf %neg3A_98, %mul3A_95 : vector<16xf32>
      tpu.vector_store_idx %arg9[%get3A_50], %neg3A_99 {add = true} : memref<10240xf32, #tpu.memory_space<vmem>>[vector<16xi32>], vector<16xf32>,
      %neg3A_100 = arith.constant 0.000000e+00 : f32
      %neg3A_101 = vector.broadcast %neg3A_100 : f32 to vector<16xf32>
      %neg3A_102 = arith.subf %neg3A_101, %mul3A_96 : vector<16xf32>
      tpu.vector_store_idx %arg10[%get3A_50], %neg3A_102 {add = true} : memref<10240xf32, #tpu.memory_space<vmem>>[vector<16xi32>], vector<16xf32>,
      %mul3A_103 = arith.constant 5 : i32
      %mul3A_104 = arith.muli %scan3A_36, %mul3A_103 : i32
      %add3A_105 = arith.constant 1 : i32
      %add3A_106 = arith.addi %mul3A_104, %add3A_105 : i32
      %mul3A_107 = arith.constant 16 : i32
      %mul3A_108 = arith.muli %add3A_106, %mul3A_107 : i32
      %add3A_109 = arith.addi %sub3A_22, %mul3A_108 : i32
      %get3A_110 = arith.constant 0 : i32
      %get3A_111 = arith.index_cast %get3A_110 : i32 to index
      %get3A_112 = arith.index_cast %add3A_109 : i32 to index
      %get3A_113 = tpu.vector_load %arg8[%get3A_111, %get3A_112] {strides = array<i32>} : memref<2x10240xi32, #tpu.memory_space<vmem>>, vector<16xi32>,
      %get3A_114 = arith.constant 1 : i32
      %get3A_115 = arith.index_cast %get3A_114 : i32 to index
      %get3A_116 = arith.index_cast %add3A_109 : i32 to index
      %get3A_117 = tpu.vector_load %arg8[%get3A_115, %get3A_116] {strides = array<i32>} : memref<2x10240xi32, #tpu.memory_space<vmem>>, vector<16xi32>,
      %broadcast_in_dim3A_118 = arith.constant 0 : i32
      %broadcast_in_dim3A_119 = vector.broadcast %broadcast_in_dim3A_118 : i32 to vector<16xi32>
      %broadcast_in_dim3A_120 = arith.constant 1 : i32
      %broadcast_in_dim3A_121 = vector.broadcast %broadcast_in_dim3A_120 : i32 to vector<16xi32>
      %gather3A_122 = tpu.vector_load_idx %arg6[%broadcast_in_dim3A_119, %get3A_113] : memref<2x10240xf32, #tpu.memory_space<vmem>>[vector<16xi32>, vector<16xi32>], vector<16xf32>,
      %gather3A_123 = tpu.vector_load_idx %arg6[%broadcast_in_dim3A_121, %get3A_113] : memref<2x10240xf32, #tpu.memory_space<vmem>>[vector<16xi32>, vector<16xi32>], vector<16xf32>,
      %gather3A_124 = tpu.vector_load_idx %arg6[%broadcast_in_dim3A_119, %get3A_117] : memref<2x10240xf32, #tpu.memory_space<vmem>>[vector<16xi32>, vector<16xi32>], vector<16xf32>,
      %gather3A_125 = tpu.vector_load_idx %arg6[%broadcast_in_dim3A_121, %get3A_117] : memref<2x10240xf32, #tpu.memory_space<vmem>>[vector<16xi32>, vector<16xi32>], vector<16xf32>,
      %gather3A_126 = tpu.vector_load_idx %arg7[%get3A_113] : memref<10240xf32, #tpu.memory_space<vmem>>[vector<16xi32>], vector<16xf32>,
      %sub3A_127 = arith.subf %gather3A_122, %gather3A_124 : vector<16xf32>
      %sub3A_128 = arith.subf %gather3A_123, %gather3A_125 : vector<16xf32>
      %mul3A_129 = arith.mulf %sub3A_127, %sub3A_127 : vector<16xf32>
      %mul3A_130 = arith.mulf %sub3A_128, %sub3A_128 : vector<16xf32>
      %add3A_131 = arith.addf %mul3A_129, %mul3A_130 : vector<16xf32>
      %add3A_132 = arith.constant 9.99999968E-21 : f32
      %add3A_133 = vector.broadcast %add3A_132 : f32 to vector<16xf32>
      %add3A_134 = arith.addf %add3A_131, %add3A_133 : vector<16xf32>
      %bitcast3A_135 = vector.bitcast %add3A_134 : vector<16xf32> to vector<16xi32>
      %shift_right_arithmetic3A_136 = arith.constant 1 : i32
      %shift_right_arithmetic3A_137 = vector.broadcast %shift_right_arithmetic3A_136 : i32 to vector<16xi32>
      %shift_right_arithmetic3A_138 = arith.shrsi %bitcast3A_135, %shift_right_arithmetic3A_137 : vector<16xi32>
      %sub3A_139 = arith.constant 1597463007 : i32
      %sub3A_140 = vector.broadcast %sub3A_139 : i32 to vector<16xi32>
      %sub3A_141 = arith.subi %sub3A_140, %shift_right_arithmetic3A_138 : vector<16xi32>
      %bitcast3A_142 = vector.bitcast %sub3A_141 : vector<16xi32> to vector<16xf32>
      %mul3A_143 = arith.constant 5.000000e-01 : f32
      %mul3A_144 = vector.broadcast %mul3A_143 : f32 to vector<16xf32>
      %mul3A_145 = arith.mulf %mul3A_144, %add3A_134 : vector<16xf32>
      %mul3A_146 = arith.mulf %mul3A_145, %bitcast3A_142 : vector<16xf32>
      %mul3A_147 = arith.mulf %mul3A_146, %bitcast3A_142 : vector<16xf32>
      %sub3A_148 = arith.constant 1.500000e+00 : f32
      %sub3A_149 = vector.broadcast %sub3A_148 : f32 to vector<16xf32>
      %sub3A_150 = arith.subf %sub3A_149, %mul3A_147 : vector<16xf32>
      %mul3A_151 = arith.mulf %bitcast3A_142, %sub3A_150 : vector<16xf32>
      %mul3A_152 = arith.mulf %mul3A_145, %mul3A_151 : vector<16xf32>
      %mul3A_153 = arith.mulf %mul3A_152, %mul3A_151 : vector<16xf32>
      %sub3A_154 = arith.constant 1.500000e+00 : f32
      %sub3A_155 = vector.broadcast %sub3A_154 : f32 to vector<16xf32>
      %sub3A_156 = arith.subf %sub3A_155, %mul3A_153 : vector<16xf32>
      %mul3A_157 = arith.mulf %mul3A_151, %sub3A_156 : vector<16xf32>
      %mul3A_158 = arith.mulf %add3A_134, %mul3A_157 : vector<16xf32>
      %add3A_159 = arith.constant 0.00999999977 : f32
      %add3A_160 = vector.broadcast %add3A_159 : f32 to vector<16xf32>
      %add3A_161 = arith.addf %mul3A_158, %add3A_160 : vector<16xf32>
      %neg3A_162 = arith.constant 0.000000e+00 : f32
      %neg3A_163 = vector.broadcast %neg3A_162 : f32 to vector<16xf32>
      %neg3A_164 = arith.subf %neg3A_163, %add3A_161 : vector<16xf32>
      %mul3A_165 = arith.mulf %neg3A_164, %gather3A_126 : vector<16xf32>
      %mul3A_166 = arith.mulf %mul3A_165, %sub3A_127 : vector<16xf32>
      %mul3A_167 = arith.mulf %mul3A_165, %sub3A_128 : vector<16xf32>
      tpu.vector_store_idx %arg9[%get3A_113], %mul3A_166 {add = true} : memref<10240xf32, #tpu.memory_space<vmem>>[vector<16xi32>], vector<16xf32>,
      tpu.vector_store_idx %arg10[%get3A_113], %mul3A_167 {add = true} : memref<10240xf32, #tpu.memory_space<vmem>>[vector<16xi32>], vector<16xf32>,
      %neg3A_168 = arith.constant 0.000000e+00 : f32
      %neg3A_169 = vector.broadcast %neg3A_168 : f32 to vector<16xf32>
      %neg3A_170 = arith.subf %neg3A_169, %mul3A_166 : vector<16xf32>
      tpu.vector_store_idx %arg9[%get3A_117], %neg3A_170 {add = true} : memref<10240xf32, #tpu.memory_space<vmem>>[vector<16xi32>], vector<16xf32>,
      %neg3A_171 = arith.constant 0.000000e+00 : f32
      %neg3A_172 = vector.broadcast %neg3A_171 : f32 to vector<16xf32>
      %neg3A_173 = arith.subf %neg3A_172, %mul3A_167 : vector<16xf32>
      tpu.vector_store_idx %arg10[%get3A_117], %neg3A_173 {add = true} : memref<10240xf32, #tpu.memory_space<vmem>>[vector<16xi32>], vector<16xf32>,
      %mul3A_174 = arith.constant 5 : i32
      %mul3A_175 = arith.muli %scan3A_36, %mul3A_174 : i32
      %add3A_176 = arith.constant 2 : i32
      %add3A_177 = arith.addi %mul3A_175, %add3A_176 : i32
      %mul3A_178 = arith.constant 16 : i32
      %mul3A_179 = arith.muli %add3A_177, %mul3A_178 : i32
      %add3A_180 = arith.addi %sub3A_22, %mul3A_179 : i32
      %get3A_181 = arith.constant 0 : i32
      %get3A_182 = arith.index_cast %get3A_181 : i32 to index
      %get3A_183 = arith.index_cast %add3A_180 : i32 to index
      %get3A_184 = tpu.vector_load %arg8[%get3A_182, %get3A_183] {strides = array<i32>} : memref<2x10240xi32, #tpu.memory_space<vmem>>, vector<16xi32>,
      %get3A_185 = arith.constant 1 : i32
      %get3A_186 = arith.index_cast %get3A_185 : i32 to index
      %get3A_187 = arith.index_cast %add3A_180 : i32 to index
      %get3A_188 = tpu.vector_load %arg8[%get3A_186, %get3A_187] {strides = array<i32>} : memref<2x10240xi32, #tpu.memory_space<vmem>>, vector<16xi32>,
      %broadcast_in_dim3A_189 = arith.constant 0 : i32
      %broadcast_in_dim3A_190 = vector.broadcast %broadcast_in_dim3A_189 : i32 to vector<16xi32>
      %broadcast_in_dim3A_191 = arith.constant 1 : i32
      %broadcast_in_dim3A_192 = vector.broadcast %broadcast_in_dim3A_191 : i32 to vector<16xi32>
      %gather3A_193 = tpu.vector_load_idx %arg6[%broadcast_in_dim3A_190, %get3A_184] : memref<2x10240xf32, #tpu.memory_space<vmem>>[vector<16xi32>, vector<16xi32>], vector<16xf32>,
      %gather3A_194 = tpu.vector_load_idx %arg6[%broadcast_in_dim3A_192, %get3A_184] : memref<2x10240xf32, #tpu.memory_space<vmem>>[vector<16xi32>, vector<16xi32>], vector<16xf32>,
      %gather3A_195 = tpu.vector_load_idx %arg6[%broadcast_in_dim3A_190, %get3A_188] : memref<2x10240xf32, #tpu.memory_space<vmem>>[vector<16xi32>, vector<16xi32>], vector<16xf32>,
      %gather3A_196 = tpu.vector_load_idx %arg6[%broadcast_in_dim3A_192, %get3A_188] : memref<2x10240xf32, #tpu.memory_space<vmem>>[vector<16xi32>, vector<16xi32>], vector<16xf32>,
      %gather3A_197 = tpu.vector_load_idx %arg7[%get3A_184] : memref<10240xf32, #tpu.memory_space<vmem>>[vector<16xi32>], vector<16xf32>,
      %sub3A_198 = arith.subf %gather3A_193, %gather3A_195 : vector<16xf32>
      %sub3A_199 = arith.subf %gather3A_194, %gather3A_196 : vector<16xf32>
      %mul3A_200 = arith.mulf %sub3A_198, %sub3A_198 : vector<16xf32>
      %mul3A_201 = arith.mulf %sub3A_199, %sub3A_199 : vector<16xf32>
      %add3A_202 = arith.addf %mul3A_200, %mul3A_201 : vector<16xf32>
      %add3A_203 = arith.constant 9.99999968E-21 : f32
      %add3A_204 = vector.broadcast %add3A_203 : f32 to vector<16xf32>
      %add3A_205 = arith.addf %add3A_202, %add3A_204 : vector<16xf32>
      %bitcast3A_206 = vector.bitcast %add3A_205 : vector<16xf32> to vector<16xi32>
      %shift_right_arithmetic3A_207 = arith.constant 1 : i32
      %shift_right_arithmetic3A_208 = vector.broadcast %shift_right_arithmetic3A_207 : i32 to vector<16xi32>
      %shift_right_arithmetic3A_209 = arith.shrsi %bitcast3A_206, %shift_right_arithmetic3A_208 : vector<16xi32>
      %sub3A_210 = arith.constant 1597463007 : i32
      %sub3A_211 = vector.broadcast %sub3A_210 : i32 to vector<16xi32>
      %sub3A_212 = arith.subi %sub3A_211, %shift_right_arithmetic3A_209 : vector<16xi32>
      %bitcast3A_213 = vector.bitcast %sub3A_212 : vector<16xi32> to vector<16xf32>
      %mul3A_214 = arith.constant 5.000000e-01 : f32
      %mul3A_215 = vector.broadcast %mul3A_214 : f32 to vector<16xf32>
      %mul3A_216 = arith.mulf %mul3A_215, %add3A_205 : vector<16xf32>
      %mul3A_217 = arith.mulf %mul3A_216, %bitcast3A_213 : vector<16xf32>
      %mul3A_218 = arith.mulf %mul3A_217, %bitcast3A_213 : vector<16xf32>
      %sub3A_219 = arith.constant 1.500000e+00 : f32
      %sub3A_220 = vector.broadcast %sub3A_219 : f32 to vector<16xf32>
      %sub3A_221 = arith.subf %sub3A_220, %mul3A_218 : vector<16xf32>
      %mul3A_222 = arith.mulf %bitcast3A_213, %sub3A_221 : vector<16xf32>
      %mul3A_223 = arith.mulf %mul3A_216, %mul3A_222 : vector<16xf32>
      %mul3A_224 = arith.mulf %mul3A_223, %mul3A_222 : vector<16xf32>
      %sub3A_225 = arith.constant 1.500000e+00 : f32
      %sub3A_226 = vector.broadcast %sub3A_225 : f32 to vector<16xf32>
      %sub3A_227 = arith.subf %sub3A_226, %mul3A_224 : vector<16xf32>
      %mul3A_228 = arith.mulf %mul3A_222, %sub3A_227 : vector<16xf32>
      %mul3A_229 = arith.mulf %add3A_205, %mul3A_228 : vector<16xf32>
      %add3A_230 = arith.constant 0.00999999977 : f32
      %add3A_231 = vector.broadcast %add3A_230 : f32 to vector<16xf32>
      %add3A_232 = arith.addf %mul3A_229, %add3A_231 : vector<16xf32>
      %neg3A_233 = arith.constant 0.000000e+00 : f32
      %neg3A_234 = vector.broadcast %neg3A_233 : f32 to vector<16xf32>
      %neg3A_235 = arith.subf %neg3A_234, %add3A_232 : vector<16xf32>
      %mul3A_236 = arith.mulf %neg3A_235, %gather3A_197 : vector<16xf32>
      %mul3A_237 = arith.mulf %mul3A_236, %sub3A_198 : vector<16xf32>
      %mul3A_238 = arith.mulf %mul3A_236, %sub3A_199 : vector<16xf32>
      tpu.vector_store_idx %arg9[%get3A_184], %mul3A_237 {add = true} : memref<10240xf32, #tpu.memory_space<vmem>>[vector<16xi32>], vector<16xf32>,
      tpu.vector_store_idx %arg10[%get3A_184], %mul3A_238 {add = true} : memref<10240xf32, #tpu.memory_space<vmem>>[vector<16xi32>], vector<16xf32>,
      %neg3A_239 = arith.constant 0.000000e+00 : f32
      %neg3A_240 = vector.broadcast %neg3A_239 : f32 to vector<16xf32>
      %neg3A_241 = arith.subf %neg3A_240, %mul3A_237 : vector<16xf32>
      tpu.vector_store_idx %arg9[%get3A_188], %neg3A_241 {add = true} : memref<10240xf32, #tpu.memory_space<vmem>>[vector<16xi32>], vector<16xf32>,
      %neg3A_242 = arith.constant 0.000000e+00 : f32
      %neg3A_243 = vector.broadcast %neg3A_242 : f32 to vector<16xf32>
      %neg3A_244 = arith.subf %neg3A_243, %mul3A_238 : vector<16xf32>
      tpu.vector_store_idx %arg10[%get3A_188], %neg3A_244 {add = true} : memref<10240xf32, #tpu.memory_space<vmem>>[vector<16xi32>], vector<16xf32>,
      %mul3A_245 = arith.constant 5 : i32
      %mul3A_246 = arith.muli %scan3A_36, %mul3A_245 : i32
      %add3A_247 = arith.constant 3 : i32
      %add3A_248 = arith.addi %mul3A_246, %add3A_247 : i32
      %mul3A_249 = arith.constant 16 : i32
      %mul3A_250 = arith.muli %add3A_248, %mul3A_249 : i32
      %add3A_251 = arith.addi %sub3A_22, %mul3A_250 : i32
      %get3A_252 = arith.constant 0 : i32
      %get3A_253 = arith.index_cast %get3A_252 : i32 to index
      %get3A_254 = arith.index_cast %add3A_251 : i32 to index
      %get3A_255 = tpu.vector_load %arg8[%get3A_253, %get3A_254] {strides = array<i32>} : memref<2x10240xi32, #tpu.memory_space<vmem>>, vector<16xi32>,
      %get3A_256 = arith.constant 1 : i32
      %get3A_257 = arith.index_cast %get3A_256 : i32 to index
      %get3A_258 = arith.index_cast %add3A_251 : i32 to index
      %get3A_259 = tpu.vector_load %arg8[%get3A_257, %get3A_258] {strides = array<i32>} : memref<2x10240xi32, #tpu.memory_space<vmem>>, vector<16xi32>,
      %broadcast_in_dim3A_260 = arith.constant 0 : i32
      %broadcast_in_dim3A_261 = vector.broadcast %broadcast_in_dim3A_260 : i32 to vector<16xi32>
      %broadcast_in_dim3A_262 = arith.constant 1 : i32
      %broadcast_in_dim3A_263 = vector.broadcast %broadcast_in_dim3A_262 : i32 to vector<16xi32>
      %gather3A_264 = tpu.vector_load_idx %arg6[%broadcast_in_dim3A_261, %get3A_255] : memref<2x10240xf32, #tpu.memory_space<vmem>>[vector<16xi32>, vector<16xi32>], vector<16xf32>,
      %gather3A_265 = tpu.vector_load_idx %arg6[%broadcast_in_dim3A_263, %get3A_255] : memref<2x10240xf32, #tpu.memory_space<vmem>>[vector<16xi32>, vector<16xi32>], vector<16xf32>,
      %gather3A_266 = tpu.vector_load_idx %arg6[%broadcast_in_dim3A_261, %get3A_259] : memref<2x10240xf32, #tpu.memory_space<vmem>>[vector<16xi32>, vector<16xi32>], vector<16xf32>,
      %gather3A_267 = tpu.vector_load_idx %arg6[%broadcast_in_dim3A_263, %get3A_259] : memref<2x10240xf32, #tpu.memory_space<vmem>>[vector<16xi32>, vector<16xi32>], vector<16xf32>,
      %gather3A_268 = tpu.vector_load_idx %arg7[%get3A_255] : memref<10240xf32, #tpu.memory_space<vmem>>[vector<16xi32>], vector<16xf32>,
      %sub3A_269 = arith.subf %gather3A_264, %gather3A_266 : vector<16xf32>
      %sub3A_270 = arith.subf %gather3A_265, %gather3A_267 : vector<16xf32>
      %mul3A_271 = arith.mulf %sub3A_269, %sub3A_269 : vector<16xf32>
      %mul3A_272 = arith.mulf %sub3A_270, %sub3A_270 : vector<16xf32>
      %add3A_273 = arith.addf %mul3A_271, %mul3A_272 : vector<16xf32>
      %add3A_274 = arith.constant 9.99999968E-21 : f32
      %add3A_275 = vector.broadcast %add3A_274 : f32 to vector<16xf32>
      %add3A_276 = arith.addf %add3A_273, %add3A_275 : vector<16xf32>
      %bitcast3A_277 = vector.bitcast %add3A_276 : vector<16xf32> to vector<16xi32>
      %shift_right_arithmetic3A_278 = arith.constant 1 : i32
      %shift_right_arithmetic3A_279 = vector.broadcast %shift_right_arithmetic3A_278 : i32 to vector<16xi32>
      %shift_right_arithmetic3A_280 = arith.shrsi %bitcast3A_277, %shift_right_arithmetic3A_279 : vector<16xi32>
      %sub3A_281 = arith.constant 1597463007 : i32
      %sub3A_282 = vector.broadcast %sub3A_281 : i32 to vector<16xi32>
      %sub3A_283 = arith.subi %sub3A_282, %shift_right_arithmetic3A_280 : vector<16xi32>
      %bitcast3A_284 = vector.bitcast %sub3A_283 : vector<16xi32> to vector<16xf32>
      %mul3A_285 = arith.constant 5.000000e-01 : f32
      %mul3A_286 = vector.broadcast %mul3A_285 : f32 to vector<16xf32>
      %mul3A_287 = arith.mulf %mul3A_286, %add3A_276 : vector<16xf32>
      %mul3A_288 = arith.mulf %mul3A_287, %bitcast3A_284 : vector<16xf32>
      %mul3A_289 = arith.mulf %mul3A_288, %bitcast3A_284 : vector<16xf32>
      %sub3A_290 = arith.constant 1.500000e+00 : f32
      %sub3A_291 = vector.broadcast %sub3A_290 : f32 to vector<16xf32>
      %sub3A_292 = arith.subf %sub3A_291, %mul3A_289 : vector<16xf32>
      %mul3A_293 = arith.mulf %bitcast3A_284, %sub3A_292 : vector<16xf32>
      %mul3A_294 = arith.mulf %mul3A_287, %mul3A_293 : vector<16xf32>
      %mul3A_295 = arith.mulf %mul3A_294, %mul3A_293 : vector<16xf32>
      %sub3A_296 = arith.constant 1.500000e+00 : f32
      %sub3A_297 = vector.broadcast %sub3A_296 : f32 to vector<16xf32>
      %sub3A_298 = arith.subf %sub3A_297, %mul3A_295 : vector<16xf32>
      %mul3A_299 = arith.mulf %mul3A_293, %sub3A_298 : vector<16xf32>
      %mul3A_300 = arith.mulf %add3A_276, %mul3A_299 : vector<16xf32>
      %add3A_301 = arith.constant 0.00999999977 : f32
      %add3A_302 = vector.broadcast %add3A_301 : f32 to vector<16xf32>
      %add3A_303 = arith.addf %mul3A_300, %add3A_302 : vector<16xf32>
      %neg3A_304 = arith.constant 0.000000e+00 : f32
      %neg3A_305 = vector.broadcast %neg3A_304 : f32 to vector<16xf32>
      %neg3A_306 = arith.subf %neg3A_305, %add3A_303 : vector<16xf32>
      %mul3A_307 = arith.mulf %neg3A_306, %gather3A_268 : vector<16xf32>
      %mul3A_308 = arith.mulf %mul3A_307, %sub3A_269 : vector<16xf32>
      %mul3A_309 = arith.mulf %mul3A_307, %sub3A_270 : vector<16xf32>
      tpu.vector_store_idx %arg9[%get3A_255], %mul3A_308 {add = true} : memref<10240xf32, #tpu.memory_space<vmem>>[vector<16xi32>], vector<16xf32>,
      tpu.vector_store_idx %arg10[%get3A_255], %mul3A_309 {add = true} : memref<10240xf32, #tpu.memory_space<vmem>>[vector<16xi32>], vector<16xf32>,
      %neg3A_310 = arith.constant 0.000000e+00 : f32
      %neg3A_311 = vector.broadcast %neg3A_310 : f32 to vector<16xf32>
      %neg3A_312 = arith.subf %neg3A_311, %mul3A_308 : vector<16xf32>
      tpu.vector_store_idx %arg9[%get3A_259], %neg3A_312 {add = true} : memref<10240xf32, #tpu.memory_space<vmem>>[vector<16xi32>], vector<16xf32>,
      %neg3A_313 = arith.constant 0.000000e+00 : f32
      %neg3A_314 = vector.broadcast %neg3A_313 : f32 to vector<16xf32>
      %neg3A_315 = arith.subf %neg3A_314, %mul3A_309 : vector<16xf32>
      tpu.vector_store_idx %arg10[%get3A_259], %neg3A_315 {add = true} : memref<10240xf32, #tpu.memory_space<vmem>>[vector<16xi32>], vector<16xf32>,
      %mul3A_316 = arith.constant 5 : i32
      %mul3A_317 = arith.muli %scan3A_36, %mul3A_316 : i32
      %add3A_318 = arith.constant 4 : i32
      %add3A_319 = arith.addi %mul3A_317, %add3A_318 : i32
      %mul3A_320 = arith.constant 16 : i32
      %mul3A_321 = arith.muli %add3A_319, %mul3A_320 : i32
      %add3A_322 = arith.addi %sub3A_22, %mul3A_321 : i32
      %get3A_323 = arith.constant 0 : i32
      %get3A_324 = arith.index_cast %get3A_323 : i32 to index
      %get3A_325 = arith.index_cast %add3A_322 : i32 to index
      %get3A_326 = tpu.vector_load %arg8[%get3A_324, %get3A_325] {strides = array<i32>} : memref<2x10240xi32, #tpu.memory_space<vmem>>, vector<16xi32>,
      %get3A_327 = arith.constant 1 : i32
      %get3A_328 = arith.index_cast %get3A_327 : i32 to index
      %get3A_329 = arith.index_cast %add3A_322 : i32 to index
      %get3A_330 = tpu.vector_load %arg8[%get3A_328, %get3A_329] {strides = array<i32>} : memref<2x10240xi32, #tpu.memory_space<vmem>>, vector<16xi32>,
      %broadcast_in_dim3A_331 = arith.constant 0 : i32
      %broadcast_in_dim3A_332 = vector.broadcast %broadcast_in_dim3A_331 : i32 to vector<16xi32>
      %broadcast_in_dim3A_333 = arith.constant 1 : i32
      %broadcast_in_dim3A_334 = vector.broadcast %broadcast_in_dim3A_333 : i32 to vector<16xi32>
      %gather3A_335 = tpu.vector_load_idx %arg6[%broadcast_in_dim3A_332, %get3A_326] : memref<2x10240xf32, #tpu.memory_space<vmem>>[vector<16xi32>, vector<16xi32>], vector<16xf32>,
      %gather3A_336 = tpu.vector_load_idx %arg6[%broadcast_in_dim3A_334, %get3A_326] : memref<2x10240xf32, #tpu.memory_space<vmem>>[vector<16xi32>, vector<16xi32>], vector<16xf32>,
      %gather3A_337 = tpu.vector_load_idx %arg6[%broadcast_in_dim3A_332, %get3A_330] : memref<2x10240xf32, #tpu.memory_space<vmem>>[vector<16xi32>, vector<16xi32>], vector<16xf32>,
      %gather3A_338 = tpu.vector_load_idx %arg6[%broadcast_in_dim3A_334, %get3A_330] : memref<2x10240xf32, #tpu.memory_space<vmem>>[vector<16xi32>, vector<16xi32>], vector<16xf32>,
      %gather3A_339 = tpu.vector_load_idx %arg7[%get3A_326] : memref<10240xf32, #tpu.memory_space<vmem>>[vector<16xi32>], vector<16xf32>,
      %sub3A_340 = arith.subf %gather3A_335, %gather3A_337 : vector<16xf32>
      %sub3A_341 = arith.subf %gather3A_336, %gather3A_338 : vector<16xf32>
      %mul3A_342 = arith.mulf %sub3A_340, %sub3A_340 : vector<16xf32>
      %mul3A_343 = arith.mulf %sub3A_341, %sub3A_341 : vector<16xf32>
      %add3A_344 = arith.addf %mul3A_342, %mul3A_343 : vector<16xf32>
      %add3A_345 = arith.constant 9.99999968E-21 : f32
      %add3A_346 = vector.broadcast %add3A_345 : f32 to vector<16xf32>
      %add3A_347 = arith.addf %add3A_344, %add3A_346 : vector<16xf32>
      %bitcast3A_348 = vector.bitcast %add3A_347 : vector<16xf32> to vector<16xi32>
      %shift_right_arithmetic3A_349 = arith.constant 1 : i32
      %shift_right_arithmetic3A_350 = vector.broadcast %shift_right_arithmetic3A_349 : i32 to vector<16xi32>
      %shift_right_arithmetic3A_351 = arith.shrsi %bitcast3A_348, %shift_right_arithmetic3A_350 : vector<16xi32>
      %sub3A_352 = arith.constant 1597463007 : i32
      %sub3A_353 = vector.broadcast %sub3A_352 : i32 to vector<16xi32>
      %sub3A_354 = arith.subi %sub3A_353, %shift_right_arithmetic3A_351 : vector<16xi32>
      %bitcast3A_355 = vector.bitcast %sub3A_354 : vector<16xi32> to vector<16xf32>
      %mul3A_356 = arith.constant 5.000000e-01 : f32
      %mul3A_357 = vector.broadcast %mul3A_356 : f32 to vector<16xf32>
      %mul3A_358 = arith.mulf %mul3A_357, %add3A_347 : vector<16xf32>
      %mul3A_359 = arith.mulf %mul3A_358, %bitcast3A_355 : vector<16xf32>
      %mul3A_360 = arith.mulf %mul3A_359, %bitcast3A_355 : vector<16xf32>
      %sub3A_361 = arith.constant 1.500000e+00 : f32
      %sub3A_362 = vector.broadcast %sub3A_361 : f32 to vector<16xf32>
      %sub3A_363 = arith.subf %sub3A_362, %mul3A_360 : vector<16xf32>
      %mul3A_364 = arith.mulf %bitcast3A_355, %sub3A_363 : vector<16xf32>
      %mul3A_365 = arith.mulf %mul3A_358, %mul3A_364 : vector<16xf32>
      %mul3A_366 = arith.mulf %mul3A_365, %mul3A_364 : vector<16xf32>
      %sub3A_367 = arith.constant 1.500000e+00 : f32
      %sub3A_368 = vector.broadcast %sub3A_367 : f32 to vector<16xf32>
      %sub3A_369 = arith.subf %sub3A_368, %mul3A_366 : vector<16xf32>
      %mul3A_370 = arith.mulf %mul3A_364, %sub3A_369 : vector<16xf32>
      %mul3A_371 = arith.mulf %add3A_347, %mul3A_370 : vector<16xf32>
      %add3A_372 = arith.constant 0.00999999977 : f32
      %add3A_373 = vector.broadcast %add3A_372 : f32 to vector<16xf32>
      %add3A_374 = arith.addf %mul3A_371, %add3A_373 : vector<16xf32>
      %neg3A_375 = arith.constant 0.000000e+00 : f32
      %neg3A_376 = vector.broadcast %neg3A_375 : f32 to vector<16xf32>
      %neg3A_377 = arith.subf %neg3A_376, %add3A_374 : vector<16xf32>
      %mul3A_378 = arith.mulf %neg3A_377, %gather3A_339 : vector<16xf32>
      %mul3A_379 = arith.mulf %mul3A_378, %sub3A_340 : vector<16xf32>
      %mul3A_380 = arith.mulf %mul3A_378, %sub3A_341 : vector<16xf32>
      tpu.vector_store_idx %arg9[%get3A_326], %mul3A_379 {add = true} : memref<10240xf32, #tpu.memory_space<vmem>>[vector<16xi32>], vector<16xf32>,
      tpu.vector_store_idx %arg10[%get3A_326], %mul3A_380 {add = true} : memref<10240xf32, #tpu.memory_space<vmem>>[vector<16xi32>], vector<16xf32>,
      %neg3A_381 = arith.constant 0.000000e+00 : f32
      %neg3A_382 = vector.broadcast %neg3A_381 : f32 to vector<16xf32>
      %neg3A_383 = arith.subf %neg3A_382, %mul3A_379 : vector<16xf32>
      tpu.vector_store_idx %arg9[%get3A_330], %neg3A_383 {add = true} : memref<10240xf32, #tpu.memory_space<vmem>>[vector<16xi32>], vector<16xf32>,
      %neg3A_384 = arith.constant 0.000000e+00 : f32
      %neg3A_385 = vector.broadcast %neg3A_384 : f32 to vector<16xf32>
      %neg3A_386 = arith.subf %neg3A_385, %mul3A_380 : vector<16xf32>
      tpu.vector_store_idx %arg10[%get3A_330], %neg3A_386 {add = true} : memref<10240xf32, #tpu.memory_space<vmem>>[vector<16xi32>], vector<16xf32>,
    }
    %scan3A_34 = arith.constant 125 : i32
    %run_scoped3A = arith.constant 0 : i32
    "tpu.region"() ({
      %run_scoped3A_36 = tpu.sem_alloc : memref<!tpu.dma_semaphore, #tpu.memory_space<semaphore_mem>>
      %dma_start3A = arith.constant 0 : i32
      %dma_start3A_37 = tpu.memref_slice %arg5[%run_scoped3A, %add3A, %dma_start3A] : memref<2x32x10240xf32, #tpu.memory_space<hbm>> -> memref<1x1x10240xf32, #tpu.memory_space<hbm>>
      %dma_start3A_38 = tpu.memref_squeeze %dma_start3A_37 : memref<1x1x10240xf32, #tpu.memory_space<hbm>> -> memref<10240xf32, #tpu.memory_space<hbm>>
      %dma_start3A_39 = arith.constant 0 : i32
      %dma_start3A_40 = tpu.memref_slice %arg5[%run_scoped3A, %add3A, %dma_start3A_39] : memref<2x32x10240xf32, #tpu.memory_space<hbm>> -> memref<1x1x10240xf32, #tpu.memory_space<hbm>>
      %dma_start3A_41 = tpu.memref_squeeze %dma_start3A_40 : memref<1x1x10240xf32, #tpu.memory_space<hbm>> -> memref<10240xf32, #tpu.memory_space<hbm>>
      tpu.enqueue_dma source(%arg9 : memref<10240xf32, #tpu.memory_space<vmem>>) target(%dma_start3A_41 : memref<10240xf32, #tpu.memory_space<hbm>>) target_semaphore(%run_scoped3A_36 : memref<!tpu.dma_semaphore, #tpu.memory_space<semaphore_mem>>)
      %dma_wait3A = arith.constant 0 : i32
      %dma_wait3A_42 = tpu.memref_slice %arg5[%run_scoped3A, %add3A, %dma_wait3A] : memref<2x32x10240xf32, #tpu.memory_space<hbm>> -> memref<1x1x10240xf32, #tpu.memory_space<hbm>>
      %dma_wait3A_43 = tpu.memref_squeeze %dma_wait3A_42 : memref<1x1x10240xf32, #tpu.memory_space<hbm>> -> memref<10240xf32, #tpu.memory_space<hbm>>
      %dma_wait3A_44 = arith.constant 0 : i32
      %dma_wait3A_45 = tpu.memref_slice %arg5[%run_scoped3A, %add3A, %dma_wait3A_44] : memref<2x32x10240xf32, #tpu.memory_space<hbm>> -> memref<1x1x10240xf32, #tpu.memory_space<hbm>>
      %dma_wait3A_46 = tpu.memref_squeeze %dma_wait3A_45 : memref<1x1x10240xf32, #tpu.memory_space<hbm>> -> memref<10240xf32, #tpu.memory_space<hbm>>
      tpu.wait_dma2 semaphore(%run_scoped3A_36 : memref<!tpu.dma_semaphore, #tpu.memory_space<semaphore_mem>>) src(%arg9 : memref<10240xf32, #tpu.memory_space<vmem>>) dst(%dma_wait3A_46 : memref<10240xf32, #tpu.memory_space<hbm>>)
      tpu.yield
    }) : () -> ()
    %run_scoped3A_35 = arith.constant 1 : i32
    "tpu.region"() ({
      %run_scoped3A_36 = tpu.sem_alloc : memref<!tpu.dma_semaphore, #tpu.memory_space<semaphore_mem>>
      %dma_start3A = arith.constant 0 : i32
      %dma_start3A_37 = tpu.memref_slice %arg5[%run_scoped3A_35, %add3A, %dma_start3A] : memref<2x32x10240xf32, #tpu.memory_space<hbm>> -> memref<1x1x10240xf32, #tpu.memory_space<hbm>>
      %dma_start3A_38 = tpu.memref_squeeze %dma_start3A_37 : memref<1x1x10240xf32, #tpu.memory_space<hbm>> -> memref<10240xf32, #tpu.memory_space<hbm>>
      %dma_start3A_39 = arith.constant 0 : i32
      %dma_start3A_40 = tpu.memref_slice %arg5[%run_scoped3A_35, %add3A, %dma_start3A_39] : memref<2x32x10240xf32, #tpu.memory_space<hbm>> -> memref<1x1x10240xf32, #tpu.memory_space<hbm>>
      %dma_start3A_41 = tpu.memref_squeeze %dma_start3A_40 : memref<1x1x10240xf32, #tpu.memory_space<hbm>> -> memref<10240xf32, #tpu.memory_space<hbm>>
      tpu.enqueue_dma source(%arg10 : memref<10240xf32, #tpu.memory_space<vmem>>) target(%dma_start3A_41 : memref<10240xf32, #tpu.memory_space<hbm>>) target_semaphore(%run_scoped3A_36 : memref<!tpu.dma_semaphore, #tpu.memory_space<semaphore_mem>>)
      %dma_wait3A = arith.constant 0 : i32
      %dma_wait3A_42 = tpu.memref_slice %arg5[%run_scoped3A_35, %add3A, %dma_wait3A] : memref<2x32x10240xf32, #tpu.memory_space<hbm>> -> memref<1x1x10240xf32, #tpu.memory_space<hbm>>
      %dma_wait3A_43 = tpu.memref_squeeze %dma_wait3A_42 : memref<1x1x10240xf32, #tpu.memory_space<hbm>> -> memref<10240xf32, #tpu.memory_space<hbm>>
      %dma_wait3A_44 = arith.constant 0 : i32
      %dma_wait3A_45 = tpu.memref_slice %arg5[%run_scoped3A_35, %add3A, %dma_wait3A_44] : memref<2x32x10240xf32, #tpu.memory_space<hbm>> -> memref<1x1x10240xf32, #tpu.memory_space<hbm>>
      %dma_wait3A_46 = tpu.memref_squeeze %dma_wait3A_45 : memref<1x1x10240xf32, #tpu.memory_space<hbm>> -> memref<10240xf32, #tpu.memory_space<hbm>>
      tpu.wait_dma2 semaphore(%run_scoped3A_36 : memref<!tpu.dma_semaphore, #tpu.memory_space<semaphore_mem>>) src(%arg10 : memref<10240xf32, #tpu.memory_space<vmem>>) dst(%dma_wait3A_46 : memref<10240xf32, #tpu.memory_space<hbm>>)
      tpu.yield
    }) : () -> ()
    return
  }
}

#map = affine_map<(d0, d1) -> (0, 0)>
#map1 = affine_map<(d0, d1) -> (0)>
#map2 = affine_map<(d0, d1) -> (0, 0, 0)>
module attributes {stable_mosaic.version = 14 : i64} {
  func.func @_sc_attract_body(%arg0: i32, %arg1: i32, %arg2: memref<2x10240xf32, #tpu.memory_space<hbm>>, %arg3: memref<10240xf32, #tpu.memory_space<hbm>>, %arg4: memref<2x320000xi32, #tpu.memory_space<hbm>>, %arg5: memref<2x32x10240xf32, #tpu.memory_space<hbm>>, %arg6: memref<2x10240xf32, #tpu.memory_space<vmem>>, %arg7: memref<10240xf32, #tpu.memory_space<vmem>>, %arg8: memref<2x10240xi32, #tpu.memory_space<vmem>>, %arg9: memref<10240xf32, #tpu.memory_space<vmem>>, %arg10: memref<10240xf32, #tpu.memory_space<vmem>>) attributes {dimension_semantics = [#tpu.dimension_semantics<core_parallel>, #tpu.dimension_semantics<subcore_parallel>], iteration_bounds = array<i64: 2, 16>, scalar_prefetch = 0 : i64, scratch_operands = 5 : i64, tpu.core_type = #tpu.core_type<sc_vector_subcore>, window_params = [{transform_indices = #map}, {transform_indices = #map1}, {transform_indices = #map}, {transform_indices = #map2}]} {
    %mul3A = arith.constant 2 : i32
    %mul3A_0 = arith.muli %arg1, %mul3A : i32
    %add3A = arith.addi %mul3A_0, %arg0 : i32
    %mul3A_1 = arith.constant 10000 : i32
    %mul3A_2 = arith.muli %add3A, %mul3A_1 : i32
    %jit3A = arith.constant 128 : i32
    %div3A = arith.divsi %mul3A_2, %jit3A : i32
    %sign3A = arith.constant 0 : i32
    %sign3A_3 = arith.cmpi sgt, %mul3A_2, %sign3A : i32
    %sign3A_4 = arith.extui %sign3A_3 : i1 to i32
    %sign3A_5 = arith.constant 0 : i32
    %sign3A_6 = arith.cmpi slt, %mul3A_2, %sign3A_5 : i32
    %sign3A_7 = arith.extui %sign3A_6 : i1 to i32
    %sign3A_8 = arith.subi %sign3A_4, %sign3A_7 : i32
    %sign3A_9 = arith.constant 0 : i32
    %sign3A_10 = arith.cmpi sgt, %jit3A, %sign3A_9 : i32
    %sign3A_11 = arith.extui %sign3A_10 : i1 to i32
    %sign3A_12 = arith.constant 0 : i32
    %sign3A_13 = arith.cmpi slt, %jit3A, %sign3A_12 : i32
    %sign3A_14 = arith.extui %sign3A_13 : i1 to i32
    %sign3A_15 = arith.subi %sign3A_11, %sign3A_14 : i32
    %ne3A = arith.cmpi ne, %sign3A_8, %sign3A_15 : i32
    %rem3A = arith.remsi %mul3A_2, %jit3A : i32
    %ne3A_16 = arith.constant 0 : i32
    %ne3A_17 = arith.cmpi ne, %rem3A, %ne3A_16 : i32
    %and3A = arith.andi %ne3A, %ne3A_17 : i1
    %sub3A = arith.constant 1 : i32
    %sub3A_18 = arith.subi %div3A, %sub3A : i32
    %select_n3A = arith.select %and3A, %sub3A_18, %div3A : i32
    %mul3A_19 = arith.constant 128 : i32
    %mul3A_20 = arith.muli %select_n3A, %mul3A_19 : i32
    %min3A = arith.constant 309760 : i32
    %min3A_21 = arith.minsi %mul3A_20, %min3A : i32
    %sub3A_22 = arith.subi %mul3A_2, %min3A_21 : i32
    "tpu.region"() ({
      %run_scoped3A_36 = tpu.sem_alloc : memref<!tpu.dma_semaphore, #tpu.memory_space<semaphore_mem>>
      tpu.enqueue_dma source(%arg2 : memref<2x10240xf32, #tpu.memory_space<hbm>>) target(%arg6 : memref<2x10240xf32, #tpu.memory_space<vmem>>) target_semaphore(%run_scoped3A_36 : memref<!tpu.dma_semaphore, #tpu.memory_space<semaphore_mem>>)
      tpu.wait_dma2 semaphore(%run_scoped3A_36 : memref<!tpu.dma_semaphore, #tpu.memory_space<semaphore_mem>>) src(%arg2 : memref<2x10240xf32, #tpu.memory_space<hbm>>) dst(%arg6 : memref<2x10240xf32, #tpu.memory_space<vmem>>)
      tpu.yield
    }) : () -> ()
    "tpu.region"() ({
      %run_scoped3A_36 = tpu.sem_alloc : memref<!tpu.dma_semaphore, #tpu.memory_space<semaphore_mem>>
      tpu.enqueue_dma source(%arg3 : memref<10240xf32, #tpu.memory_space<hbm>>) target(%arg7 : memref<10240xf32, #tpu.memory_space<vmem>>) target_semaphore(%run_scoped3A_36 : memref<!tpu.dma_semaphore, #tpu.memory_space<semaphore_mem>>)
      tpu.wait_dma2 semaphore(%run_scoped3A_36 : memref<!tpu.dma_semaphore, #tpu.memory_space<semaphore_mem>>) src(%arg3 : memref<10240xf32, #tpu.memory_space<hbm>>) dst(%arg7 : memref<10240xf32, #tpu.memory_space<vmem>>)
      tpu.yield
    }) : () -> ()
    "tpu.region"() ({
      %run_scoped3A_36 = tpu.sem_alloc : memref<!tpu.dma_semaphore, #tpu.memory_space<semaphore_mem>>
      %dma_start3A = arith.constant 0 : i32
      %dma_start3A_37 = tpu.memref_slice %arg4[%dma_start3A, %min3A_21] : memref<2x320000xi32, #tpu.memory_space<hbm>> -> memref<2x10240xi32, #tpu.memory_space<hbm>>
      %dma_start3A_38 = arith.constant 0 : i32
      %dma_start3A_39 = tpu.memref_slice %arg4[%dma_start3A_38, %min3A_21] : memref<2x320000xi32, #tpu.memory_space<hbm>> -> memref<2x10240xi32, #tpu.memory_space<hbm>>
      tpu.enqueue_dma source(%dma_start3A_39 : memref<2x10240xi32, #tpu.memory_space<hbm>>) target(%arg8 : memref<2x10240xi32, #tpu.memory_space<vmem>>) target_semaphore(%run_scoped3A_36 : memref<!tpu.dma_semaphore, #tpu.memory_space<semaphore_mem>>)
      %dma_wait3A = arith.constant 0 : i32
      %dma_wait3A_40 = tpu.memref_slice %arg4[%dma_wait3A, %min3A_21] : memref<2x320000xi32, #tpu.memory_space<hbm>> -> memref<2x10240xi32, #tpu.memory_space<hbm>>
      %dma_wait3A_41 = arith.constant 0 : i32
      %dma_wait3A_42 = tpu.memref_slice %arg4[%dma_wait3A_41, %min3A_21] : memref<2x320000xi32, #tpu.memory_space<hbm>> -> memref<2x10240xi32, #tpu.memory_space<hbm>>
      tpu.wait_dma2 semaphore(%run_scoped3A_36 : memref<!tpu.dma_semaphore, #tpu.memory_space<semaphore_mem>>) src(%dma_wait3A_42 : memref<2x10240xi32, #tpu.memory_space<hbm>>) dst(%arg8 : memref<2x10240xi32, #tpu.memory_space<vmem>>)
      tpu.yield
    }) : () -> ()
    %broadcast_in_dim3A = arith.constant 0.000000e+00 : f32
    %broadcast_in_dim3A_23 = vector.broadcast %broadcast_in_dim3A : f32 to vector<16xf32>
    %scan3A = arith.constant 0 : i32
    %scan3A_24 = arith.constant 0 : i32
    %scan3A_25 = arith.constant 640 : i32
    %scan3A_26 = arith.addi %scan3A_24, %scan3A_25 : i32
    %scan3A_27 = arith.constant 1 : i32
    scf.for %scan3A_36 = %scan3A_24 to %scan3A_26 step %scan3A_27  : i32 {
      %mul3A_37 = arith.constant 16 : i32
      %mul3A_38 = arith.muli %scan3A_36, %mul3A_37 : i32
      %swap3A = arith.index_cast %mul3A_38 : i32 to index
      %swap3A_39 = tpu.vector_load %arg9[%swap3A] {strides = array<i32>} : memref<10240xf32, #tpu.memory_space<vmem>>, vector<16xf32>,
      tpu.vector_store %arg9[%swap3A], %broadcast_in_dim3A_23 {strides = array<i32>} : memref<10240xf32, #tpu.memory_space<vmem>>, vector<16xf32>,
      %mul3A_40 = arith.constant 16 : i32
      %mul3A_41 = arith.muli %scan3A_36, %mul3A_40 : i32
      %swap3A_42 = arith.index_cast %mul3A_41 : i32 to index
      %swap3A_43 = tpu.vector_load %arg10[%swap3A_42] {strides = array<i32>} : memref<10240xf32, #tpu.memory_space<vmem>>, vector<16xf32>,
      tpu.vector_store %arg10[%swap3A_42], %broadcast_in_dim3A_23 {strides = array<i32>} : memref<10240xf32, #tpu.memory_space<vmem>>, vector<16xf32>,
    }
    %scan3A_28 = arith.constant 640 : i32
    %scan3A_29 = arith.constant 0 : i32
    %scan3A_30 = arith.constant 0 : i32
    %scan3A_31 = arith.constant 125 : i32
    %scan3A_32 = arith.addi %scan3A_30, %scan3A_31 : i32
    %scan3A_33 = arith.constant 1 : i32
    scf.for %scan3A_36 = %scan3A_30 to %scan3A_32 step %scan3A_33  : i32 {
      %mul3A_37 = arith.constant 5 : i32
      %mul3A_38 = arith.muli %scan3A_36, %mul3A_37 : i32
      %add3A_39 = arith.constant 0 : i32
      %add3A_40 = arith.addi %mul3A_38, %add3A_39 : i32
      %mul3A_41 = arith.constant 16 : i32
      %mul3A_42 = arith.muli %add3A_40, %mul3A_41 : i32
      %add3A_43 = arith.addi %sub3A_22, %mul3A_42 : i32
      %get3A = arith.constant 0 : i32
      %get3A_44 = arith.index_cast %get3A : i32 to index
      %get3A_45 = arith.index_cast %add3A_43 : i32 to index
      %get3A_46 = tpu.vector_load %arg8[%get3A_44, %get3A_45] {strides = array<i32>} : memref<2x10240xi32, #tpu.memory_space<vmem>>, vector<16xi32>,
      %get3A_47 = arith.constant 1 : i32
      %get3A_48 = arith.index_cast %get3A_47 : i32 to index
      %get3A_49 = arith.index_cast %add3A_43 : i32 to index
      %get3A_50 = tpu.vector_load %arg8[%get3A_48, %get3A_49] {strides = array<i32>} : memref<2x10240xi32, #tpu.memory_space<vmem>>, vector<16xi32>,
      %broadcast_in_dim3A_51 = arith.constant 0 : i32
      %broadcast_in_dim3A_52 = vector.broadcast %broadcast_in_dim3A_51 : i32 to vector<16xi32>
      %broadcast_in_dim3A_53 = arith.constant 1 : i32
      %broadcast_in_dim3A_54 = vector.broadcast %broadcast_in_dim3A_53 : i32 to vector<16xi32>
      %gather3A = tpu.vector_load_idx %arg6[%broadcast_in_dim3A_52, %get3A_46] : memref<2x10240xf32, #tpu.memory_space<vmem>>[vector<16xi32>, vector<16xi32>], vector<16xf32>,
      %gather3A_55 = tpu.vector_load_idx %arg6[%broadcast_in_dim3A_54, %get3A_46] : memref<2x10240xf32, #tpu.memory_space<vmem>>[vector<16xi32>, vector<16xi32>], vector<16xf32>,
      %gather3A_56 = tpu.vector_load_idx %arg6[%broadcast_in_dim3A_52, %get3A_50] : memref<2x10240xf32, #tpu.memory_space<vmem>>[vector<16xi32>, vector<16xi32>], vector<16xf32>,
      %gather3A_57 = tpu.vector_load_idx %arg6[%broadcast_in_dim3A_54, %get3A_50] : memref<2x10240xf32, #tpu.memory_space<vmem>>[vector<16xi32>, vector<16xi32>], vector<16xf32>,
      %gather3A_58 = tpu.vector_load_idx %arg7[%get3A_46] : memref<10240xf32, #tpu.memory_space<vmem>>[vector<16xi32>], vector<16xf32>,
      %sub3A_59 = arith.subf %gather3A, %gather3A_56 : vector<16xf32>
      %sub3A_60 = arith.subf %gather3A_55, %gather3A_57 : vector<16xf32>
      %mul3A_61 = arith.mulf %sub3A_59, %sub3A_59 : vector<16xf32>
      %mul3A_62 = arith.mulf %sub3A_60, %sub3A_60 : vector<16xf32>
      %add3A_63 = arith.addf %mul3A_61, %mul3A_62 : vector<16xf32>
      %add3A_64 = arith.constant 9.99999968E-21 : f32
      %add3A_65 = vector.broadcast %add3A_64 : f32 to vector<16xf32>
      %add3A_66 = arith.addf %add3A_63, %add3A_65 : vector<16xf32>
      %bitcast3A = vector.bitcast %add3A_66 : vector<16xf32> to vector<16xi32>
      %shift_right_arithmetic3A = arith.constant 1 : i32
      %shift_right_arithmetic3A_67 = vector.broadcast %shift_right_arithmetic3A : i32 to vector<16xi32>
      %shift_right_arithmetic3A_68 = arith.shrsi %bitcast3A, %shift_right_arithmetic3A_67 : vector<16xi32>
      %sub3A_69 = arith.constant 1597463007 : i32
      %sub3A_70 = vector.broadcast %sub3A_69 : i32 to vector<16xi32>
      %sub3A_71 = arith.subi %sub3A_70, %shift_right_arithmetic3A_68 : vector<16xi32>
      %bitcast3A_72 = vector.bitcast %sub3A_71 : vector<16xi32> to vector<16xf32>
      %mul3A_73 = arith.constant 5.000000e-01 : f32
      %mul3A_74 = vector.broadcast %mul3A_73 : f32 to vector<16xf32>
      %mul3A_75 = arith.mulf %mul3A_74, %add3A_66 : vector<16xf32>
      %mul3A_76 = arith.mulf %mul3A_75, %bitcast3A_72 : vector<16xf32>
      %mul3A_77 = arith.mulf %mul3A_76, %bitcast3A_72 : vector<16xf32>
      %sub3A_78 = arith.constant 1.500000e+00 : f32
      %sub3A_79 = vector.broadcast %sub3A_78 : f32 to vector<16xf32>
      %sub3A_80 = arith.subf %sub3A_79, %mul3A_77 : vector<16xf32>
      %mul3A_81 = arith.mulf %bitcast3A_72, %sub3A_80 : vector<16xf32>
      %mul3A_82 = arith.mulf %mul3A_75, %mul3A_81 : vector<16xf32>
      %mul3A_83 = arith.mulf %mul3A_82, %mul3A_81 : vector<16xf32>
      %sub3A_84 = arith.constant 1.500000e+00 : f32
      %sub3A_85 = vector.broadcast %sub3A_84 : f32 to vector<16xf32>
      %sub3A_86 = arith.subf %sub3A_85, %mul3A_83 : vector<16xf32>
      %mul3A_87 = arith.mulf %mul3A_81, %sub3A_86 : vector<16xf32>
      %mul3A_88 = arith.mulf %add3A_66, %mul3A_87 : vector<16xf32>
      %add3A_89 = arith.constant 0.00999999977 : f32
      %add3A_90 = vector.broadcast %add3A_89 : f32 to vector<16xf32>
      %add3A_91 = arith.addf %mul3A_88, %add3A_90 : vector<16xf32>
      %neg3A = arith.constant 0.000000e+00 : f32
      %neg3A_92 = vector.broadcast %neg3A : f32 to vector<16xf32>
      %neg3A_93 = arith.subf %neg3A_92, %add3A_91 : vector<16xf32>
      %mul3A_94 = arith.mulf %neg3A_93, %gather3A_58 : vector<16xf32>
      %mul3A_95 = arith.mulf %mul3A_94, %sub3A_59 : vector<16xf32>
      %mul3A_96 = arith.mulf %mul3A_94, %sub3A_60 : vector<16xf32>
      tpu.vector_store_idx %arg9[%get3A_46], %mul3A_95 {add = true} : memref<10240xf32, #tpu.memory_space<vmem>>[vector<16xi32>], vector<16xf32>,
      tpu.vector_store_idx %arg10[%get3A_46], %mul3A_96 {add = true} : memref<10240xf32, #tpu.memory_space<vmem>>[vector<16xi32>], vector<16xf32>,
      %neg3A_97 = arith.constant 0.000000e+00 : f32
      %neg3A_98 = vector.broadcast %neg3A_97 : f32 to vector<16xf32>
      %neg3A_99 = arith.subf %neg3A_98, %mul3A_95 : vector<16xf32>
      tpu.vector_store_idx %arg9[%get3A_50], %neg3A_99 {add = true} : memref<10240xf32, #tpu.memory_space<vmem>>[vector<16xi32>], vector<16xf32>,
      %neg3A_100 = arith.constant 0.000000e+00 : f32
      %neg3A_101 = vector.broadcast %neg3A_100 : f32 to vector<16xf32>
      %neg3A_102 = arith.subf %neg3A_101, %mul3A_96 : vector<16xf32>
      tpu.vector_store_idx %arg10[%get3A_50], %neg3A_102 {add = true} : memref<10240xf32, #tpu.memory_space<vmem>>[vector<16xi32>], vector<16xf32>,
      %mul3A_103 = arith.constant 5 : i32
      %mul3A_104 = arith.muli %scan3A_36, %mul3A_103 : i32
      %add3A_105 = arith.constant 1 : i32
      %add3A_106 = arith.addi %mul3A_104, %add3A_105 : i32
      %mul3A_107 = arith.constant 16 : i32
      %mul3A_108 = arith.muli %add3A_106, %mul3A_107 : i32
      %add3A_109 = arith.addi %sub3A_22, %mul3A_108 : i32
      %get3A_110 = arith.constant 0 : i32
      %get3A_111 = arith.index_cast %get3A_110 : i32 to index
      %get3A_112 = arith.index_cast %add3A_109 : i32 to index
      %get3A_113 = tpu.vector_load %arg8[%get3A_111, %get3A_112] {strides = array<i32>} : memref<2x10240xi32, #tpu.memory_space<vmem>>, vector<16xi32>,
      %get3A_114 = arith.constant 1 : i32
      %get3A_115 = arith.index_cast %get3A_114 : i32 to index
      %get3A_116 = arith.index_cast %add3A_109 : i32 to index
      %get3A_117 = tpu.vector_load %arg8[%get3A_115, %get3A_116] {strides = array<i32>} : memref<2x10240xi32, #tpu.memory_space<vmem>>, vector<16xi32>,
      %broadcast_in_dim3A_118 = arith.constant 0 : i32
      %broadcast_in_dim3A_119 = vector.broadcast %broadcast_in_dim3A_118 : i32 to vector<16xi32>
      %broadcast_in_dim3A_120 = arith.constant 1 : i32
      %broadcast_in_dim3A_121 = vector.broadcast %broadcast_in_dim3A_120 : i32 to vector<16xi32>
      %gather3A_122 = tpu.vector_load_idx %arg6[%broadcast_in_dim3A_119, %get3A_113] : memref<2x10240xf32, #tpu.memory_space<vmem>>[vector<16xi32>, vector<16xi32>], vector<16xf32>,
      %gather3A_123 = tpu.vector_load_idx %arg6[%broadcast_in_dim3A_121, %get3A_113] : memref<2x10240xf32, #tpu.memory_space<vmem>>[vector<16xi32>, vector<16xi32>], vector<16xf32>,
      %gather3A_124 = tpu.vector_load_idx %arg6[%broadcast_in_dim3A_119, %get3A_117] : memref<2x10240xf32, #tpu.memory_space<vmem>>[vector<16xi32>, vector<16xi32>], vector<16xf32>,
      %gather3A_125 = tpu.vector_load_idx %arg6[%broadcast_in_dim3A_121, %get3A_117] : memref<2x10240xf32, #tpu.memory_space<vmem>>[vector<16xi32>, vector<16xi32>], vector<16xf32>,
      %gather3A_126 = tpu.vector_load_idx %arg7[%get3A_113] : memref<10240xf32, #tpu.memory_space<vmem>>[vector<16xi32>], vector<16xf32>,
      %sub3A_127 = arith.subf %gather3A_122, %gather3A_124 : vector<16xf32>
      %sub3A_128 = arith.subf %gather3A_123, %gather3A_125 : vector<16xf32>
      %mul3A_129 = arith.mulf %sub3A_127, %sub3A_127 : vector<16xf32>
      %mul3A_130 = arith.mulf %sub3A_128, %sub3A_128 : vector<16xf32>
      %add3A_131 = arith.addf %mul3A_129, %mul3A_130 : vector<16xf32>
      %add3A_132 = arith.constant 9.99999968E-21 : f32
      %add3A_133 = vector.broadcast %add3A_132 : f32 to vector<16xf32>
      %add3A_134 = arith.addf %add3A_131, %add3A_133 : vector<16xf32>
      %bitcast3A_135 = vector.bitcast %add3A_134 : vector<16xf32> to vector<16xi32>
      %shift_right_arithmetic3A_136 = arith.constant 1 : i32
      %shift_right_arithmetic3A_137 = vector.broadcast %shift_right_arithmetic3A_136 : i32 to vector<16xi32>
      %shift_right_arithmetic3A_138 = arith.shrsi %bitcast3A_135, %shift_right_arithmetic3A_137 : vector<16xi32>
      %sub3A_139 = arith.constant 1597463007 : i32
      %sub3A_140 = vector.broadcast %sub3A_139 : i32 to vector<16xi32>
      %sub3A_141 = arith.subi %sub3A_140, %shift_right_arithmetic3A_138 : vector<16xi32>
      %bitcast3A_142 = vector.bitcast %sub3A_141 : vector<16xi32> to vector<16xf32>
      %mul3A_143 = arith.constant 5.000000e-01 : f32
      %mul3A_144 = vector.broadcast %mul3A_143 : f32 to vector<16xf32>
      %mul3A_145 = arith.mulf %mul3A_144, %add3A_134 : vector<16xf32>
      %mul3A_146 = arith.mulf %mul3A_145, %bitcast3A_142 : vector<16xf32>
      %mul3A_147 = arith.mulf %mul3A_146, %bitcast3A_142 : vector<16xf32>
      %sub3A_148 = arith.constant 1.500000e+00 : f32
      %sub3A_149 = vector.broadcast %sub3A_148 : f32 to vector<16xf32>
      %sub3A_150 = arith.subf %sub3A_149, %mul3A_147 : vector<16xf32>
      %mul3A_151 = arith.mulf %bitcast3A_142, %sub3A_150 : vector<16xf32>
      %mul3A_152 = arith.mulf %mul3A_145, %mul3A_151 : vector<16xf32>
      %mul3A_153 = arith.mulf %mul3A_152, %mul3A_151 : vector<16xf32>
      %sub3A_154 = arith.constant 1.500000e+00 : f32
      %sub3A_155 = vector.broadcast %sub3A_154 : f32 to vector<16xf32>
      %sub3A_156 = arith.subf %sub3A_155, %mul3A_153 : vector<16xf32>
      %mul3A_157 = arith.mulf %mul3A_151, %sub3A_156 : vector<16xf32>
      %mul3A_158 = arith.mulf %add3A_134, %mul3A_157 : vector<16xf32>
      %add3A_159 = arith.constant 0.00999999977 : f32
      %add3A_160 = vector.broadcast %add3A_159 : f32 to vector<16xf32>
      %add3A_161 = arith.addf %mul3A_158, %add3A_160 : vector<16xf32>
      %neg3A_162 = arith.constant 0.000000e+00 : f32
      %neg3A_163 = vector.broadcast %neg3A_162 : f32 to vector<16xf32>
      %neg3A_164 = arith.subf %neg3A_163, %add3A_161 : vector<16xf32>
      %mul3A_165 = arith.mulf %neg3A_164, %gather3A_126 : vector<16xf32>
      %mul3A_166 = arith.mulf %mul3A_165, %sub3A_127 : vector<16xf32>
      %mul3A_167 = arith.mulf %mul3A_165, %sub3A_128 : vector<16xf32>
      tpu.vector_store_idx %arg9[%get3A_113], %mul3A_166 {add = true} : memref<10240xf32, #tpu.memory_space<vmem>>[vector<16xi32>], vector<16xf32>,
      tpu.vector_store_idx %arg10[%get3A_113], %mul3A_167 {add = true} : memref<10240xf32, #tpu.memory_space<vmem>>[vector<16xi32>], vector<16xf32>,
      %neg3A_168 = arith.constant 0.000000e+00 : f32
      %neg3A_169 = vector.broadcast %neg3A_168 : f32 to vector<16xf32>
      %neg3A_170 = arith.subf %neg3A_169, %mul3A_166 : vector<16xf32>
      tpu.vector_store_idx %arg9[%get3A_117], %neg3A_170 {add = true} : memref<10240xf32, #tpu.memory_space<vmem>>[vector<16xi32>], vector<16xf32>,
      %neg3A_171 = arith.constant 0.000000e+00 : f32
      %neg3A_172 = vector.broadcast %neg3A_171 : f32 to vector<16xf32>
      %neg3A_173 = arith.subf %neg3A_172, %mul3A_167 : vector<16xf32>
      tpu.vector_store_idx %arg10[%get3A_117], %neg3A_173 {add = true} : memref<10240xf32, #tpu.memory_space<vmem>>[vector<16xi32>], vector<16xf32>,
      %mul3A_174 = arith.constant 5 : i32
      %mul3A_175 = arith.muli %scan3A_36, %mul3A_174 : i32
      %add3A_176 = arith.constant 2 : i32
      %add3A_177 = arith.addi %mul3A_175, %add3A_176 : i32
      %mul3A_178 = arith.constant 16 : i32
      %mul3A_179 = arith.muli %add3A_177, %mul3A_178 : i32
      %add3A_180 = arith.addi %sub3A_22, %mul3A_179 : i32
      %get3A_181 = arith.constant 0 : i32
      %get3A_182 = arith.index_cast %get3A_181 : i32 to index
      %get3A_183 = arith.index_cast %add3A_180 : i32 to index
      %get3A_184 = tpu.vector_load %arg8[%get3A_182, %get3A_183] {strides = array<i32>} : memref<2x10240xi32, #tpu.memory_space<vmem>>, vector<16xi32>,
      %get3A_185 = arith.constant 1 : i32
      %get3A_186 = arith.index_cast %get3A_185 : i32 to index
      %get3A_187 = arith.index_cast %add3A_180 : i32 to index
      %get3A_188 = tpu.vector_load %arg8[%get3A_186, %get3A_187] {strides = array<i32>} : memref<2x10240xi32, #tpu.memory_space<vmem>>, vector<16xi32>,
      %broadcast_in_dim3A_189 = arith.constant 0 : i32
      %broadcast_in_dim3A_190 = vector.broadcast %broadcast_in_dim3A_189 : i32 to vector<16xi32>
      %broadcast_in_dim3A_191 = arith.constant 1 : i32
      %broadcast_in_dim3A_192 = vector.broadcast %broadcast_in_dim3A_191 : i32 to vector<16xi32>
      %gather3A_193 = tpu.vector_load_idx %arg6[%broadcast_in_dim3A_190, %get3A_184] : memref<2x10240xf32, #tpu.memory_space<vmem>>[vector<16xi32>, vector<16xi32>], vector<16xf32>,
      %gather3A_194 = tpu.vector_load_idx %arg6[%broadcast_in_dim3A_192, %get3A_184] : memref<2x10240xf32, #tpu.memory_space<vmem>>[vector<16xi32>, vector<16xi32>], vector<16xf32>,
      %gather3A_195 = tpu.vector_load_idx %arg6[%broadcast_in_dim3A_190, %get3A_188] : memref<2x10240xf32, #tpu.memory_space<vmem>>[vector<16xi32>, vector<16xi32>], vector<16xf32>,
      %gather3A_196 = tpu.vector_load_idx %arg6[%broadcast_in_dim3A_192, %get3A_188] : memref<2x10240xf32, #tpu.memory_space<vmem>>[vector<16xi32>, vector<16xi32>], vector<16xf32>,
      %gather3A_197 = tpu.vector_load_idx %arg7[%get3A_184] : memref<10240xf32, #tpu.memory_space<vmem>>[vector<16xi32>], vector<16xf32>,
      %sub3A_198 = arith.subf %gather3A_193, %gather3A_195 : vector<16xf32>
      %sub3A_199 = arith.subf %gather3A_194, %gather3A_196 : vector<16xf32>
      %mul3A_200 = arith.mulf %sub3A_198, %sub3A_198 : vector<16xf32>
      %mul3A_201 = arith.mulf %sub3A_199, %sub3A_199 : vector<16xf32>
      %add3A_202 = arith.addf %mul3A_200, %mul3A_201 : vector<16xf32>
      %add3A_203 = arith.constant 9.99999968E-21 : f32
      %add3A_204 = vector.broadcast %add3A_203 : f32 to vector<16xf32>
      %add3A_205 = arith.addf %add3A_202, %add3A_204 : vector<16xf32>
      %bitcast3A_206 = vector.bitcast %add3A_205 : vector<16xf32> to vector<16xi32>
      %shift_right_arithmetic3A_207 = arith.constant 1 : i32
      %shift_right_arithmetic3A_208 = vector.broadcast %shift_right_arithmetic3A_207 : i32 to vector<16xi32>
      %shift_right_arithmetic3A_209 = arith.shrsi %bitcast3A_206, %shift_right_arithmetic3A_208 : vector<16xi32>
      %sub3A_210 = arith.constant 1597463007 : i32
      %sub3A_211 = vector.broadcast %sub3A_210 : i32 to vector<16xi32>
      %sub3A_212 = arith.subi %sub3A_211, %shift_right_arithmetic3A_209 : vector<16xi32>
      %bitcast3A_213 = vector.bitcast %sub3A_212 : vector<16xi32> to vector<16xf32>
      %mul3A_214 = arith.constant 5.000000e-01 : f32
      %mul3A_215 = vector.broadcast %mul3A_214 : f32 to vector<16xf32>
      %mul3A_216 = arith.mulf %mul3A_215, %add3A_205 : vector<16xf32>
      %mul3A_217 = arith.mulf %mul3A_216, %bitcast3A_213 : vector<16xf32>
      %mul3A_218 = arith.mulf %mul3A_217, %bitcast3A_213 : vector<16xf32>
      %sub3A_219 = arith.constant 1.500000e+00 : f32
      %sub3A_220 = vector.broadcast %sub3A_219 : f32 to vector<16xf32>
      %sub3A_221 = arith.subf %sub3A_220, %mul3A_218 : vector<16xf32>
      %mul3A_222 = arith.mulf %bitcast3A_213, %sub3A_221 : vector<16xf32>
      %mul3A_223 = arith.mulf %mul3A_216, %mul3A_222 : vector<16xf32>
      %mul3A_224 = arith.mulf %mul3A_223, %mul3A_222 : vector<16xf32>
      %sub3A_225 = arith.constant 1.500000e+00 : f32
      %sub3A_226 = vector.broadcast %sub3A_225 : f32 to vector<16xf32>
      %sub3A_227 = arith.subf %sub3A_226, %mul3A_224 : vector<16xf32>
      %mul3A_228 = arith.mulf %mul3A_222, %sub3A_227 : vector<16xf32>
      %mul3A_229 = arith.mulf %add3A_205, %mul3A_228 : vector<16xf32>
      %add3A_230 = arith.constant 0.00999999977 : f32
      %add3A_231 = vector.broadcast %add3A_230 : f32 to vector<16xf32>
      %add3A_232 = arith.addf %mul3A_229, %add3A_231 : vector<16xf32>
      %neg3A_233 = arith.constant 0.000000e+00 : f32
      %neg3A_234 = vector.broadcast %neg3A_233 : f32 to vector<16xf32>
      %neg3A_235 = arith.subf %neg3A_234, %add3A_232 : vector<16xf32>
      %mul3A_236 = arith.mulf %neg3A_235, %gather3A_197 : vector<16xf32>
      %mul3A_237 = arith.mulf %mul3A_236, %sub3A_198 : vector<16xf32>
      %mul3A_238 = arith.mulf %mul3A_236, %sub3A_199 : vector<16xf32>
      tpu.vector_store_idx %arg9[%get3A_184], %mul3A_237 {add = true} : memref<10240xf32, #tpu.memory_space<vmem>>[vector<16xi32>], vector<16xf32>,
      tpu.vector_store_idx %arg10[%get3A_184], %mul3A_238 {add = true} : memref<10240xf32, #tpu.memory_space<vmem>>[vector<16xi32>], vector<16xf32>,
      %neg3A_239 = arith.constant 0.000000e+00 : f32
      %neg3A_240 = vector.broadcast %neg3A_239 : f32 to vector<16xf32>
      %neg3A_241 = arith.subf %neg3A_240, %mul3A_237 : vector<16xf32>
      tpu.vector_store_idx %arg9[%get3A_188], %neg3A_241 {add = true} : memref<10240xf32, #tpu.memory_space<vmem>>[vector<16xi32>], vector<16xf32>,
      %neg3A_242 = arith.constant 0.000000e+00 : f32
      %neg3A_243 = vector.broadcast %neg3A_242 : f32 to vector<16xf32>
      %neg3A_244 = arith.subf %neg3A_243, %mul3A_238 : vector<16xf32>
      tpu.vector_store_idx %arg10[%get3A_188], %neg3A_244 {add = true} : memref<10240xf32, #tpu.memory_space<vmem>>[vector<16xi32>], vector<16xf32>,
      %mul3A_245 = arith.constant 5 : i32
      %mul3A_246 = arith.muli %scan3A_36, %mul3A_245 : i32
      %add3A_247 = arith.constant 3 : i32
      %add3A_248 = arith.addi %mul3A_246, %add3A_247 : i32
      %mul3A_249 = arith.constant 16 : i32
      %mul3A_250 = arith.muli %add3A_248, %mul3A_249 : i32
      %add3A_251 = arith.addi %sub3A_22, %mul3A_250 : i32
      %get3A_252 = arith.constant 0 : i32
      %get3A_253 = arith.index_cast %get3A_252 : i32 to index
      %get3A_254 = arith.index_cast %add3A_251 : i32 to index
      %get3A_255 = tpu.vector_load %arg8[%get3A_253, %get3A_254] {strides = array<i32>} : memref<2x10240xi32, #tpu.memory_space<vmem>>, vector<16xi32>,
      %get3A_256 = arith.constant 1 : i32
      %get3A_257 = arith.index_cast %get3A_256 : i32 to index
      %get3A_258 = arith.index_cast %add3A_251 : i32 to index
      %get3A_259 = tpu.vector_load %arg8[%get3A_257, %get3A_258] {strides = array<i32>} : memref<2x10240xi32, #tpu.memory_space<vmem>>, vector<16xi32>,
      %broadcast_in_dim3A_260 = arith.constant 0 : i32
      %broadcast_in_dim3A_261 = vector.broadcast %broadcast_in_dim3A_260 : i32 to vector<16xi32>
      %broadcast_in_dim3A_262 = arith.constant 1 : i32
      %broadcast_in_dim3A_263 = vector.broadcast %broadcast_in_dim3A_262 : i32 to vector<16xi32>
      %gather3A_264 = tpu.vector_load_idx %arg6[%broadcast_in_dim3A_261, %get3A_255] : memref<2x10240xf32, #tpu.memory_space<vmem>>[vector<16xi32>, vector<16xi32>], vector<16xf32>,
      %gather3A_265 = tpu.vector_load_idx %arg6[%broadcast_in_dim3A_263, %get3A_255] : memref<2x10240xf32, #tpu.memory_space<vmem>>[vector<16xi32>, vector<16xi32>], vector<16xf32>,
      %gather3A_266 = tpu.vector_load_idx %arg6[%broadcast_in_dim3A_261, %get3A_259] : memref<2x10240xf32, #tpu.memory_space<vmem>>[vector<16xi32>, vector<16xi32>], vector<16xf32>,
      %gather3A_267 = tpu.vector_load_idx %arg6[%broadcast_in_dim3A_263, %get3A_259] : memref<2x10240xf32, #tpu.memory_space<vmem>>[vector<16xi32>, vector<16xi32>], vector<16xf32>,
      %gather3A_268 = tpu.vector_load_idx %arg7[%get3A_255] : memref<10240xf32, #tpu.memory_space<vmem>>[vector<16xi32>], vector<16xf32>,
      %sub3A_269 = arith.subf %gather3A_264, %gather3A_266 : vector<16xf32>
      %sub3A_270 = arith.subf %gather3A_265, %gather3A_267 : vector<16xf32>
      %mul3A_271 = arith.mulf %sub3A_269, %sub3A_269 : vector<16xf32>
      %mul3A_272 = arith.mulf %sub3A_270, %sub3A_270 : vector<16xf32>
      %add3A_273 = arith.addf %mul3A_271, %mul3A_272 : vector<16xf32>
      %add3A_274 = arith.constant 9.99999968E-21 : f32
      %add3A_275 = vector.broadcast %add3A_274 : f32 to vector<16xf32>
      %add3A_276 = arith.addf %add3A_273, %add3A_275 : vector<16xf32>
      %bitcast3A_277 = vector.bitcast %add3A_276 : vector<16xf32> to vector<16xi32>
      %shift_right_arithmetic3A_278 = arith.constant 1 : i32
      %shift_right_arithmetic3A_279 = vector.broadcast %shift_right_arithmetic3A_278 : i32 to vector<16xi32>
      %shift_right_arithmetic3A_280 = arith.shrsi %bitcast3A_277, %shift_right_arithmetic3A_279 : vector<16xi32>
      %sub3A_281 = arith.constant 1597463007 : i32
      %sub3A_282 = vector.broadcast %sub3A_281 : i32 to vector<16xi32>
      %sub3A_283 = arith.subi %sub3A_282, %shift_right_arithmetic3A_280 : vector<16xi32>
      %bitcast3A_284 = vector.bitcast %sub3A_283 : vector<16xi32> to vector<16xf32>
      %mul3A_285 = arith.constant 5.000000e-01 : f32
      %mul3A_286 = vector.broadcast %mul3A_285 : f32 to vector<16xf32>
      %mul3A_287 = arith.mulf %mul3A_286, %add3A_276 : vector<16xf32>
      %mul3A_288 = arith.mulf %mul3A_287, %bitcast3A_284 : vector<16xf32>
      %mul3A_289 = arith.mulf %mul3A_288, %bitcast3A_284 : vector<16xf32>
      %sub3A_290 = arith.constant 1.500000e+00 : f32
      %sub3A_291 = vector.broadcast %sub3A_290 : f32 to vector<16xf32>
      %sub3A_292 = arith.subf %sub3A_291, %mul3A_289 : vector<16xf32>
      %mul3A_293 = arith.mulf %bitcast3A_284, %sub3A_292 : vector<16xf32>
      %mul3A_294 = arith.mulf %mul3A_287, %mul3A_293 : vector<16xf32>
      %mul3A_295 = arith.mulf %mul3A_294, %mul3A_293 : vector<16xf32>
      %sub3A_296 = arith.constant 1.500000e+00 : f32
      %sub3A_297 = vector.broadcast %sub3A_296 : f32 to vector<16xf32>
      %sub3A_298 = arith.subf %sub3A_297, %mul3A_295 : vector<16xf32>
      %mul3A_299 = arith.mulf %mul3A_293, %sub3A_298 : vector<16xf32>
      %mul3A_300 = arith.mulf %add3A_276, %mul3A_299 : vector<16xf32>
      %add3A_301 = arith.constant 0.00999999977 : f32
      %add3A_302 = vector.broadcast %add3A_301 : f32 to vector<16xf32>
      %add3A_303 = arith.addf %mul3A_300, %add3A_302 : vector<16xf32>
      %neg3A_304 = arith.constant 0.000000e+00 : f32
      %neg3A_305 = vector.broadcast %neg3A_304 : f32 to vector<16xf32>
      %neg3A_306 = arith.subf %neg3A_305, %add3A_303 : vector<16xf32>
      %mul3A_307 = arith.mulf %neg3A_306, %gather3A_268 : vector<16xf32>
      %mul3A_308 = arith.mulf %mul3A_307, %sub3A_269 : vector<16xf32>
      %mul3A_309 = arith.mulf %mul3A_307, %sub3A_270 : vector<16xf32>
      tpu.vector_store_idx %arg9[%get3A_255], %mul3A_308 {add = true} : memref<10240xf32, #tpu.memory_space<vmem>>[vector<16xi32>], vector<16xf32>,
      tpu.vector_store_idx %arg10[%get3A_255], %mul3A_309 {add = true} : memref<10240xf32, #tpu.memory_space<vmem>>[vector<16xi32>], vector<16xf32>,
      %neg3A_310 = arith.constant 0.000000e+00 : f32
      %neg3A_311 = vector.broadcast %neg3A_310 : f32 to vector<16xf32>
      %neg3A_312 = arith.subf %neg3A_311, %mul3A_308 : vector<16xf32>
      tpu.vector_store_idx %arg9[%get3A_259], %neg3A_312 {add = true} : memref<10240xf32, #tpu.memory_space<vmem>>[vector<16xi32>], vector<16xf32>,
      %neg3A_313 = arith.constant 0.000000e+00 : f32
      %neg3A_314 = vector.broadcast %neg3A_313 : f32 to vector<16xf32>
      %neg3A_315 = arith.subf %neg3A_314, %mul3A_309 : vector<16xf32>
      tpu.vector_store_idx %arg10[%get3A_259], %neg3A_315 {add = true} : memref<10240xf32, #tpu.memory_space<vmem>>[vector<16xi32>], vector<16xf32>,
      %mul3A_316 = arith.constant 5 : i32
      %mul3A_317 = arith.muli %scan3A_36, %mul3A_316 : i32
      %add3A_318 = arith.constant 4 : i32
      %add3A_319 = arith.addi %mul3A_317, %add3A_318 : i32
      %mul3A_320 = arith.constant 16 : i32
      %mul3A_321 = arith.muli %add3A_319, %mul3A_320 : i32
      %add3A_322 = arith.addi %sub3A_22, %mul3A_321 : i32
      %get3A_323 = arith.constant 0 : i32
      %get3A_324 = arith.index_cast %get3A_323 : i32 to index
      %get3A_325 = arith.index_cast %add3A_322 : i32 to index
      %get3A_326 = tpu.vector_load %arg8[%get3A_324, %get3A_325] {strides = array<i32>} : memref<2x10240xi32, #tpu.memory_space<vmem>>, vector<16xi32>,
      %get3A_327 = arith.constant 1 : i32
      %get3A_328 = arith.index_cast %get3A_327 : i32 to index
      %get3A_329 = arith.index_cast %add3A_322 : i32 to index
      %get3A_330 = tpu.vector_load %arg8[%get3A_328, %get3A_329] {strides = array<i32>} : memref<2x10240xi32, #tpu.memory_space<vmem>>, vector<16xi32>,
      %broadcast_in_dim3A_331 = arith.constant 0 : i32
      %broadcast_in_dim3A_332 = vector.broadcast %broadcast_in_dim3A_331 : i32 to vector<16xi32>
      %broadcast_in_dim3A_333 = arith.constant 1 : i32
      %broadcast_in_dim3A_334 = vector.broadcast %broadcast_in_dim3A_333 : i32 to vector<16xi32>
      %gather3A_335 = tpu.vector_load_idx %arg6[%broadcast_in_dim3A_332, %get3A_326] : memref<2x10240xf32, #tpu.memory_space<vmem>>[vector<16xi32>, vector<16xi32>], vector<16xf32>,
      %gather3A_336 = tpu.vector_load_idx %arg6[%broadcast_in_dim3A_334, %get3A_326] : memref<2x10240xf32, #tpu.memory_space<vmem>>[vector<16xi32>, vector<16xi32>], vector<16xf32>,
      %gather3A_337 = tpu.vector_load_idx %arg6[%broadcast_in_dim3A_332, %get3A_330] : memref<2x10240xf32, #tpu.memory_space<vmem>>[vector<16xi32>, vector<16xi32>], vector<16xf32>,
      %gather3A_338 = tpu.vector_load_idx %arg6[%broadcast_in_dim3A_334, %get3A_330] : memref<2x10240xf32, #tpu.memory_space<vmem>>[vector<16xi32>, vector<16xi32>], vector<16xf32>,
      %gather3A_339 = tpu.vector_load_idx %arg7[%get3A_326] : memref<10240xf32, #tpu.memory_space<vmem>>[vector<16xi32>], vector<16xf32>,
      %sub3A_340 = arith.subf %gather3A_335, %gather3A_337 : vector<16xf32>
      %sub3A_341 = arith.subf %gather3A_336, %gather3A_338 : vector<16xf32>
      %mul3A_342 = arith.mulf %sub3A_340, %sub3A_340 : vector<16xf32>
      %mul3A_343 = arith.mulf %sub3A_341, %sub3A_341 : vector<16xf32>
      %add3A_344 = arith.addf %mul3A_342, %mul3A_343 : vector<16xf32>
      %add3A_345 = arith.constant 9.99999968E-21 : f32
      %add3A_346 = vector.broadcast %add3A_345 : f32 to vector<16xf32>
      %add3A_347 = arith.addf %add3A_344, %add3A_346 : vector<16xf32>
      %bitcast3A_348 = vector.bitcast %add3A_347 : vector<16xf32> to vector<16xi32>
      %shift_right_arithmetic3A_349 = arith.constant 1 : i32
      %shift_right_arithmetic3A_350 = vector.broadcast %shift_right_arithmetic3A_349 : i32 to vector<16xi32>
      %shift_right_arithmetic3A_351 = arith.shrsi %bitcast3A_348, %shift_right_arithmetic3A_350 : vector<16xi32>
      %sub3A_352 = arith.constant 1597463007 : i32
      %sub3A_353 = vector.broadcast %sub3A_352 : i32 to vector<16xi32>
      %sub3A_354 = arith.subi %sub3A_353, %shift_right_arithmetic3A_351 : vector<16xi32>
      %bitcast3A_355 = vector.bitcast %sub3A_354 : vector<16xi32> to vector<16xf32>
      %mul3A_356 = arith.constant 5.000000e-01 : f32
      %mul3A_357 = vector.broadcast %mul3A_356 : f32 to vector<16xf32>
      %mul3A_358 = arith.mulf %mul3A_357, %add3A_347 : vector<16xf32>
      %mul3A_359 = arith.mulf %mul3A_358, %bitcast3A_355 : vector<16xf32>
      %mul3A_360 = arith.mulf %mul3A_359, %bitcast3A_355 : vector<16xf32>
      %sub3A_361 = arith.constant 1.500000e+00 : f32
      %sub3A_362 = vector.broadcast %sub3A_361 : f32 to vector<16xf32>
      %sub3A_363 = arith.subf %sub3A_362, %mul3A_360 : vector<16xf32>
      %mul3A_364 = arith.mulf %bitcast3A_355, %sub3A_363 : vector<16xf32>
      %mul3A_365 = arith.mulf %mul3A_358, %mul3A_364 : vector<16xf32>
      %mul3A_366 = arith.mulf %mul3A_365, %mul3A_364 : vector<16xf32>
      %sub3A_367 = arith.constant 1.500000e+00 : f32
      %sub3A_368 = vector.broadcast %sub3A_367 : f32 to vector<16xf32>
      %sub3A_369 = arith.subf %sub3A_368, %mul3A_366 : vector<16xf32>
      %mul3A_370 = arith.mulf %mul3A_364, %sub3A_369 : vector<16xf32>
      %mul3A_371 = arith.mulf %add3A_347, %mul3A_370 : vector<16xf32>
      %add3A_372 = arith.constant 0.00999999977 : f32
      %add3A_373 = vector.broadcast %add3A_372 : f32 to vector<16xf32>
      %add3A_374 = arith.addf %mul3A_371, %add3A_373 : vector<16xf32>
      %neg3A_375 = arith.constant 0.000000e+00 : f32
      %neg3A_376 = vector.broadcast %neg3A_375 : f32 to vector<16xf32>
      %neg3A_377 = arith.subf %neg3A_376, %add3A_374 : vector<16xf32>
      %mul3A_378 = arith.mulf %neg3A_377, %gather3A_339 : vector<16xf32>
      %mul3A_379 = arith.mulf %mul3A_378, %sub3A_340 : vector<16xf32>
      %mul3A_380 = arith.mulf %mul3A_378, %sub3A_341 : vector<16xf32>
      tpu.vector_store_idx %arg9[%get3A_326], %mul3A_379 {add = true} : memref<10240xf32, #tpu.memory_space<vmem>>[vector<16xi32>], vector<16xf32>,
      tpu.vector_store_idx %arg10[%get3A_326], %mul3A_380 {add = true} : memref<10240xf32, #tpu.memory_space<vmem>>[vector<16xi32>], vector<16xf32>,
      %neg3A_381 = arith.constant 0.000000e+00 : f32
      %neg3A_382 = vector.broadcast %neg3A_381 : f32 to vector<16xf32>
      %neg3A_383 = arith.subf %neg3A_382, %mul3A_379 : vector<16xf32>
      tpu.vector_store_idx %arg9[%get3A_330], %neg3A_383 {add = true} : memref<10240xf32, #tpu.memory_space<vmem>>[vector<16xi32>], vector<16xf32>,
      %neg3A_384 = arith.constant 0.000000e+00 : f32
      %neg3A_385 = vector.broadcast %neg3A_384 : f32 to vector<16xf32>
      %neg3A_386 = arith.subf %neg3A_385, %mul3A_380 : vector<16xf32>
      tpu.vector_store_idx %arg10[%get3A_330], %neg3A_386 {add = true} : memref<10240xf32, #tpu.memory_space<vmem>>[vector<16xi32>], vector<16xf32>,
    }
    %scan3A_34 = arith.constant 125 : i32
    %run_scoped3A = arith.constant 0 : i32
    "tpu.region"() ({
      %run_scoped3A_36 = tpu.sem_alloc : memref<!tpu.dma_semaphore, #tpu.memory_space<semaphore_mem>>
      %dma_start3A = arith.constant 0 : i32
      %dma_start3A_37 = tpu.memref_slice %arg5[%run_scoped3A, %add3A, %dma_start3A] : memref<2x32x10240xf32, #tpu.memory_space<hbm>> -> memref<1x1x10240xf32, #tpu.memory_space<hbm>>
      %dma_start3A_38 = tpu.memref_squeeze %dma_start3A_37 : memref<1x1x10240xf32, #tpu.memory_space<hbm>> -> memref<10240xf32, #tpu.memory_space<hbm>>
      %dma_start3A_39 = arith.constant 0 : i32
      %dma_start3A_40 = tpu.memref_slice %arg5[%run_scoped3A, %add3A, %dma_start3A_39] : memref<2x32x10240xf32, #tpu.memory_space<hbm>> -> memref<1x1x10240xf32, #tpu.memory_space<hbm>>
      %dma_start3A_41 = tpu.memref_squeeze %dma_start3A_40 : memref<1x1x10240xf32, #tpu.memory_space<hbm>> -> memref<10240xf32, #tpu.memory_space<hbm>>
      tpu.enqueue_dma source(%arg9 : memref<10240xf32, #tpu.memory_space<vmem>>) target(%dma_start3A_41 : memref<10240xf32, #tpu.memory_space<hbm>>) target_semaphore(%run_scoped3A_36 : memref<!tpu.dma_semaphore, #tpu.memory_space<semaphore_mem>>)
      %dma_wait3A = arith.constant 0 : i32
      %dma_wait3A_42 = tpu.memref_slice %arg5[%run_scoped3A, %add3A, %dma_wait3A] : memref<2x32x10240xf32, #tpu.memory_space<hbm>> -> memref<1x1x10240xf32, #tpu.memory_space<hbm>>
      %dma_wait3A_43 = tpu.memref_squeeze %dma_wait3A_42 : memref<1x1x10240xf32, #tpu.memory_space<hbm>> -> memref<10240xf32, #tpu.memory_space<hbm>>
      %dma_wait3A_44 = arith.constant 0 : i32
      %dma_wait3A_45 = tpu.memref_slice %arg5[%run_scoped3A, %add3A, %dma_wait3A_44] : memref<2x32x10240xf32, #tpu.memory_space<hbm>> -> memref<1x1x10240xf32, #tpu.memory_space<hbm>>
      %dma_wait3A_46 = tpu.memref_squeeze %dma_wait3A_45 : memref<1x1x10240xf32, #tpu.memory_space<hbm>> -> memref<10240xf32, #tpu.memory_space<hbm>>
      tpu.wait_dma2 semaphore(%run_scoped3A_36 : memref<!tpu.dma_semaphore, #tpu.memory_space<semaphore_mem>>) src(%arg9 : memref<10240xf32, #tpu.memory_space<vmem>>) dst(%dma_wait3A_46 : memref<10240xf32, #tpu.memory_space<hbm>>)
      tpu.yield
    }) : () -> ()
    %run_scoped3A_35 = arith.constant 1 : i32
    "tpu.region"() ({
      %run_scoped3A_36 = tpu.sem_alloc : memref<!tpu.dma_semaphore, #tpu.memory_space<semaphore_mem>>
      %dma_start3A = arith.constant 0 : i32
      %dma_start3A_37 = tpu.memref_slice %arg5[%run_scoped3A_35, %add3A, %dma_start3A] : memref<2x32x10240xf32, #tpu.memory_space<hbm>> -> memref<1x1x10240xf32, #tpu.memory_space<hbm>>
      %dma_start3A_38 = tpu.memref_squeeze %dma_start3A_37 : memref<1x1x10240xf32, #tpu.memory_space<hbm>> -> memref<10240xf32, #tpu.memory_space<hbm>>
      %dma_start3A_39 = arith.constant 0 : i32
      %dma_start3A_40 = tpu.memref_slice %arg5[%run_scoped3A_35, %add3A, %dma_start3A_39] : memref<2x32x10240xf32, #tpu.memory_space<hbm>> -> memref<1x1x10240xf32, #tpu.memory_space<hbm>>
      %dma_start3A_41 = tpu.memref_squeeze %dma_start3A_40 : memref<1x1x10240xf32, #tpu.memory_space<hbm>> -> memref<10240xf32, #tpu.memory_space<hbm>>
      tpu.enqueue_dma source(%arg10 : memref<10240xf32, #tpu.memory_space<vmem>>) target(%dma_start3A_41 : memref<10240xf32, #tpu.memory_space<hbm>>) target_semaphore(%run_scoped3A_36 : memref<!tpu.dma_semaphore, #tpu.memory_space<semaphore_mem>>)
      %dma_wait3A = arith.constant 0 : i32
      %dma_wait3A_42 = tpu.memref_slice %arg5[%run_scoped3A_35, %add3A, %dma_wait3A] : memref<2x32x10240xf32, #tpu.memory_space<hbm>> -> memref<1x1x10240xf32, #tpu.memory_space<hbm>>
      %dma_wait3A_43 = tpu.memref_squeeze %dma_wait3A_42 : memref<1x1x10240xf32, #tpu.memory_space<hbm>> -> memref<10240xf32, #tpu.memory_space<hbm>>
      %dma_wait3A_44 = arith.constant 0 : i32
      %dma_wait3A_45 = tpu.memref_slice %arg5[%run_scoped3A_35, %add3A, %dma_wait3A_44] : memref<2x32x10240xf32, #tpu.memory_space<hbm>> -> memref<1x1x10240xf32, #tpu.memory_space<hbm>>
      %dma_wait3A_46 = tpu.memref_squeeze %dma_wait3A_45 : memref<1x1x10240xf32, #tpu.memory_space<hbm>> -> memref<10240xf32, #tpu.memory_space<hbm>>
      tpu.wait_dma2 semaphore(%run_scoped3A_36 : memref<!tpu.dma_semaphore, #tpu.memory_space<semaphore_mem>>) src(%arg10 : memref<10240xf32, #tpu.memory_space<vmem>>) dst(%dma_wait3A_46 : memref<10240xf32, #tpu.memory_space<hbm>>)
      tpu.yield
    }) : () -> ()
    return
  }
}

#map = affine_map<(d0, d1) -> (0, 0)>
#map1 = affine_map<(d0, d1) -> (0)>
#map2 = affine_map<(d0, d1) -> (0, 0, 0)>
module attributes {stable_mosaic.version = 14 : i64} {
  func.func @_sc_attract_body(%arg0: i32, %arg1: i32, %arg2: memref<2x10240xf32, #tpu.memory_space<hbm>>, %arg3: memref<10240xf32, #tpu.memory_space<hbm>>, %arg4: memref<2x320000xi32, #tpu.memory_space<hbm>>, %arg5: memref<2x32x10240xf32, #tpu.memory_space<hbm>>, %arg6: memref<2x10240xf32, #tpu.memory_space<vmem>>, %arg7: memref<10240xf32, #tpu.memory_space<vmem>>, %arg8: memref<2x10240xi32, #tpu.memory_space<vmem>>, %arg9: memref<10240xf32, #tpu.memory_space<vmem>>, %arg10: memref<10240xf32, #tpu.memory_space<vmem>>) attributes {dimension_semantics = [#tpu.dimension_semantics<core_parallel>, #tpu.dimension_semantics<subcore_parallel>], iteration_bounds = array<i64: 2, 16>, scalar_prefetch = 0 : i64, scratch_operands = 5 : i64, tpu.core_type = #tpu.core_type<sc_vector_subcore>, window_params = [{transform_indices = #map}, {transform_indices = #map1}, {transform_indices = #map}, {transform_indices = #map2}]} {
    %mul3A = arith.constant 2 : i32
    %mul3A_0 = arith.muli %arg1, %mul3A : i32
    %add3A = arith.addi %mul3A_0, %arg0 : i32
    %mul3A_1 = arith.constant 10000 : i32
    %mul3A_2 = arith.muli %add3A, %mul3A_1 : i32
    %jit3A = arith.constant 128 : i32
    %div3A = arith.divsi %mul3A_2, %jit3A : i32
    %sign3A = arith.constant 0 : i32
    %sign3A_3 = arith.cmpi sgt, %mul3A_2, %sign3A : i32
    %sign3A_4 = arith.extui %sign3A_3 : i1 to i32
    %sign3A_5 = arith.constant 0 : i32
    %sign3A_6 = arith.cmpi slt, %mul3A_2, %sign3A_5 : i32
    %sign3A_7 = arith.extui %sign3A_6 : i1 to i32
    %sign3A_8 = arith.subi %sign3A_4, %sign3A_7 : i32
    %sign3A_9 = arith.constant 0 : i32
    %sign3A_10 = arith.cmpi sgt, %jit3A, %sign3A_9 : i32
    %sign3A_11 = arith.extui %sign3A_10 : i1 to i32
    %sign3A_12 = arith.constant 0 : i32
    %sign3A_13 = arith.cmpi slt, %jit3A, %sign3A_12 : i32
    %sign3A_14 = arith.extui %sign3A_13 : i1 to i32
    %sign3A_15 = arith.subi %sign3A_11, %sign3A_14 : i32
    %ne3A = arith.cmpi ne, %sign3A_8, %sign3A_15 : i32
    %rem3A = arith.remsi %mul3A_2, %jit3A : i32
    %ne3A_16 = arith.constant 0 : i32
    %ne3A_17 = arith.cmpi ne, %rem3A, %ne3A_16 : i32
    %and3A = arith.andi %ne3A, %ne3A_17 : i1
    %sub3A = arith.constant 1 : i32
    %sub3A_18 = arith.subi %div3A, %sub3A : i32
    %select_n3A = arith.select %and3A, %sub3A_18, %div3A : i32
    %mul3A_19 = arith.constant 128 : i32
    %mul3A_20 = arith.muli %select_n3A, %mul3A_19 : i32
    %min3A = arith.constant 309760 : i32
    %min3A_21 = arith.minsi %mul3A_20, %min3A : i32
    %sub3A_22 = arith.subi %mul3A_2, %min3A_21 : i32
    "tpu.region"() ({
      %run_scoped3A_36 = tpu.sem_alloc : memref<!tpu.dma_semaphore, #tpu.memory_space<semaphore_mem>>
      tpu.enqueue_dma source(%arg2 : memref<2x10240xf32, #tpu.memory_space<hbm>>) target(%arg6 : memref<2x10240xf32, #tpu.memory_space<vmem>>) target_semaphore(%run_scoped3A_36 : memref<!tpu.dma_semaphore, #tpu.memory_space<semaphore_mem>>)
      tpu.wait_dma2 semaphore(%run_scoped3A_36 : memref<!tpu.dma_semaphore, #tpu.memory_space<semaphore_mem>>) src(%arg2 : memref<2x10240xf32, #tpu.memory_space<hbm>>) dst(%arg6 : memref<2x10240xf32, #tpu.memory_space<vmem>>)
      tpu.yield
    }) : () -> ()
    "tpu.region"() ({
      %run_scoped3A_36 = tpu.sem_alloc : memref<!tpu.dma_semaphore, #tpu.memory_space<semaphore_mem>>
      tpu.enqueue_dma source(%arg3 : memref<10240xf32, #tpu.memory_space<hbm>>) target(%arg7 : memref<10240xf32, #tpu.memory_space<vmem>>) target_semaphore(%run_scoped3A_36 : memref<!tpu.dma_semaphore, #tpu.memory_space<semaphore_mem>>)
      tpu.wait_dma2 semaphore(%run_scoped3A_36 : memref<!tpu.dma_semaphore, #tpu.memory_space<semaphore_mem>>) src(%arg3 : memref<10240xf32, #tpu.memory_space<hbm>>) dst(%arg7 : memref<10240xf32, #tpu.memory_space<vmem>>)
      tpu.yield
    }) : () -> ()
    "tpu.region"() ({
      %run_scoped3A_36 = tpu.sem_alloc : memref<!tpu.dma_semaphore, #tpu.memory_space<semaphore_mem>>
      %dma_start3A = arith.constant 0 : i32
      %dma_start3A_37 = tpu.memref_slice %arg4[%dma_start3A, %min3A_21] : memref<2x320000xi32, #tpu.memory_space<hbm>> -> memref<2x10240xi32, #tpu.memory_space<hbm>>
      %dma_start3A_38 = arith.constant 0 : i32
      %dma_start3A_39 = tpu.memref_slice %arg4[%dma_start3A_38, %min3A_21] : memref<2x320000xi32, #tpu.memory_space<hbm>> -> memref<2x10240xi32, #tpu.memory_space<hbm>>
      tpu.enqueue_dma source(%dma_start3A_39 : memref<2x10240xi32, #tpu.memory_space<hbm>>) target(%arg8 : memref<2x10240xi32, #tpu.memory_space<vmem>>) target_semaphore(%run_scoped3A_36 : memref<!tpu.dma_semaphore, #tpu.memory_space<semaphore_mem>>)
      %dma_wait3A = arith.constant 0 : i32
      %dma_wait3A_40 = tpu.memref_slice %arg4[%dma_wait3A, %min3A_21] : memref<2x320000xi32, #tpu.memory_space<hbm>> -> memref<2x10240xi32, #tpu.memory_space<hbm>>
      %dma_wait3A_41 = arith.constant 0 : i32
      %dma_wait3A_42 = tpu.memref_slice %arg4[%dma_wait3A_41, %min3A_21] : memref<2x320000xi32, #tpu.memory_space<hbm>> -> memref<2x10240xi32, #tpu.memory_space<hbm>>
      tpu.wait_dma2 semaphore(%run_scoped3A_36 : memref<!tpu.dma_semaphore, #tpu.memory_space<semaphore_mem>>) src(%dma_wait3A_42 : memref<2x10240xi32, #tpu.memory_space<hbm>>) dst(%arg8 : memref<2x10240xi32, #tpu.memory_space<vmem>>)
      tpu.yield
    }) : () -> ()
    %broadcast_in_dim3A = arith.constant 0.000000e+00 : f32
    %broadcast_in_dim3A_23 = vector.broadcast %broadcast_in_dim3A : f32 to vector<16xf32>
    %scan3A = arith.constant 0 : i32
    %scan3A_24 = arith.constant 0 : i32
    %scan3A_25 = arith.constant 640 : i32
    %scan3A_26 = arith.addi %scan3A_24, %scan3A_25 : i32
    %scan3A_27 = arith.constant 1 : i32
    scf.for %scan3A_36 = %scan3A_24 to %scan3A_26 step %scan3A_27  : i32 {
      %mul3A_37 = arith.constant 16 : i32
      %mul3A_38 = arith.muli %scan3A_36, %mul3A_37 : i32
      %swap3A = arith.index_cast %mul3A_38 : i32 to index
      %swap3A_39 = tpu.vector_load %arg9[%swap3A] {strides = array<i32>} : memref<10240xf32, #tpu.memory_space<vmem>>, vector<16xf32>,
      tpu.vector_store %arg9[%swap3A], %broadcast_in_dim3A_23 {strides = array<i32>} : memref<10240xf32, #tpu.memory_space<vmem>>, vector<16xf32>,
      %mul3A_40 = arith.constant 16 : i32
      %mul3A_41 = arith.muli %scan3A_36, %mul3A_40 : i32
      %swap3A_42 = arith.index_cast %mul3A_41 : i32 to index
      %swap3A_43 = tpu.vector_load %arg10[%swap3A_42] {strides = array<i32>} : memref<10240xf32, #tpu.memory_space<vmem>>, vector<16xf32>,
      tpu.vector_store %arg10[%swap3A_42], %broadcast_in_dim3A_23 {strides = array<i32>} : memref<10240xf32, #tpu.memory_space<vmem>>, vector<16xf32>,
    }
    %scan3A_28 = arith.constant 640 : i32
    %scan3A_29 = arith.constant 0 : i32
    %scan3A_30 = arith.constant 0 : i32
    %scan3A_31 = arith.constant 125 : i32
    %scan3A_32 = arith.addi %scan3A_30, %scan3A_31 : i32
    %scan3A_33 = arith.constant 1 : i32
    scf.for %scan3A_36 = %scan3A_30 to %scan3A_32 step %scan3A_33  : i32 {
      %mul3A_37 = arith.constant 5 : i32
      %mul3A_38 = arith.muli %scan3A_36, %mul3A_37 : i32
      %add3A_39 = arith.constant 0 : i32
      %add3A_40 = arith.addi %mul3A_38, %add3A_39 : i32
      %mul3A_41 = arith.constant 16 : i32
      %mul3A_42 = arith.muli %add3A_40, %mul3A_41 : i32
      %add3A_43 = arith.addi %sub3A_22, %mul3A_42 : i32
      %get3A = arith.constant 0 : i32
      %get3A_44 = arith.index_cast %get3A : i32 to index
      %get3A_45 = arith.index_cast %add3A_43 : i32 to index
      %get3A_46 = tpu.vector_load %arg8[%get3A_44, %get3A_45] {strides = array<i32>} : memref<2x10240xi32, #tpu.memory_space<vmem>>, vector<16xi32>,
      %get3A_47 = arith.constant 1 : i32
      %get3A_48 = arith.index_cast %get3A_47 : i32 to index
      %get3A_49 = arith.index_cast %add3A_43 : i32 to index
      %get3A_50 = tpu.vector_load %arg8[%get3A_48, %get3A_49] {strides = array<i32>} : memref<2x10240xi32, #tpu.memory_space<vmem>>, vector<16xi32>,
      %broadcast_in_dim3A_51 = arith.constant 0 : i32
      %broadcast_in_dim3A_52 = vector.broadcast %broadcast_in_dim3A_51 : i32 to vector<16xi32>
      %broadcast_in_dim3A_53 = arith.constant 1 : i32
      %broadcast_in_dim3A_54 = vector.broadcast %broadcast_in_dim3A_53 : i32 to vector<16xi32>
      %gather3A = tpu.vector_load_idx %arg6[%broadcast_in_dim3A_52, %get3A_46] : memref<2x10240xf32, #tpu.memory_space<vmem>>[vector<16xi32>, vector<16xi32>], vector<16xf32>,
      %gather3A_55 = tpu.vector_load_idx %arg6[%broadcast_in_dim3A_54, %get3A_46] : memref<2x10240xf32, #tpu.memory_space<vmem>>[vector<16xi32>, vector<16xi32>], vector<16xf32>,
      %gather3A_56 = tpu.vector_load_idx %arg6[%broadcast_in_dim3A_52, %get3A_50] : memref<2x10240xf32, #tpu.memory_space<vmem>>[vector<16xi32>, vector<16xi32>], vector<16xf32>,
      %gather3A_57 = tpu.vector_load_idx %arg6[%broadcast_in_dim3A_54, %get3A_50] : memref<2x10240xf32, #tpu.memory_space<vmem>>[vector<16xi32>, vector<16xi32>], vector<16xf32>,
      %gather3A_58 = tpu.vector_load_idx %arg7[%get3A_46] : memref<10240xf32, #tpu.memory_space<vmem>>[vector<16xi32>], vector<16xf32>,
      %sub3A_59 = arith.subf %gather3A, %gather3A_56 : vector<16xf32>
      %sub3A_60 = arith.subf %gather3A_55, %gather3A_57 : vector<16xf32>
      %mul3A_61 = arith.mulf %sub3A_59, %sub3A_59 : vector<16xf32>
      %mul3A_62 = arith.mulf %sub3A_60, %sub3A_60 : vector<16xf32>
      %add3A_63 = arith.addf %mul3A_61, %mul3A_62 : vector<16xf32>
      %add3A_64 = arith.constant 9.99999968E-21 : f32
      %add3A_65 = vector.broadcast %add3A_64 : f32 to vector<16xf32>
      %add3A_66 = arith.addf %add3A_63, %add3A_65 : vector<16xf32>
      %bitcast3A = vector.bitcast %add3A_66 : vector<16xf32> to vector<16xi32>
      %shift_right_arithmetic3A = arith.constant 1 : i32
      %shift_right_arithmetic3A_67 = vector.broadcast %shift_right_arithmetic3A : i32 to vector<16xi32>
      %shift_right_arithmetic3A_68 = arith.shrsi %bitcast3A, %shift_right_arithmetic3A_67 : vector<16xi32>
      %sub3A_69 = arith.constant 1597463007 : i32
      %sub3A_70 = vector.broadcast %sub3A_69 : i32 to vector<16xi32>
      %sub3A_71 = arith.subi %sub3A_70, %shift_right_arithmetic3A_68 : vector<16xi32>
      %bitcast3A_72 = vector.bitcast %sub3A_71 : vector<16xi32> to vector<16xf32>
      %mul3A_73 = arith.constant 5.000000e-01 : f32
      %mul3A_74 = vector.broadcast %mul3A_73 : f32 to vector<16xf32>
      %mul3A_75 = arith.mulf %mul3A_74, %add3A_66 : vector<16xf32>
      %mul3A_76 = arith.mulf %mul3A_75, %bitcast3A_72 : vector<16xf32>
      %mul3A_77 = arith.mulf %mul3A_76, %bitcast3A_72 : vector<16xf32>
      %sub3A_78 = arith.constant 1.500000e+00 : f32
      %sub3A_79 = vector.broadcast %sub3A_78 : f32 to vector<16xf32>
      %sub3A_80 = arith.subf %sub3A_79, %mul3A_77 : vector<16xf32>
      %mul3A_81 = arith.mulf %bitcast3A_72, %sub3A_80 : vector<16xf32>
      %mul3A_82 = arith.mulf %mul3A_75, %mul3A_81 : vector<16xf32>
      %mul3A_83 = arith.mulf %mul3A_82, %mul3A_81 : vector<16xf32>
      %sub3A_84 = arith.constant 1.500000e+00 : f32
      %sub3A_85 = vector.broadcast %sub3A_84 : f32 to vector<16xf32>
      %sub3A_86 = arith.subf %sub3A_85, %mul3A_83 : vector<16xf32>
      %mul3A_87 = arith.mulf %mul3A_81, %sub3A_86 : vector<16xf32>
      %mul3A_88 = arith.mulf %add3A_66, %mul3A_87 : vector<16xf32>
      %add3A_89 = arith.constant 0.00999999977 : f32
      %add3A_90 = vector.broadcast %add3A_89 : f32 to vector<16xf32>
      %add3A_91 = arith.addf %mul3A_88, %add3A_90 : vector<16xf32>
      %neg3A = arith.constant 0.000000e+00 : f32
      %neg3A_92 = vector.broadcast %neg3A : f32 to vector<16xf32>
      %neg3A_93 = arith.subf %neg3A_92, %add3A_91 : vector<16xf32>
      %mul3A_94 = arith.mulf %neg3A_93, %gather3A_58 : vector<16xf32>
      %mul3A_95 = arith.mulf %mul3A_94, %sub3A_59 : vector<16xf32>
      %mul3A_96 = arith.mulf %mul3A_94, %sub3A_60 : vector<16xf32>
      tpu.vector_store_idx %arg9[%get3A_46], %mul3A_95 {add = true} : memref<10240xf32, #tpu.memory_space<vmem>>[vector<16xi32>], vector<16xf32>,
      tpu.vector_store_idx %arg10[%get3A_46], %mul3A_96 {add = true} : memref<10240xf32, #tpu.memory_space<vmem>>[vector<16xi32>], vector<16xf32>,
      %neg3A_97 = arith.constant 0.000000e+00 : f32
      %neg3A_98 = vector.broadcast %neg3A_97 : f32 to vector<16xf32>
      %neg3A_99 = arith.subf %neg3A_98, %mul3A_95 : vector<16xf32>
      tpu.vector_store_idx %arg9[%get3A_50], %neg3A_99 {add = true} : memref<10240xf32, #tpu.memory_space<vmem>>[vector<16xi32>], vector<16xf32>,
      %neg3A_100 = arith.constant 0.000000e+00 : f32
      %neg3A_101 = vector.broadcast %neg3A_100 : f32 to vector<16xf32>
      %neg3A_102 = arith.subf %neg3A_101, %mul3A_96 : vector<16xf32>
      tpu.vector_store_idx %arg10[%get3A_50], %neg3A_102 {add = true} : memref<10240xf32, #tpu.memory_space<vmem>>[vector<16xi32>], vector<16xf32>,
      %mul3A_103 = arith.constant 5 : i32
      %mul3A_104 = arith.muli %scan3A_36, %mul3A_103 : i32
      %add3A_105 = arith.constant 1 : i32
      %add3A_106 = arith.addi %mul3A_104, %add3A_105 : i32
      %mul3A_107 = arith.constant 16 : i32
      %mul3A_108 = arith.muli %add3A_106, %mul3A_107 : i32
      %add3A_109 = arith.addi %sub3A_22, %mul3A_108 : i32
      %get3A_110 = arith.constant 0 : i32
      %get3A_111 = arith.index_cast %get3A_110 : i32 to index
      %get3A_112 = arith.index_cast %add3A_109 : i32 to index
      %get3A_113 = tpu.vector_load %arg8[%get3A_111, %get3A_112] {strides = array<i32>} : memref<2x10240xi32, #tpu.memory_space<vmem>>, vector<16xi32>,
      %get3A_114 = arith.constant 1 : i32
      %get3A_115 = arith.index_cast %get3A_114 : i32 to index
      %get3A_116 = arith.index_cast %add3A_109 : i32 to index
      %get3A_117 = tpu.vector_load %arg8[%get3A_115, %get3A_116] {strides = array<i32>} : memref<2x10240xi32, #tpu.memory_space<vmem>>, vector<16xi32>,
      %broadcast_in_dim3A_118 = arith.constant 0 : i32
      %broadcast_in_dim3A_119 = vector.broadcast %broadcast_in_dim3A_118 : i32 to vector<16xi32>
      %broadcast_in_dim3A_120 = arith.constant 1 : i32
      %broadcast_in_dim3A_121 = vector.broadcast %broadcast_in_dim3A_120 : i32 to vector<16xi32>
      %gather3A_122 = tpu.vector_load_idx %arg6[%broadcast_in_dim3A_119, %get3A_113] : memref<2x10240xf32, #tpu.memory_space<vmem>>[vector<16xi32>, vector<16xi32>], vector<16xf32>,
      %gather3A_123 = tpu.vector_load_idx %arg6[%broadcast_in_dim3A_121, %get3A_113] : memref<2x10240xf32, #tpu.memory_space<vmem>>[vector<16xi32>, vector<16xi32>], vector<16xf32>,
      %gather3A_124 = tpu.vector_load_idx %arg6[%broadcast_in_dim3A_119, %get3A_117] : memref<2x10240xf32, #tpu.memory_space<vmem>>[vector<16xi32>, vector<16xi32>], vector<16xf32>,
      %gather3A_125 = tpu.vector_load_idx %arg6[%broadcast_in_dim3A_121, %get3A_117] : memref<2x10240xf32, #tpu.memory_space<vmem>>[vector<16xi32>, vector<16xi32>], vector<16xf32>,
      %gather3A_126 = tpu.vector_load_idx %arg7[%get3A_113] : memref<10240xf32, #tpu.memory_space<vmem>>[vector<16xi32>], vector<16xf32>,
      %sub3A_127 = arith.subf %gather3A_122, %gather3A_124 : vector<16xf32>
      %sub3A_128 = arith.subf %gather3A_123, %gather3A_125 : vector<16xf32>
      %mul3A_129 = arith.mulf %sub3A_127, %sub3A_127 : vector<16xf32>
      %mul3A_130 = arith.mulf %sub3A_128, %sub3A_128 : vector<16xf32>
      %add3A_131 = arith.addf %mul3A_129, %mul3A_130 : vector<16xf32>
      %add3A_132 = arith.constant 9.99999968E-21 : f32
      %add3A_133 = vector.broadcast %add3A_132 : f32 to vector<16xf32>
      %add3A_134 = arith.addf %add3A_131, %add3A_133 : vector<16xf32>
      %bitcast3A_135 = vector.bitcast %add3A_134 : vector<16xf32> to vector<16xi32>
      %shift_right_arithmetic3A_136 = arith.constant 1 : i32
      %shift_right_arithmetic3A_137 = vector.broadcast %shift_right_arithmetic3A_136 : i32 to vector<16xi32>
      %shift_right_arithmetic3A_138 = arith.shrsi %bitcast3A_135, %shift_right_arithmetic3A_137 : vector<16xi32>
      %sub3A_139 = arith.constant 1597463007 : i32
      %sub3A_140 = vector.broadcast %sub3A_139 : i32 to vector<16xi32>
      %sub3A_141 = arith.subi %sub3A_140, %shift_right_arithmetic3A_138 : vector<16xi32>
      %bitcast3A_142 = vector.bitcast %sub3A_141 : vector<16xi32> to vector<16xf32>
      %mul3A_143 = arith.constant 5.000000e-01 : f32
      %mul3A_144 = vector.broadcast %mul3A_143 : f32 to vector<16xf32>
      %mul3A_145 = arith.mulf %mul3A_144, %add3A_134 : vector<16xf32>
      %mul3A_146 = arith.mulf %mul3A_145, %bitcast3A_142 : vector<16xf32>
      %mul3A_147 = arith.mulf %mul3A_146, %bitcast3A_142 : vector<16xf32>
      %sub3A_148 = arith.constant 1.500000e+00 : f32
      %sub3A_149 = vector.broadcast %sub3A_148 : f32 to vector<16xf32>
      %sub3A_150 = arith.subf %sub3A_149, %mul3A_147 : vector<16xf32>
      %mul3A_151 = arith.mulf %bitcast3A_142, %sub3A_150 : vector<16xf32>
      %mul3A_152 = arith.mulf %mul3A_145, %mul3A_151 : vector<16xf32>
      %mul3A_153 = arith.mulf %mul3A_152, %mul3A_151 : vector<16xf32>
      %sub3A_154 = arith.constant 1.500000e+00 : f32
      %sub3A_155 = vector.broadcast %sub3A_154 : f32 to vector<16xf32>
      %sub3A_156 = arith.subf %sub3A_155, %mul3A_153 : vector<16xf32>
      %mul3A_157 = arith.mulf %mul3A_151, %sub3A_156 : vector<16xf32>
      %mul3A_158 = arith.mulf %add3A_134, %mul3A_157 : vector<16xf32>
      %add3A_159 = arith.constant 0.00999999977 : f32
      %add3A_160 = vector.broadcast %add3A_159 : f32 to vector<16xf32>
      %add3A_161 = arith.addf %mul3A_158, %add3A_160 : vector<16xf32>
      %neg3A_162 = arith.constant 0.000000e+00 : f32
      %neg3A_163 = vector.broadcast %neg3A_162 : f32 to vector<16xf32>
      %neg3A_164 = arith.subf %neg3A_163, %add3A_161 : vector<16xf32>
      %mul3A_165 = arith.mulf %neg3A_164, %gather3A_126 : vector<16xf32>
      %mul3A_166 = arith.mulf %mul3A_165, %sub3A_127 : vector<16xf32>
      %mul3A_167 = arith.mulf %mul3A_165, %sub3A_128 : vector<16xf32>
      tpu.vector_store_idx %arg9[%get3A_113], %mul3A_166 {add = true} : memref<10240xf32, #tpu.memory_space<vmem>>[vector<16xi32>], vector<16xf32>,
      tpu.vector_store_idx %arg10[%get3A_113], %mul3A_167 {add = true} : memref<10240xf32, #tpu.memory_space<vmem>>[vector<16xi32>], vector<16xf32>,
      %neg3A_168 = arith.constant 0.000000e+00 : f32
      %neg3A_169 = vector.broadcast %neg3A_168 : f32 to vector<16xf32>
      %neg3A_170 = arith.subf %neg3A_169, %mul3A_166 : vector<16xf32>
      tpu.vector_store_idx %arg9[%get3A_117], %neg3A_170 {add = true} : memref<10240xf32, #tpu.memory_space<vmem>>[vector<16xi32>], vector<16xf32>,
      %neg3A_171 = arith.constant 0.000000e+00 : f32
      %neg3A_172 = vector.broadcast %neg3A_171 : f32 to vector<16xf32>
      %neg3A_173 = arith.subf %neg3A_172, %mul3A_167 : vector<16xf32>
      tpu.vector_store_idx %arg10[%get3A_117], %neg3A_173 {add = true} : memref<10240xf32, #tpu.memory_space<vmem>>[vector<16xi32>], vector<16xf32>,
      %mul3A_174 = arith.constant 5 : i32
      %mul3A_175 = arith.muli %scan3A_36, %mul3A_174 : i32
      %add3A_176 = arith.constant 2 : i32
      %add3A_177 = arith.addi %mul3A_175, %add3A_176 : i32
      %mul3A_178 = arith.constant 16 : i32
      %mul3A_179 = arith.muli %add3A_177, %mul3A_178 : i32
      %add3A_180 = arith.addi %sub3A_22, %mul3A_179 : i32
      %get3A_181 = arith.constant 0 : i32
      %get3A_182 = arith.index_cast %get3A_181 : i32 to index
      %get3A_183 = arith.index_cast %add3A_180 : i32 to index
      %get3A_184 = tpu.vector_load %arg8[%get3A_182, %get3A_183] {strides = array<i32>} : memref<2x10240xi32, #tpu.memory_space<vmem>>, vector<16xi32>,
      %get3A_185 = arith.constant 1 : i32
      %get3A_186 = arith.index_cast %get3A_185 : i32 to index
      %get3A_187 = arith.index_cast %add3A_180 : i32 to index
      %get3A_188 = tpu.vector_load %arg8[%get3A_186, %get3A_187] {strides = array<i32>} : memref<2x10240xi32, #tpu.memory_space<vmem>>, vector<16xi32>,
      %broadcast_in_dim3A_189 = arith.constant 0 : i32
      %broadcast_in_dim3A_190 = vector.broadcast %broadcast_in_dim3A_189 : i32 to vector<16xi32>
      %broadcast_in_dim3A_191 = arith.constant 1 : i32
      %broadcast_in_dim3A_192 = vector.broadcast %broadcast_in_dim3A_191 : i32 to vector<16xi32>
      %gather3A_193 = tpu.vector_load_idx %arg6[%broadcast_in_dim3A_190, %get3A_184] : memref<2x10240xf32, #tpu.memory_space<vmem>>[vector<16xi32>, vector<16xi32>], vector<16xf32>,
      %gather3A_194 = tpu.vector_load_idx %arg6[%broadcast_in_dim3A_192, %get3A_184] : memref<2x10240xf32, #tpu.memory_space<vmem>>[vector<16xi32>, vector<16xi32>], vector<16xf32>,
      %gather3A_195 = tpu.vector_load_idx %arg6[%broadcast_in_dim3A_190, %get3A_188] : memref<2x10240xf32, #tpu.memory_space<vmem>>[vector<16xi32>, vector<16xi32>], vector<16xf32>,
      %gather3A_196 = tpu.vector_load_idx %arg6[%broadcast_in_dim3A_192, %get3A_188] : memref<2x10240xf32, #tpu.memory_space<vmem>>[vector<16xi32>, vector<16xi32>], vector<16xf32>,
      %gather3A_197 = tpu.vector_load_idx %arg7[%get3A_184] : memref<10240xf32, #tpu.memory_space<vmem>>[vector<16xi32>], vector<16xf32>,
      %sub3A_198 = arith.subf %gather3A_193, %gather3A_195 : vector<16xf32>
      %sub3A_199 = arith.subf %gather3A_194, %gather3A_196 : vector<16xf32>
      %mul3A_200 = arith.mulf %sub3A_198, %sub3A_198 : vector<16xf32>
      %mul3A_201 = arith.mulf %sub3A_199, %sub3A_199 : vector<16xf32>
      %add3A_202 = arith.addf %mul3A_200, %mul3A_201 : vector<16xf32>
      %add3A_203 = arith.constant 9.99999968E-21 : f32
      %add3A_204 = vector.broadcast %add3A_203 : f32 to vector<16xf32>
      %add3A_205 = arith.addf %add3A_202, %add3A_204 : vector<16xf32>
      %bitcast3A_206 = vector.bitcast %add3A_205 : vector<16xf32> to vector<16xi32>
      %shift_right_arithmetic3A_207 = arith.constant 1 : i32
      %shift_right_arithmetic3A_208 = vector.broadcast %shift_right_arithmetic3A_207 : i32 to vector<16xi32>
      %shift_right_arithmetic3A_209 = arith.shrsi %bitcast3A_206, %shift_right_arithmetic3A_208 : vector<16xi32>
      %sub3A_210 = arith.constant 1597463007 : i32
      %sub3A_211 = vector.broadcast %sub3A_210 : i32 to vector<16xi32>
      %sub3A_212 = arith.subi %sub3A_211, %shift_right_arithmetic3A_209 : vector<16xi32>
      %bitcast3A_213 = vector.bitcast %sub3A_212 : vector<16xi32> to vector<16xf32>
      %mul3A_214 = arith.constant 5.000000e-01 : f32
      %mul3A_215 = vector.broadcast %mul3A_214 : f32 to vector<16xf32>
      %mul3A_216 = arith.mulf %mul3A_215, %add3A_205 : vector<16xf32>
      %mul3A_217 = arith.mulf %mul3A_216, %bitcast3A_213 : vector<16xf32>
      %mul3A_218 = arith.mulf %mul3A_217, %bitcast3A_213 : vector<16xf32>
      %sub3A_219 = arith.constant 1.500000e+00 : f32
      %sub3A_220 = vector.broadcast %sub3A_219 : f32 to vector<16xf32>
      %sub3A_221 = arith.subf %sub3A_220, %mul3A_218 : vector<16xf32>
      %mul3A_222 = arith.mulf %bitcast3A_213, %sub3A_221 : vector<16xf32>
      %mul3A_223 = arith.mulf %mul3A_216, %mul3A_222 : vector<16xf32>
      %mul3A_224 = arith.mulf %mul3A_223, %mul3A_222 : vector<16xf32>
      %sub3A_225 = arith.constant 1.500000e+00 : f32
      %sub3A_226 = vector.broadcast %sub3A_225 : f32 to vector<16xf32>
      %sub3A_227 = arith.subf %sub3A_226, %mul3A_224 : vector<16xf32>
      %mul3A_228 = arith.mulf %mul3A_222, %sub3A_227 : vector<16xf32>
      %mul3A_229 = arith.mulf %add3A_205, %mul3A_228 : vector<16xf32>
      %add3A_230 = arith.constant 0.00999999977 : f32
      %add3A_231 = vector.broadcast %add3A_230 : f32 to vector<16xf32>
      %add3A_232 = arith.addf %mul3A_229, %add3A_231 : vector<16xf32>
      %neg3A_233 = arith.constant 0.000000e+00 : f32
      %neg3A_234 = vector.broadcast %neg3A_233 : f32 to vector<16xf32>
      %neg3A_235 = arith.subf %neg3A_234, %add3A_232 : vector<16xf32>
      %mul3A_236 = arith.mulf %neg3A_235, %gather3A_197 : vector<16xf32>
      %mul3A_237 = arith.mulf %mul3A_236, %sub3A_198 : vector<16xf32>
      %mul3A_238 = arith.mulf %mul3A_236, %sub3A_199 : vector<16xf32>
      tpu.vector_store_idx %arg9[%get3A_184], %mul3A_237 {add = true} : memref<10240xf32, #tpu.memory_space<vmem>>[vector<16xi32>], vector<16xf32>,
      tpu.vector_store_idx %arg10[%get3A_184], %mul3A_238 {add = true} : memref<10240xf32, #tpu.memory_space<vmem>>[vector<16xi32>], vector<16xf32>,
      %neg3A_239 = arith.constant 0.000000e+00 : f32
      %neg3A_240 = vector.broadcast %neg3A_239 : f32 to vector<16xf32>
      %neg3A_241 = arith.subf %neg3A_240, %mul3A_237 : vector<16xf32>
      tpu.vector_store_idx %arg9[%get3A_188], %neg3A_241 {add = true} : memref<10240xf32, #tpu.memory_space<vmem>>[vector<16xi32>], vector<16xf32>,
      %neg3A_242 = arith.constant 0.000000e+00 : f32
      %neg3A_243 = vector.broadcast %neg3A_242 : f32 to vector<16xf32>
      %neg3A_244 = arith.subf %neg3A_243, %mul3A_238 : vector<16xf32>
      tpu.vector_store_idx %arg10[%get3A_188], %neg3A_244 {add = true} : memref<10240xf32, #tpu.memory_space<vmem>>[vector<16xi32>], vector<16xf32>,
      %mul3A_245 = arith.constant 5 : i32
      %mul3A_246 = arith.muli %scan3A_36, %mul3A_245 : i32
      %add3A_247 = arith.constant 3 : i32
      %add3A_248 = arith.addi %mul3A_246, %add3A_247 : i32
      %mul3A_249 = arith.constant 16 : i32
      %mul3A_250 = arith.muli %add3A_248, %mul3A_249 : i32
      %add3A_251 = arith.addi %sub3A_22, %mul3A_250 : i32
      %get3A_252 = arith.constant 0 : i32
      %get3A_253 = arith.index_cast %get3A_252 : i32 to index
      %get3A_254 = arith.index_cast %add3A_251 : i32 to index
      %get3A_255 = tpu.vector_load %arg8[%get3A_253, %get3A_254] {strides = array<i32>} : memref<2x10240xi32, #tpu.memory_space<vmem>>, vector<16xi32>,
      %get3A_256 = arith.constant 1 : i32
      %get3A_257 = arith.index_cast %get3A_256 : i32 to index
      %get3A_258 = arith.index_cast %add3A_251 : i32 to index
      %get3A_259 = tpu.vector_load %arg8[%get3A_257, %get3A_258] {strides = array<i32>} : memref<2x10240xi32, #tpu.memory_space<vmem>>, vector<16xi32>,
      %broadcast_in_dim3A_260 = arith.constant 0 : i32
      %broadcast_in_dim3A_261 = vector.broadcast %broadcast_in_dim3A_260 : i32 to vector<16xi32>
      %broadcast_in_dim3A_262 = arith.constant 1 : i32
      %broadcast_in_dim3A_263 = vector.broadcast %broadcast_in_dim3A_262 : i32 to vector<16xi32>
      %gather3A_264 = tpu.vector_load_idx %arg6[%broadcast_in_dim3A_261, %get3A_255] : memref<2x10240xf32, #tpu.memory_space<vmem>>[vector<16xi32>, vector<16xi32>], vector<16xf32>,
      %gather3A_265 = tpu.vector_load_idx %arg6[%broadcast_in_dim3A_263, %get3A_255] : memref<2x10240xf32, #tpu.memory_space<vmem>>[vector<16xi32>, vector<16xi32>], vector<16xf32>,
      %gather3A_266 = tpu.vector_load_idx %arg6[%broadcast_in_dim3A_261, %get3A_259] : memref<2x10240xf32, #tpu.memory_space<vmem>>[vector<16xi32>, vector<16xi32>], vector<16xf32>,
      %gather3A_267 = tpu.vector_load_idx %arg6[%broadcast_in_dim3A_263, %get3A_259] : memref<2x10240xf32, #tpu.memory_space<vmem>>[vector<16xi32>, vector<16xi32>], vector<16xf32>,
      %gather3A_268 = tpu.vector_load_idx %arg7[%get3A_255] : memref<10240xf32, #tpu.memory_space<vmem>>[vector<16xi32>], vector<16xf32>,
      %sub3A_269 = arith.subf %gather3A_264, %gather3A_266 : vector<16xf32>
      %sub3A_270 = arith.subf %gather3A_265, %gather3A_267 : vector<16xf32>
      %mul3A_271 = arith.mulf %sub3A_269, %sub3A_269 : vector<16xf32>
      %mul3A_272 = arith.mulf %sub3A_270, %sub3A_270 : vector<16xf32>
      %add3A_273 = arith.addf %mul3A_271, %mul3A_272 : vector<16xf32>
      %add3A_274 = arith.constant 9.99999968E-21 : f32
      %add3A_275 = vector.broadcast %add3A_274 : f32 to vector<16xf32>
      %add3A_276 = arith.addf %add3A_273, %add3A_275 : vector<16xf32>
      %bitcast3A_277 = vector.bitcast %add3A_276 : vector<16xf32> to vector<16xi32>
      %shift_right_arithmetic3A_278 = arith.constant 1 : i32
      %shift_right_arithmetic3A_279 = vector.broadcast %shift_right_arithmetic3A_278 : i32 to vector<16xi32>
      %shift_right_arithmetic3A_280 = arith.shrsi %bitcast3A_277, %shift_right_arithmetic3A_279 : vector<16xi32>
      %sub3A_281 = arith.constant 1597463007 : i32
      %sub3A_282 = vector.broadcast %sub3A_281 : i32 to vector<16xi32>
      %sub3A_283 = arith.subi %sub3A_282, %shift_right_arithmetic3A_280 : vector<16xi32>
      %bitcast3A_284 = vector.bitcast %sub3A_283 : vector<16xi32> to vector<16xf32>
      %mul3A_285 = arith.constant 5.000000e-01 : f32
      %mul3A_286 = vector.broadcast %mul3A_285 : f32 to vector<16xf32>
      %mul3A_287 = arith.mulf %mul3A_286, %add3A_276 : vector<16xf32>
      %mul3A_288 = arith.mulf %mul3A_287, %bitcast3A_284 : vector<16xf32>
      %mul3A_289 = arith.mulf %mul3A_288, %bitcast3A_284 : vector<16xf32>
      %sub3A_290 = arith.constant 1.500000e+00 : f32
      %sub3A_291 = vector.broadcast %sub3A_290 : f32 to vector<16xf32>
      %sub3A_292 = arith.subf %sub3A_291, %mul3A_289 : vector<16xf32>
      %mul3A_293 = arith.mulf %bitcast3A_284, %sub3A_292 : vector<16xf32>
      %mul3A_294 = arith.mulf %mul3A_287, %mul3A_293 : vector<16xf32>
      %mul3A_295 = arith.mulf %mul3A_294, %mul3A_293 : vector<16xf32>
      %sub3A_296 = arith.constant 1.500000e+00 : f32
      %sub3A_297 = vector.broadcast %sub3A_296 : f32 to vector<16xf32>
      %sub3A_298 = arith.subf %sub3A_297, %mul3A_295 : vector<16xf32>
      %mul3A_299 = arith.mulf %mul3A_293, %sub3A_298 : vector<16xf32>
      %mul3A_300 = arith.mulf %add3A_276, %mul3A_299 : vector<16xf32>
      %add3A_301 = arith.constant 0.00999999977 : f32
      %add3A_302 = vector.broadcast %add3A_301 : f32 to vector<16xf32>
      %add3A_303 = arith.addf %mul3A_300, %add3A_302 : vector<16xf32>
      %neg3A_304 = arith.constant 0.000000e+00 : f32
      %neg3A_305 = vector.broadcast %neg3A_304 : f32 to vector<16xf32>
      %neg3A_306 = arith.subf %neg3A_305, %add3A_303 : vector<16xf32>
      %mul3A_307 = arith.mulf %neg3A_306, %gather3A_268 : vector<16xf32>
      %mul3A_308 = arith.mulf %mul3A_307, %sub3A_269 : vector<16xf32>
      %mul3A_309 = arith.mulf %mul3A_307, %sub3A_270 : vector<16xf32>
      tpu.vector_store_idx %arg9[%get3A_255], %mul3A_308 {add = true} : memref<10240xf32, #tpu.memory_space<vmem>>[vector<16xi32>], vector<16xf32>,
      tpu.vector_store_idx %arg10[%get3A_255], %mul3A_309 {add = true} : memref<10240xf32, #tpu.memory_space<vmem>>[vector<16xi32>], vector<16xf32>,
      %neg3A_310 = arith.constant 0.000000e+00 : f32
      %neg3A_311 = vector.broadcast %neg3A_310 : f32 to vector<16xf32>
      %neg3A_312 = arith.subf %neg3A_311, %mul3A_308 : vector<16xf32>
      tpu.vector_store_idx %arg9[%get3A_259], %neg3A_312 {add = true} : memref<10240xf32, #tpu.memory_space<vmem>>[vector<16xi32>], vector<16xf32>,
      %neg3A_313 = arith.constant 0.000000e+00 : f32
      %neg3A_314 = vector.broadcast %neg3A_313 : f32 to vector<16xf32>
      %neg3A_315 = arith.subf %neg3A_314, %mul3A_309 : vector<16xf32>
      tpu.vector_store_idx %arg10[%get3A_259], %neg3A_315 {add = true} : memref<10240xf32, #tpu.memory_space<vmem>>[vector<16xi32>], vector<16xf32>,
      %mul3A_316 = arith.constant 5 : i32
      %mul3A_317 = arith.muli %scan3A_36, %mul3A_316 : i32
      %add3A_318 = arith.constant 4 : i32
      %add3A_319 = arith.addi %mul3A_317, %add3A_318 : i32
      %mul3A_320 = arith.constant 16 : i32
      %mul3A_321 = arith.muli %add3A_319, %mul3A_320 : i32
      %add3A_322 = arith.addi %sub3A_22, %mul3A_321 : i32
      %get3A_323 = arith.constant 0 : i32
      %get3A_324 = arith.index_cast %get3A_323 : i32 to index
      %get3A_325 = arith.index_cast %add3A_322 : i32 to index
      %get3A_326 = tpu.vector_load %arg8[%get3A_324, %get3A_325] {strides = array<i32>} : memref<2x10240xi32, #tpu.memory_space<vmem>>, vector<16xi32>,
      %get3A_327 = arith.constant 1 : i32
      %get3A_328 = arith.index_cast %get3A_327 : i32 to index
      %get3A_329 = arith.index_cast %add3A_322 : i32 to index
      %get3A_330 = tpu.vector_load %arg8[%get3A_328, %get3A_329] {strides = array<i32>} : memref<2x10240xi32, #tpu.memory_space<vmem>>, vector<16xi32>,
      %broadcast_in_dim3A_331 = arith.constant 0 : i32
      %broadcast_in_dim3A_332 = vector.broadcast %broadcast_in_dim3A_331 : i32 to vector<16xi32>
      %broadcast_in_dim3A_333 = arith.constant 1 : i32
      %broadcast_in_dim3A_334 = vector.broadcast %broadcast_in_dim3A_333 : i32 to vector<16xi32>
      %gather3A_335 = tpu.vector_load_idx %arg6[%broadcast_in_dim3A_332, %get3A_326] : memref<2x10240xf32, #tpu.memory_space<vmem>>[vector<16xi32>, vector<16xi32>], vector<16xf32>,
      %gather3A_336 = tpu.vector_load_idx %arg6[%broadcast_in_dim3A_334, %get3A_326] : memref<2x10240xf32, #tpu.memory_space<vmem>>[vector<16xi32>, vector<16xi32>], vector<16xf32>,
      %gather3A_337 = tpu.vector_load_idx %arg6[%broadcast_in_dim3A_332, %get3A_330] : memref<2x10240xf32, #tpu.memory_space<vmem>>[vector<16xi32>, vector<16xi32>], vector<16xf32>,
      %gather3A_338 = tpu.vector_load_idx %arg6[%broadcast_in_dim3A_334, %get3A_330] : memref<2x10240xf32, #tpu.memory_space<vmem>>[vector<16xi32>, vector<16xi32>], vector<16xf32>,
      %gather3A_339 = tpu.vector_load_idx %arg7[%get3A_326] : memref<10240xf32, #tpu.memory_space<vmem>>[vector<16xi32>], vector<16xf32>,
      %sub3A_340 = arith.subf %gather3A_335, %gather3A_337 : vector<16xf32>
      %sub3A_341 = arith.subf %gather3A_336, %gather3A_338 : vector<16xf32>
      %mul3A_342 = arith.mulf %sub3A_340, %sub3A_340 : vector<16xf32>
      %mul3A_343 = arith.mulf %sub3A_341, %sub3A_341 : vector<16xf32>
      %add3A_344 = arith.addf %mul3A_342, %mul3A_343 : vector<16xf32>
      %add3A_345 = arith.constant 9.99999968E-21 : f32
      %add3A_346 = vector.broadcast %add3A_345 : f32 to vector<16xf32>
      %add3A_347 = arith.addf %add3A_344, %add3A_346 : vector<16xf32>
      %bitcast3A_348 = vector.bitcast %add3A_347 : vector<16xf32> to vector<16xi32>
      %shift_right_arithmetic3A_349 = arith.constant 1 : i32
      %shift_right_arithmetic3A_350 = vector.broadcast %shift_right_arithmetic3A_349 : i32 to vector<16xi32>
      %shift_right_arithmetic3A_351 = arith.shrsi %bitcast3A_348, %shift_right_arithmetic3A_350 : vector<16xi32>
      %sub3A_352 = arith.constant 1597463007 : i32
      %sub3A_353 = vector.broadcast %sub3A_352 : i32 to vector<16xi32>
      %sub3A_354 = arith.subi %sub3A_353, %shift_right_arithmetic3A_351 : vector<16xi32>
      %bitcast3A_355 = vector.bitcast %sub3A_354 : vector<16xi32> to vector<16xf32>
      %mul3A_356 = arith.constant 5.000000e-01 : f32
      %mul3A_357 = vector.broadcast %mul3A_356 : f32 to vector<16xf32>
      %mul3A_358 = arith.mulf %mul3A_357, %add3A_347 : vector<16xf32>
      %mul3A_359 = arith.mulf %mul3A_358, %bitcast3A_355 : vector<16xf32>
      %mul3A_360 = arith.mulf %mul3A_359, %bitcast3A_355 : vector<16xf32>
      %sub3A_361 = arith.constant 1.500000e+00 : f32
      %sub3A_362 = vector.broadcast %sub3A_361 : f32 to vector<16xf32>
      %sub3A_363 = arith.subf %sub3A_362, %mul3A_360 : vector<16xf32>
      %mul3A_364 = arith.mulf %bitcast3A_355, %sub3A_363 : vector<16xf32>
      %mul3A_365 = arith.mulf %mul3A_358, %mul3A_364 : vector<16xf32>
      %mul3A_366 = arith.mulf %mul3A_365, %mul3A_364 : vector<16xf32>
      %sub3A_367 = arith.constant 1.500000e+00 : f32
      %sub3A_368 = vector.broadcast %sub3A_367 : f32 to vector<16xf32>
      %sub3A_369 = arith.subf %sub3A_368, %mul3A_366 : vector<16xf32>
      %mul3A_370 = arith.mulf %mul3A_364, %sub3A_369 : vector<16xf32>
      %mul3A_371 = arith.mulf %add3A_347, %mul3A_370 : vector<16xf32>
      %add3A_372 = arith.constant 0.00999999977 : f32
      %add3A_373 = vector.broadcast %add3A_372 : f32 to vector<16xf32>
      %add3A_374 = arith.addf %mul3A_371, %add3A_373 : vector<16xf32>
      %neg3A_375 = arith.constant 0.000000e+00 : f32
      %neg3A_376 = vector.broadcast %neg3A_375 : f32 to vector<16xf32>
      %neg3A_377 = arith.subf %neg3A_376, %add3A_374 : vector<16xf32>
      %mul3A_378 = arith.mulf %neg3A_377, %gather3A_339 : vector<16xf32>
      %mul3A_379 = arith.mulf %mul3A_378, %sub3A_340 : vector<16xf32>
      %mul3A_380 = arith.mulf %mul3A_378, %sub3A_341 : vector<16xf32>
      tpu.vector_store_idx %arg9[%get3A_326], %mul3A_379 {add = true} : memref<10240xf32, #tpu.memory_space<vmem>>[vector<16xi32>], vector<16xf32>,
      tpu.vector_store_idx %arg10[%get3A_326], %mul3A_380 {add = true} : memref<10240xf32, #tpu.memory_space<vmem>>[vector<16xi32>], vector<16xf32>,
      %neg3A_381 = arith.constant 0.000000e+00 : f32
      %neg3A_382 = vector.broadcast %neg3A_381 : f32 to vector<16xf32>
      %neg3A_383 = arith.subf %neg3A_382, %mul3A_379 : vector<16xf32>
      tpu.vector_store_idx %arg9[%get3A_330], %neg3A_383 {add = true} : memref<10240xf32, #tpu.memory_space<vmem>>[vector<16xi32>], vector<16xf32>,
      %neg3A_384 = arith.constant 0.000000e+00 : f32
      %neg3A_385 = vector.broadcast %neg3A_384 : f32 to vector<16xf32>
      %neg3A_386 = arith.subf %neg3A_385, %mul3A_380 : vector<16xf32>
      tpu.vector_store_idx %arg10[%get3A_330], %neg3A_386 {add = true} : memref<10240xf32, #tpu.memory_space<vmem>>[vector<16xi32>], vector<16xf32>,
    }
    %scan3A_34 = arith.constant 125 : i32
    %run_scoped3A = arith.constant 0 : i32
    "tpu.region"() ({
      %run_scoped3A_36 = tpu.sem_alloc : memref<!tpu.dma_semaphore, #tpu.memory_space<semaphore_mem>>
      %dma_start3A = arith.constant 0 : i32
      %dma_start3A_37 = tpu.memref_slice %arg5[%run_scoped3A, %add3A, %dma_start3A] : memref<2x32x10240xf32, #tpu.memory_space<hbm>> -> memref<1x1x10240xf32, #tpu.memory_space<hbm>>
      %dma_start3A_38 = tpu.memref_squeeze %dma_start3A_37 : memref<1x1x10240xf32, #tpu.memory_space<hbm>> -> memref<10240xf32, #tpu.memory_space<hbm>>
      %dma_start3A_39 = arith.constant 0 : i32
      %dma_start3A_40 = tpu.memref_slice %arg5[%run_scoped3A, %add3A, %dma_start3A_39] : memref<2x32x10240xf32, #tpu.memory_space<hbm>> -> memref<1x1x10240xf32, #tpu.memory_space<hbm>>
      %dma_start3A_41 = tpu.memref_squeeze %dma_start3A_40 : memref<1x1x10240xf32, #tpu.memory_space<hbm>> -> memref<10240xf32, #tpu.memory_space<hbm>>
      tpu.enqueue_dma source(%arg9 : memref<10240xf32, #tpu.memory_space<vmem>>) target(%dma_start3A_41 : memref<10240xf32, #tpu.memory_space<hbm>>) target_semaphore(%run_scoped3A_36 : memref<!tpu.dma_semaphore, #tpu.memory_space<semaphore_mem>>)
      %dma_wait3A = arith.constant 0 : i32
      %dma_wait3A_42 = tpu.memref_slice %arg5[%run_scoped3A, %add3A, %dma_wait3A] : memref<2x32x10240xf32, #tpu.memory_space<hbm>> -> memref<1x1x10240xf32, #tpu.memory_space<hbm>>
      %dma_wait3A_43 = tpu.memref_squeeze %dma_wait3A_42 : memref<1x1x10240xf32, #tpu.memory_space<hbm>> -> memref<10240xf32, #tpu.memory_space<hbm>>
      %dma_wait3A_44 = arith.constant 0 : i32
      %dma_wait3A_45 = tpu.memref_slice %arg5[%run_scoped3A, %add3A, %dma_wait3A_44] : memref<2x32x10240xf32, #tpu.memory_space<hbm>> -> memref<1x1x10240xf32, #tpu.memory_space<hbm>>
      %dma_wait3A_46 = tpu.memref_squeeze %dma_wait3A_45 : memref<1x1x10240xf32, #tpu.memory_space<hbm>> -> memref<10240xf32, #tpu.memory_space<hbm>>
      tpu.wait_dma2 semaphore(%run_scoped3A_36 : memref<!tpu.dma_semaphore, #tpu.memory_space<semaphore_mem>>) src(%arg9 : memref<10240xf32, #tpu.memory_space<vmem>>) dst(%dma_wait3A_46 : memref<10240xf32, #tpu.memory_space<hbm>>)
      tpu.yield
    }) : () -> ()
    %run_scoped3A_35 = arith.constant 1 : i32
    "tpu.region"() ({
      %run_scoped3A_36 = tpu.sem_alloc : memref<!tpu.dma_semaphore, #tpu.memory_space<semaphore_mem>>
      %dma_start3A = arith.constant 0 : i32
      %dma_start3A_37 = tpu.memref_slice %arg5[%run_scoped3A_35, %add3A, %dma_start3A] : memref<2x32x10240xf32, #tpu.memory_space<hbm>> -> memref<1x1x10240xf32, #tpu.memory_space<hbm>>
      %dma_start3A_38 = tpu.memref_squeeze %dma_start3A_37 : memref<1x1x10240xf32, #tpu.memory_space<hbm>> -> memref<10240xf32, #tpu.memory_space<hbm>>
      %dma_start3A_39 = arith.constant 0 : i32
      %dma_start3A_40 = tpu.memref_slice %arg5[%run_scoped3A_35, %add3A, %dma_start3A_39] : memref<2x32x10240xf32, #tpu.memory_space<hbm>> -> memref<1x1x10240xf32, #tpu.memory_space<hbm>>
      %dma_start3A_41 = tpu.memref_squeeze %dma_start3A_40 : memref<1x1x10240xf32, #tpu.memory_space<hbm>> -> memref<10240xf32, #tpu.memory_space<hbm>>
      tpu.enqueue_dma source(%arg10 : memref<10240xf32, #tpu.memory_space<vmem>>) target(%dma_start3A_41 : memref<10240xf32, #tpu.memory_space<hbm>>) target_semaphore(%run_scoped3A_36 : memref<!tpu.dma_semaphore, #tpu.memory_space<semaphore_mem>>)
      %dma_wait3A = arith.constant 0 : i32
      %dma_wait3A_42 = tpu.memref_slice %arg5[%run_scoped3A_35, %add3A, %dma_wait3A] : memref<2x32x10240xf32, #tpu.memory_space<hbm>> -> memref<1x1x10240xf32, #tpu.memory_space<hbm>>
      %dma_wait3A_43 = tpu.memref_squeeze %dma_wait3A_42 : memref<1x1x10240xf32, #tpu.memory_space<hbm>> -> memref<10240xf32, #tpu.memory_space<hbm>>
      %dma_wait3A_44 = arith.constant 0 : i32
      %dma_wait3A_45 = tpu.memref_slice %arg5[%run_scoped3A_35, %add3A, %dma_wait3A_44] : memref<2x32x10240xf32, #tpu.memory_space<hbm>> -> memref<1x1x10240xf32, #tpu.memory_space<hbm>>
      %dma_wait3A_46 = tpu.memref_squeeze %dma_wait3A_45 : memref<1x1x10240xf32, #tpu.memory_space<hbm>> -> memref<10240xf32, #tpu.memory_space<hbm>>
      tpu.wait_dma2 semaphore(%run_scoped3A_36 : memref<!tpu.dma_semaphore, #tpu.memory_space<semaphore_mem>>) src(%arg10 : memref<10240xf32, #tpu.memory_space<vmem>>) dst(%dma_wait3A_46 : memref<10240xf32, #tpu.memory_space<hbm>>)
      tpu.yield
    }) : () -> ()
    return
  }
}

module attributes {stable_mosaic.version = 14 : i64} {
  func.func @_prep_body(%arg0: memref<1x10240xi32, #tpu.memory_space<vmem>>, %arg1: memref<40x256xi32, #tpu.memory_space<vmem>>, %arg2: memref<1x10240xf32, #tpu.memory_space<vmem>>, %arg3: memref<1x10240xf32, #tpu.memory_space<vmem>>, %arg4: memref<1x10240xf32, #tpu.memory_space<vmem>>, %arg5: memref<10240x1xf32, #tpu.memory_space<vmem>>, %arg6: memref<1x40xi32, #tpu.memory_space<vmem>>, %arg7: memref<1x40xi32, #tpu.memory_space<vmem>>) attributes {dimension_semantics = [], scalar_prefetch = 0 : i64, scratch_operands = 0 : i64, tpu.core_type = #tpu.core_type<tc>} {
    %get3A = arith.constant 0 : index
    %get3A_0 = arith.constant 0 : index
    %get3A_1 = vector.load %arg0[%get3A, %get3A_0] : memref<1x10240xi32, #tpu.memory_space<vmem>>, vector<1x10240xi32>
    %iota3A = tpu.iota {dimensions = array<i32: 0>} : vector<100x1xi32>
    %eq3A = vector.broadcast %get3A_1 : vector<1x10240xi32> to vector<100x10240xi32>
    %eq3A_2 = vector.broadcast %iota3A : vector<100x1xi32> to vector<100x10240xi32>
    %eq3A_3 = arith.cmpi eq, %eq3A, %eq3A_2 : vector<100x10240xi32>
    %convert_element_type3A = arith.extui %eq3A_3 : vector<100x10240xi1> to vector<100x10240xi32>
    %convert_element_type3A_4 = arith.sitofp %convert_element_type3A : vector<100x10240xi32> to vector<100x10240xf32>
    %reduce_sum3A = arith.constant dense<0.000000e+00> : vector<100xf32>
    %reduce_sum3A_5 = vector.multi_reduction <add>, %convert_element_type3A_4, %reduce_sum3A [1] : vector<100x10240xf32> to vector<100xf32>
    %broadcast_in_dim3A = vector.shape_cast %reduce_sum3A_5 : vector<100xf32> to vector<100x1xf32>
    %mul3A = vector.broadcast %broadcast_in_dim3A : vector<100x1xf32> to vector<100x10240xf32>
    %mul3A_6 = arith.mulf %convert_element_type3A_4, %mul3A : vector<100x10240xf32>
    %reduce_sum3A_7 = arith.constant dense<0.000000e+00> : vector<10240xf32>
    %reduce_sum3A_8 = vector.multi_reduction <add>, %mul3A_6, %reduce_sum3A_7 [0] : vector<100x10240xf32> to vector<10240xf32>
    %broadcast_in_dim3A_9 = vector.shape_cast %reduce_sum3A_8 : vector<10240xf32> to vector<1x10240xf32>
    %max3A = arith.constant 1.000000e+00 : f32
    %max3A_10 = vector.broadcast %max3A : f32 to vector<1x10240xf32>
    %max3A_11 = arith.maximumf %broadcast_in_dim3A_9, %max3A_10 : vector<1x10240xf32>
    %sqrt3A = math.sqrt %max3A_11 : vector<1x10240xf32>
    %swap3A = arith.constant 0 : index
    %swap3A_12 = arith.constant 0 : index
    %swap3A_13 = vector.load %arg2[%swap3A, %swap3A_12] : memref<1x10240xf32, #tpu.memory_space<vmem>>, vector<1x10240xf32>
    tpu.vector_store %arg2[%swap3A, %swap3A_12], %sqrt3A {strides = array<i32>} : memref<1x10240xf32, #tpu.memory_space<vmem>>, vector<1x10240xf32>,
    %div3A = arith.constant 1.000000e+00 : f32
    %div3A_14 = vector.broadcast %div3A : f32 to vector<1x10240xf32>
    %div3A_15 = arith.divf %div3A_14, %max3A_11 : vector<1x10240xf32>
    %swap3A_16 = arith.constant 0 : index
    %swap3A_17 = arith.constant 0 : index
    %swap3A_18 = vector.load %arg3[%swap3A_16, %swap3A_17] : memref<1x10240xf32, #tpu.memory_space<vmem>>, vector<1x10240xf32>
    tpu.vector_store %arg3[%swap3A_16, %swap3A_17], %div3A_15 {strides = array<i32>} : memref<1x10240xf32, #tpu.memory_space<vmem>>, vector<1x10240xf32>,
    %convert_element_type3A_19 = arith.sitofp %get3A_1 : vector<1x10240xi32> to vector<1x10240xf32>
    %swap3A_20 = arith.constant 0 : index
    %swap3A_21 = arith.constant 0 : index
    %swap3A_22 = vector.load %arg4[%swap3A_20, %swap3A_21] : memref<1x10240xf32, #tpu.memory_space<vmem>>, vector<1x10240xf32>
    tpu.vector_store %arg4[%swap3A_20, %swap3A_21], %convert_element_type3A_19 {strides = array<i32>} : memref<1x10240xf32, #tpu.memory_space<vmem>>, vector<1x10240xf32>,
    %transpose3A = tpu.transpose %convert_element_type3A_19, [1, 0] : vector<1x10240xf32> -> vector<10240x1xf32>
    %swap3A_23 = arith.constant 0 : index
    %swap3A_24 = arith.constant 0 : index
    %swap3A_25 = vector.load %arg5[%swap3A_23, %swap3A_24] : memref<10240x1xf32, #tpu.memory_space<vmem>>, vector<10240x1xf32>
    tpu.vector_store %arg5[%swap3A_23, %swap3A_24], %transpose3A {strides = array<i32>} : memref<10240x1xf32, #tpu.memory_space<vmem>>, vector<10240x1xf32>,
    %get3A_26 = arith.constant 0 : index
    %get3A_27 = arith.constant 0 : index
    %get3A_28 = vector.load %arg1[%get3A_26, %get3A_27] : memref<40x256xi32, #tpu.memory_space<vmem>>, vector<40x256xi32>
    %slice3A = vector.extract_strided_slice %get3A_28 {offsets = [0, 0], sizes = [40, 1], strides = [1, 1]} : vector<40x256xi32> to vector<40x1xi32>
    %slice3A_29 = vector.extract_strided_slice %get3A_28 {offsets = [0, 255], sizes = [40, 1], strides = [1, 1]} : vector<40x256xi32> to vector<40x1xi32>
    %transpose3A_30 = tpu.transpose %slice3A, [1, 0] : vector<40x1xi32> -> vector<1x40xi32>
    %transpose3A_31 = tpu.transpose %slice3A_29, [1, 0] : vector<40x1xi32> -> vector<1x40xi32>
    %lt3A = vector.broadcast %slice3A_29 : vector<40x1xi32> to vector<40x40xi32>
    %lt3A_32 = vector.broadcast %transpose3A_30 : vector<1x40xi32> to vector<40x40xi32>
    %lt3A_33 = arith.cmpi slt, %lt3A, %lt3A_32 : vector<40x40xi32>
    %convert_element_type3A_34 = arith.extui %lt3A_33 : vector<40x40xi1> to vector<40x40xi32>
    %reduce_sum3A_35 = arith.constant dense<0> : vector<40xi32>
    %reduce_sum3A_36 = vector.multi_reduction <add>, %convert_element_type3A_34, %reduce_sum3A_35 [0] : vector<40x40xi32> to vector<40xi32>
    %broadcast_in_dim3A_37 = vector.shape_cast %reduce_sum3A_36 : vector<40xi32> to vector<1x40xi32>
    %swap3A_38 = arith.constant 0 : index
    %swap3A_39 = arith.constant 0 : index
    %swap3A_40 = vector.load %arg6[%swap3A_38, %swap3A_39] : memref<1x40xi32, #tpu.memory_space<vmem>>, vector<1x40xi32>
    tpu.vector_store %arg6[%swap3A_38, %swap3A_39], %broadcast_in_dim3A_37 {strides = array<i32>} : memref<1x40xi32, #tpu.memory_space<vmem>>, vector<1x40xi32>,
    %le3A = vector.broadcast %slice3A : vector<40x1xi32> to vector<40x40xi32>
    %le3A_41 = vector.broadcast %transpose3A_31 : vector<1x40xi32> to vector<40x40xi32>
    %le3A_42 = arith.cmpi sle, %le3A, %le3A_41 : vector<40x40xi32>
    %convert_element_type3A_43 = arith.extui %le3A_42 : vector<40x40xi1> to vector<40x40xi32>
    %reduce_sum3A_44 = arith.constant dense<0> : vector<40xi32>
    %reduce_sum3A_45 = vector.multi_reduction <add>, %convert_element_type3A_43, %reduce_sum3A_44 [0] : vector<40x40xi32> to vector<40xi32>
    %broadcast_in_dim3A_46 = vector.shape_cast %reduce_sum3A_45 : vector<40xi32> to vector<1x40xi32>
    %swap3A_47 = arith.constant 0 : index
    %swap3A_48 = arith.constant 0 : index
    %swap3A_49 = vector.load %arg7[%swap3A_47, %swap3A_48] : memref<1x40xi32, #tpu.memory_space<vmem>>, vector<1x40xi32>
    tpu.vector_store %arg7[%swap3A_47, %swap3A_48], %broadcast_in_dim3A_46 {strides = array<i32>} : memref<1x40xi32, #tpu.memory_space<vmem>>, vector<1x40xi32>,
    return
  }
}

module attributes {stable_mosaic.version = 14 : i64} {
  func.func @_rep_body(%arg0: i32, %arg1: memref<2x256xf32, #tpu.memory_space<vmem>>, %arg2: memref<1x256xf32, #tpu.memory_space<vmem>>, %arg3: memref<1x256xf32, #tpu.memory_space<vmem>>, %arg4: memref<10240x2xf32, #tpu.memory_space<vmem>>, %arg5: memref<10240x1xf32, #tpu.memory_space<vmem>>, %arg6: memref<1x40xi32, #tpu.memory_space<smem>>, %arg7: memref<1x40xi32, #tpu.memory_space<smem>>, %arg8: memref<2x256xf32, #tpu.memory_space<vmem>>) attributes {dimension_semantics = [#tpu.dimension_semantics<arbitrary>], iteration_bounds = array<i64: 40>, scalar_prefetch = 0 : i64, scratch_operands = 0 : i64, tpu.core_type = #tpu.core_type<tc>, window_params = [{transform_indices = @transform_0, window_bounds = array<i64: 2, 256>}, {transform_indices = @transform_1, window_bounds = array<i64: 1, 256>}, {transform_indices = @transform_2, window_bounds = array<i64: 1, 256>}, {pipeline_mode = #tpu.pipeline_mode<synchronous>, transform_indices = @transform_3, window_bounds = array<i64: 10240, 2>}, {pipeline_mode = #tpu.pipeline_mode<synchronous>, transform_indices = @transform_4, window_bounds = array<i64: 10240, 1>}, {transform_indices = @transform_5, window_bounds = array<i64: 1, 40>}, {transform_indices = @transform_6, window_bounds = array<i64: 1, 40>}, {transform_indices = @transform_7, window_bounds = array<i64: 2, 256>}]} {
    %get3A = arith.constant 0 : index
    %get3A_0 = arith.constant 0 : index
    %get3A_1 = vector.load %arg1[%get3A, %get3A_0] : memref<2x256xf32, #tpu.memory_space<vmem>>, vector<1x256xf32>
    %get3A_2 = arith.constant 1 : index
    %get3A_3 = arith.constant 0 : index
    %get3A_4 = vector.load %arg1[%get3A_2, %get3A_3] : memref<2x256xf32, #tpu.memory_space<vmem>>, vector<1x256xf32>
    %get3A_5 = arith.constant 0 : index
    %get3A_6 = arith.constant 0 : index
    %get3A_7 = vector.load %arg2[%get3A_5, %get3A_6] : memref<1x256xf32, #tpu.memory_space<vmem>>, vector<1x256xf32>
    %get3A_8 = arith.constant 0 : index
    %get3A_9 = arith.constant 0 : index
    %get3A_10 = vector.load %arg3[%get3A_8, %get3A_9] : memref<1x256xf32, #tpu.memory_space<vmem>>, vector<1x256xf32>
    %get3A_11 = arith.constant 0 : index
    %get3A_12 = arith.index_cast %arg0 : i32 to index
    %get3A_13 = memref.load %arg6[%get3A_11, %get3A_12] : memref<1x40xi32, #tpu.memory_space<smem>>
    %get3A_14 = arith.constant 0 : index
    %get3A_15 = arith.index_cast %arg0 : i32 to index
    %get3A_16 = memref.load %arg7[%get3A_14, %get3A_15] : memref<1x40xi32, #tpu.memory_space<smem>>
    %broadcast_in_dim3A = arith.constant 0.000000e+00 : f32
    %broadcast_in_dim3A_17 = vector.broadcast %broadcast_in_dim3A : f32 to vector<1x256xf32>
    %add3A = arith.constant 0 : i32
    %add3A_18 = arith.addi %get3A_13, %add3A : i32
    %min3A = arith.constant 39 : i32
    %min3A_19 = arith.minsi %add3A_18, %min3A : i32
    %lt3A = arith.cmpi slt, %add3A_18, %get3A_16 : i32
    %convert_element_type3A = arith.extui %lt3A : i1 to i32
    %convert_element_type3A_20 = arith.sitofp %convert_element_type3A : i32 to f32
    %mul3A = arith.constant 256 : i32
    %mul3A_21 = arith.muli %min3A_19, %mul3A : i32
    %get3A_22 = arith.index_cast %mul3A_21 : i32 to index
    %get3A_23 = arith.constant 0 : index
    %get3A_24 = vector.load %arg4[%get3A_22, %get3A_23] : memref<10240x2xf32, #tpu.memory_space<vmem>>, vector<256x1xf32>
    %get3A_25 = arith.index_cast %mul3A_21 : i32 to index
    %get3A_26 = arith.constant 1 : index
    %get3A_27 = vector.load %arg4[%get3A_25, %get3A_26] : memref<10240x2xf32, #tpu.memory_space<vmem>>, vector<256x1xf32>
    %get3A_28 = arith.index_cast %mul3A_21 : i32 to index
    %get3A_29 = arith.constant 0 : index
    %get3A_30 = vector.load %arg5[%get3A_28, %get3A_29] : memref<10240x1xf32, #tpu.memory_space<vmem>>, vector<256x1xf32>
    %sub3A = vector.broadcast %get3A_1 : vector<1x256xf32> to vector<256x256xf32>
    %sub3A_31 = vector.broadcast %get3A_24 : vector<256x1xf32> to vector<256x256xf32>
    %sub3A_32 = arith.subf %sub3A, %sub3A_31 : vector<256x256xf32>
    %sub3A_33 = vector.broadcast %get3A_4 : vector<1x256xf32> to vector<256x256xf32>
    %sub3A_34 = vector.broadcast %get3A_27 : vector<256x1xf32> to vector<256x256xf32>
    %sub3A_35 = arith.subf %sub3A_33, %sub3A_34 : vector<256x256xf32>
    %mul3A_36 = arith.mulf %sub3A_32, %sub3A_32 : vector<256x256xf32>
    %mul3A_37 = arith.mulf %sub3A_35, %sub3A_35 : vector<256x256xf32>
    %add3A_38 = arith.addf %mul3A_36, %mul3A_37 : vector<256x256xf32>
    %sqrt3A = math.sqrt %add3A_38 : vector<256x256xf32>
    %add3A_39 = arith.constant 0.00999999977 : f32
    %add3A_40 = vector.broadcast %add3A_39 : f32 to vector<256x256xf32>
    %add3A_41 = arith.addf %sqrt3A, %add3A_40 : vector<256x256xf32>
    %eq3A = vector.broadcast %get3A_7 : vector<1x256xf32> to vector<256x256xf32>
    %eq3A_42 = vector.broadcast %get3A_30 : vector<256x1xf32> to vector<256x256xf32>
    %eq3A_43 = arith.cmpf oeq, %eq3A, %eq3A_42 : vector<256x256xf32>
    %mul3A_44 = arith.mulf %add3A_41, %add3A_41 : vector<256x256xf32>
    %div3A = vector.broadcast %convert_element_type3A_20 : f32 to vector<256x256xf32>
    %div3A_45 = arith.divf %div3A, %mul3A_44 : vector<256x256xf32>
    %jit3A = arith.constant 0.000000e+00 : f32
    %broadcast_in_dim3A_46 = vector.broadcast %jit3A : f32 to vector<256x256xf32>
    %select_n3A = arith.select %eq3A_43, %div3A_45, %broadcast_in_dim3A_46 : vector<256x256xi1>, vector<256x256xf32>
    %mul3A_47 = arith.mulf %select_n3A, %sub3A_32 : vector<256x256xf32>
    %reduce_sum3A = arith.constant dense<0.000000e+00> : vector<256xf32>
    %reduce_sum3A_48 = vector.multi_reduction <add>, %mul3A_47, %reduce_sum3A [0] : vector<256x256xf32> to vector<256xf32>
    %broadcast_in_dim3A_49 = vector.shape_cast %reduce_sum3A_48 : vector<256xf32> to vector<1x256xf32>
    %add3A_50 = arith.addf %broadcast_in_dim3A_17, %broadcast_in_dim3A_49 : vector<1x256xf32>
    %mul3A_51 = arith.mulf %select_n3A, %sub3A_35 : vector<256x256xf32>
    %reduce_sum3A_52 = arith.constant dense<0.000000e+00> : vector<256xf32>
    %reduce_sum3A_53 = vector.multi_reduction <add>, %mul3A_51, %reduce_sum3A_52 [0] : vector<256x256xf32> to vector<256xf32>
    %broadcast_in_dim3A_54 = vector.shape_cast %reduce_sum3A_53 : vector<256xf32> to vector<1x256xf32>
    %add3A_55 = arith.addf %broadcast_in_dim3A_17, %broadcast_in_dim3A_54 : vector<1x256xf32>
    %add3A_56 = arith.constant 1 : i32
    %add3A_57 = arith.addi %get3A_13, %add3A_56 : i32
    %min3A_58 = arith.constant 39 : i32
    %min3A_59 = arith.minsi %add3A_57, %min3A_58 : i32
    %lt3A_60 = arith.cmpi slt, %add3A_57, %get3A_16 : i32
    %convert_element_type3A_61 = arith.extui %lt3A_60 : i1 to i32
    %convert_element_type3A_62 = arith.sitofp %convert_element_type3A_61 : i32 to f32
    %mul3A_63 = arith.constant 256 : i32
    %mul3A_64 = arith.muli %min3A_59, %mul3A_63 : i32
    %get3A_65 = arith.index_cast %mul3A_64 : i32 to index
    %get3A_66 = arith.constant 0 : index
    %get3A_67 = vector.load %arg4[%get3A_65, %get3A_66] : memref<10240x2xf32, #tpu.memory_space<vmem>>, vector<256x1xf32>
    %get3A_68 = arith.index_cast %mul3A_64 : i32 to index
    %get3A_69 = arith.constant 1 : index
    %get3A_70 = vector.load %arg4[%get3A_68, %get3A_69] : memref<10240x2xf32, #tpu.memory_space<vmem>>, vector<256x1xf32>
    %get3A_71 = arith.index_cast %mul3A_64 : i32 to index
    %get3A_72 = arith.constant 0 : index
    %get3A_73 = vector.load %arg5[%get3A_71, %get3A_72] : memref<10240x1xf32, #tpu.memory_space<vmem>>, vector<256x1xf32>
    %sub3A_74 = vector.broadcast %get3A_1 : vector<1x256xf32> to vector<256x256xf32>
    %sub3A_75 = vector.broadcast %get3A_67 : vector<256x1xf32> to vector<256x256xf32>
    %sub3A_76 = arith.subf %sub3A_74, %sub3A_75 : vector<256x256xf32>
    %sub3A_77 = vector.broadcast %get3A_4 : vector<1x256xf32> to vector<256x256xf32>
    %sub3A_78 = vector.broadcast %get3A_70 : vector<256x1xf32> to vector<256x256xf32>
    %sub3A_79 = arith.subf %sub3A_77, %sub3A_78 : vector<256x256xf32>
    %mul3A_80 = arith.mulf %sub3A_76, %sub3A_76 : vector<256x256xf32>
    %mul3A_81 = arith.mulf %sub3A_79, %sub3A_79 : vector<256x256xf32>
    %add3A_82 = arith.addf %mul3A_80, %mul3A_81 : vector<256x256xf32>
    %sqrt3A_83 = math.sqrt %add3A_82 : vector<256x256xf32>
    %add3A_84 = arith.constant 0.00999999977 : f32
    %add3A_85 = vector.broadcast %add3A_84 : f32 to vector<256x256xf32>
    %add3A_86 = arith.addf %sqrt3A_83, %add3A_85 : vector<256x256xf32>
    %eq3A_87 = vector.broadcast %get3A_7 : vector<1x256xf32> to vector<256x256xf32>
    %eq3A_88 = vector.broadcast %get3A_73 : vector<256x1xf32> to vector<256x256xf32>
    %eq3A_89 = arith.cmpf oeq, %eq3A_87, %eq3A_88 : vector<256x256xf32>
    %mul3A_90 = arith.mulf %add3A_86, %add3A_86 : vector<256x256xf32>
    %div3A_91 = vector.broadcast %convert_element_type3A_62 : f32 to vector<256x256xf32>
    %div3A_92 = arith.divf %div3A_91, %mul3A_90 : vector<256x256xf32>
    %jit3A_93 = arith.constant 0.000000e+00 : f32
    %broadcast_in_dim3A_94 = vector.broadcast %jit3A_93 : f32 to vector<256x256xf32>
    %select_n3A_95 = arith.select %eq3A_89, %div3A_92, %broadcast_in_dim3A_94 : vector<256x256xi1>, vector<256x256xf32>
    %mul3A_96 = arith.mulf %select_n3A_95, %sub3A_76 : vector<256x256xf32>
    %reduce_sum3A_97 = arith.constant dense<0.000000e+00> : vector<256xf32>
    %reduce_sum3A_98 = vector.multi_reduction <add>, %mul3A_96, %reduce_sum3A_97 [0] : vector<256x256xf32> to vector<256xf32>
    %broadcast_in_dim3A_99 = vector.shape_cast %reduce_sum3A_98 : vector<256xf32> to vector<1x256xf32>
    %add3A_100 = arith.addf %add3A_50, %broadcast_in_dim3A_99 : vector<1x256xf32>
    %mul3A_101 = arith.mulf %select_n3A_95, %sub3A_79 : vector<256x256xf32>
    %reduce_sum3A_102 = arith.constant dense<0.000000e+00> : vector<256xf32>
    %reduce_sum3A_103 = vector.multi_reduction <add>, %mul3A_101, %reduce_sum3A_102 [0] : vector<256x256xf32> to vector<256xf32>
    %broadcast_in_dim3A_104 = vector.shape_cast %reduce_sum3A_103 : vector<256xf32> to vector<1x256xf32>
    %add3A_105 = arith.addf %add3A_55, %broadcast_in_dim3A_104 : vector<1x256xf32>
    %add3A_106 = arith.constant 2 : i32
    %add3A_107 = arith.addi %get3A_13, %add3A_106 : i32
    %min3A_108 = arith.constant 39 : i32
    %min3A_109 = arith.minsi %add3A_107, %min3A_108 : i32
    %lt3A_110 = arith.cmpi slt, %add3A_107, %get3A_16 : i32
    %convert_element_type3A_111 = arith.extui %lt3A_110 : i1 to i32
    %convert_element_type3A_112 = arith.sitofp %convert_element_type3A_111 : i32 to f32
    %mul3A_113 = arith.constant 256 : i32
    %mul3A_114 = arith.muli %min3A_109, %mul3A_113 : i32
    %get3A_115 = arith.index_cast %mul3A_114 : i32 to index
    %get3A_116 = arith.constant 0 : index
    %get3A_117 = vector.load %arg4[%get3A_115, %get3A_116] : memref<10240x2xf32, #tpu.memory_space<vmem>>, vector<256x1xf32>
    %get3A_118 = arith.index_cast %mul3A_114 : i32 to index
    %get3A_119 = arith.constant 1 : index
    %get3A_120 = vector.load %arg4[%get3A_118, %get3A_119] : memref<10240x2xf32, #tpu.memory_space<vmem>>, vector<256x1xf32>
    %get3A_121 = arith.index_cast %mul3A_114 : i32 to index
    %get3A_122 = arith.constant 0 : index
    %get3A_123 = vector.load %arg5[%get3A_121, %get3A_122] : memref<10240x1xf32, #tpu.memory_space<vmem>>, vector<256x1xf32>
    %sub3A_124 = vector.broadcast %get3A_1 : vector<1x256xf32> to vector<256x256xf32>
    %sub3A_125 = vector.broadcast %get3A_117 : vector<256x1xf32> to vector<256x256xf32>
    %sub3A_126 = arith.subf %sub3A_124, %sub3A_125 : vector<256x256xf32>
    %sub3A_127 = vector.broadcast %get3A_4 : vector<1x256xf32> to vector<256x256xf32>
    %sub3A_128 = vector.broadcast %get3A_120 : vector<256x1xf32> to vector<256x256xf32>
    %sub3A_129 = arith.subf %sub3A_127, %sub3A_128 : vector<256x256xf32>
    %mul3A_130 = arith.mulf %sub3A_126, %sub3A_126 : vector<256x256xf32>
    %mul3A_131 = arith.mulf %sub3A_129, %sub3A_129 : vector<256x256xf32>
    %add3A_132 = arith.addf %mul3A_130, %mul3A_131 : vector<256x256xf32>
    %sqrt3A_133 = math.sqrt %add3A_132 : vector<256x256xf32>
    %add3A_134 = arith.constant 0.00999999977 : f32
    %add3A_135 = vector.broadcast %add3A_134 : f32 to vector<256x256xf32>
    %add3A_136 = arith.addf %sqrt3A_133, %add3A_135 : vector<256x256xf32>
    %eq3A_137 = vector.broadcast %get3A_7 : vector<1x256xf32> to vector<256x256xf32>
    %eq3A_138 = vector.broadcast %get3A_123 : vector<256x1xf32> to vector<256x256xf32>
    %eq3A_139 = arith.cmpf oeq, %eq3A_137, %eq3A_138 : vector<256x256xf32>
    %mul3A_140 = arith.mulf %add3A_136, %add3A_136 : vector<256x256xf32>
    %div3A_141 = vector.broadcast %convert_element_type3A_112 : f32 to vector<256x256xf32>
    %div3A_142 = arith.divf %div3A_141, %mul3A_140 : vector<256x256xf32>
    %jit3A_143 = arith.constant 0.000000e+00 : f32
    %broadcast_in_dim3A_144 = vector.broadcast %jit3A_143 : f32 to vector<256x256xf32>
    %select_n3A_145 = arith.select %eq3A_139, %div3A_142, %broadcast_in_dim3A_144 : vector<256x256xi1>, vector<256x256xf32>
    %mul3A_146 = arith.mulf %select_n3A_145, %sub3A_126 : vector<256x256xf32>
    %reduce_sum3A_147 = arith.constant dense<0.000000e+00> : vector<256xf32>
    %reduce_sum3A_148 = vector.multi_reduction <add>, %mul3A_146, %reduce_sum3A_147 [0] : vector<256x256xf32> to vector<256xf32>
    %broadcast_in_dim3A_149 = vector.shape_cast %reduce_sum3A_148 : vector<256xf32> to vector<1x256xf32>
    %add3A_150 = arith.addf %add3A_100, %broadcast_in_dim3A_149 : vector<1x256xf32>
    %mul3A_151 = arith.mulf %select_n3A_145, %sub3A_129 : vector<256x256xf32>
    %reduce_sum3A_152 = arith.constant dense<0.000000e+00> : vector<256xf32>
    %reduce_sum3A_153 = vector.multi_reduction <add>, %mul3A_151, %reduce_sum3A_152 [0] : vector<256x256xf32> to vector<256xf32>
    %broadcast_in_dim3A_154 = vector.shape_cast %reduce_sum3A_153 : vector<256xf32> to vector<1x256xf32>
    %add3A_155 = arith.addf %add3A_105, %broadcast_in_dim3A_154 : vector<1x256xf32>
    %add3A_156 = arith.constant 3 : i32
    %add3A_157 = arith.addi %get3A_13, %add3A_156 : i32
    %min3A_158 = arith.minsi %add3A_157, %get3A_16 : i32
    %while3A = arith.subi %get3A_16, %min3A_158 : i32
    %while3A_159 = arith.addi %min3A_158, %while3A : i32
    %while3A_160 = arith.constant 1 : i32
    %while3A_161 = arith.divsi %while3A, %while3A_160 : i32
    %while3A_162 = arith.muli %while3A_161, %while3A_160 : i32
    %while3A_163 = arith.addi %min3A_158, %while3A_162 : i32
    %while3A_164 = arith.constant 1 : i32
    %while3A_165:2 = scf.for %while3A_175 = %min3A_158 to %while3A_163 step %while3A_164 iter_args(%while3A_176 = %add3A_150, %while3A_177 = %add3A_155) -> (vector<1x256xf32>, vector<1x256xf32>)  : i32 {
      %mul3A_178 = arith.constant 256 : i32
      %mul3A_179 = arith.muli %while3A_175, %mul3A_178 : i32
      %get3A_180 = arith.index_cast %mul3A_179 : i32 to index
      %get3A_181 = arith.constant 0 : index
      %get3A_182 = vector.load %arg4[%get3A_180, %get3A_181] : memref<10240x2xf32, #tpu.memory_space<vmem>>, vector<256x1xf32>
      %get3A_183 = arith.index_cast %mul3A_179 : i32 to index
      %get3A_184 = arith.constant 1 : index
      %get3A_185 = vector.load %arg4[%get3A_183, %get3A_184] : memref<10240x2xf32, #tpu.memory_space<vmem>>, vector<256x1xf32>
      %get3A_186 = arith.index_cast %mul3A_179 : i32 to index
      %get3A_187 = arith.constant 0 : index
      %get3A_188 = vector.load %arg5[%get3A_186, %get3A_187] : memref<10240x1xf32, #tpu.memory_space<vmem>>, vector<256x1xf32>
      %sub3A_189 = vector.broadcast %get3A_1 : vector<1x256xf32> to vector<256x256xf32>
      %sub3A_190 = vector.broadcast %get3A_182 : vector<256x1xf32> to vector<256x256xf32>
      %sub3A_191 = arith.subf %sub3A_189, %sub3A_190 : vector<256x256xf32>
      %sub3A_192 = vector.broadcast %get3A_4 : vector<1x256xf32> to vector<256x256xf32>
      %sub3A_193 = vector.broadcast %get3A_185 : vector<256x1xf32> to vector<256x256xf32>
      %sub3A_194 = arith.subf %sub3A_192, %sub3A_193 : vector<256x256xf32>
      %mul3A_195 = arith.mulf %sub3A_191, %sub3A_191 : vector<256x256xf32>
      %mul3A_196 = arith.mulf %sub3A_194, %sub3A_194 : vector<256x256xf32>
      %add3A_197 = arith.addf %mul3A_195, %mul3A_196 : vector<256x256xf32>
      %sqrt3A_198 = math.sqrt %add3A_197 : vector<256x256xf32>
      %add3A_199 = arith.constant 0.00999999977 : f32
      %add3A_200 = vector.broadcast %add3A_199 : f32 to vector<256x256xf32>
      %add3A_201 = arith.addf %sqrt3A_198, %add3A_200 : vector<256x256xf32>
      %eq3A_202 = vector.broadcast %get3A_7 : vector<1x256xf32> to vector<256x256xf32>
      %eq3A_203 = vector.broadcast %get3A_188 : vector<256x1xf32> to vector<256x256xf32>
      %eq3A_204 = arith.cmpf oeq, %eq3A_202, %eq3A_203 : vector<256x256xf32>
      %mul3A_205 = arith.mulf %add3A_201, %add3A_201 : vector<256x256xf32>
      %div3A_206 = arith.constant 1.000000e+00 : f32
      %div3A_207 = vector.broadcast %div3A_206 : f32 to vector<256x256xf32>
      %div3A_208 = arith.divf %div3A_207, %mul3A_205 : vector<256x256xf32>
      %jit3A_209 = arith.constant 0.000000e+00 : f32
      %broadcast_in_dim3A_210 = vector.broadcast %jit3A_209 : f32 to vector<256x256xf32>
      %select_n3A_211 = arith.select %eq3A_204, %div3A_208, %broadcast_in_dim3A_210 : vector<256x256xi1>, vector<256x256xf32>
      %mul3A_212 = arith.mulf %select_n3A_211, %sub3A_191 : vector<256x256xf32>
      %reduce_sum3A_213 = arith.constant dense<0.000000e+00> : vector<256xf32>
      %reduce_sum3A_214 = vector.multi_reduction <add>, %mul3A_212, %reduce_sum3A_213 [0] : vector<256x256xf32> to vector<256xf32>
      %broadcast_in_dim3A_215 = vector.shape_cast %reduce_sum3A_214 : vector<256xf32> to vector<1x256xf32>
      %add3A_216 = arith.addf %while3A_176, %broadcast_in_dim3A_215 : vector<1x256xf32>
      %mul3A_217 = arith.mulf %select_n3A_211, %sub3A_194 : vector<256x256xf32>
      %reduce_sum3A_218 = arith.constant dense<0.000000e+00> : vector<256xf32>
      %reduce_sum3A_219 = vector.multi_reduction <add>, %mul3A_217, %reduce_sum3A_218 [0] : vector<256x256xf32> to vector<256xf32>
      %broadcast_in_dim3A_220 = vector.shape_cast %reduce_sum3A_219 : vector<256xf32> to vector<1x256xf32>
      %add3A_221 = arith.addf %while3A_177, %broadcast_in_dim3A_220 : vector<1x256xf32>
      scf.yield %add3A_216, %add3A_221 : vector<1x256xf32>, vector<1x256xf32>
    }
    %while3A_166 = arith.constant 1 : i32
    %while3A_167:2 = scf.for %while3A_175 = %while3A_163 to %while3A_159 step %while3A_166 iter_args(%while3A_176 = %while3A_165#0, %while3A_177 = %while3A_165#1) -> (vector<1x256xf32>, vector<1x256xf32>)  : i32 {
      %mul3A_178 = arith.constant 256 : i32
      %mul3A_179 = arith.muli %while3A_175, %mul3A_178 : i32
      %get3A_180 = arith.index_cast %mul3A_179 : i32 to index
      %get3A_181 = arith.constant 0 : index
      %get3A_182 = vector.load %arg4[%get3A_180, %get3A_181] : memref<10240x2xf32, #tpu.memory_space<vmem>>, vector<256x1xf32>
      %get3A_183 = arith.index_cast %mul3A_179 : i32 to index
      %get3A_184 = arith.constant 1 : index
      %get3A_185 = vector.load %arg4[%get3A_183, %get3A_184] : memref<10240x2xf32, #tpu.memory_space<vmem>>, vector<256x1xf32>
      %get3A_186 = arith.index_cast %mul3A_179 : i32 to index
      %get3A_187 = arith.constant 0 : index
      %get3A_188 = vector.load %arg5[%get3A_186, %get3A_187] : memref<10240x1xf32, #tpu.memory_space<vmem>>, vector<256x1xf32>
      %sub3A_189 = vector.broadcast %get3A_1 : vector<1x256xf32> to vector<256x256xf32>
      %sub3A_190 = vector.broadcast %get3A_182 : vector<256x1xf32> to vector<256x256xf32>
      %sub3A_191 = arith.subf %sub3A_189, %sub3A_190 : vector<256x256xf32>
      %sub3A_192 = vector.broadcast %get3A_4 : vector<1x256xf32> to vector<256x256xf32>
      %sub3A_193 = vector.broadcast %get3A_185 : vector<256x1xf32> to vector<256x256xf32>
      %sub3A_194 = arith.subf %sub3A_192, %sub3A_193 : vector<256x256xf32>
      %mul3A_195 = arith.mulf %sub3A_191, %sub3A_191 : vector<256x256xf32>
      %mul3A_196 = arith.mulf %sub3A_194, %sub3A_194 : vector<256x256xf32>
      %add3A_197 = arith.addf %mul3A_195, %mul3A_196 : vector<256x256xf32>
      %sqrt3A_198 = math.sqrt %add3A_197 : vector<256x256xf32>
      %add3A_199 = arith.constant 0.00999999977 : f32
      %add3A_200 = vector.broadcast %add3A_199 : f32 to vector<256x256xf32>
      %add3A_201 = arith.addf %sqrt3A_198, %add3A_200 : vector<256x256xf32>
      %eq3A_202 = vector.broadcast %get3A_7 : vector<1x256xf32> to vector<256x256xf32>
      %eq3A_203 = vector.broadcast %get3A_188 : vector<256x1xf32> to vector<256x256xf32>
      %eq3A_204 = arith.cmpf oeq, %eq3A_202, %eq3A_203 : vector<256x256xf32>
      %mul3A_205 = arith.mulf %add3A_201, %add3A_201 : vector<256x256xf32>
      %div3A_206 = arith.constant 1.000000e+00 : f32
      %div3A_207 = vector.broadcast %div3A_206 : f32 to vector<256x256xf32>
      %div3A_208 = arith.divf %div3A_207, %mul3A_205 : vector<256x256xf32>
      %jit3A_209 = arith.constant 0.000000e+00 : f32
      %broadcast_in_dim3A_210 = vector.broadcast %jit3A_209 : f32 to vector<256x256xf32>
      %select_n3A_211 = arith.select %eq3A_204, %div3A_208, %broadcast_in_dim3A_210 : vector<256x256xi1>, vector<256x256xf32>
      %mul3A_212 = arith.mulf %select_n3A_211, %sub3A_191 : vector<256x256xf32>
      %reduce_sum3A_213 = arith.constant dense<0.000000e+00> : vector<256xf32>
      %reduce_sum3A_214 = vector.multi_reduction <add>, %mul3A_212, %reduce_sum3A_213 [0] : vector<256x256xf32> to vector<256xf32>
      %broadcast_in_dim3A_215 = vector.shape_cast %reduce_sum3A_214 : vector<256xf32> to vector<1x256xf32>
      %add3A_216 = arith.addf %while3A_176, %broadcast_in_dim3A_215 : vector<1x256xf32>
      %mul3A_217 = arith.mulf %select_n3A_211, %sub3A_194 : vector<256x256xf32>
      %reduce_sum3A_218 = arith.constant dense<0.000000e+00> : vector<256xf32>
      %reduce_sum3A_219 = vector.multi_reduction <add>, %mul3A_217, %reduce_sum3A_218 [0] : vector<256x256xf32> to vector<256xf32>
      %broadcast_in_dim3A_220 = vector.shape_cast %reduce_sum3A_219 : vector<256xf32> to vector<1x256xf32>
      %add3A_221 = arith.addf %while3A_177, %broadcast_in_dim3A_220 : vector<1x256xf32>
      scf.yield %add3A_216, %add3A_221 : vector<1x256xf32>, vector<1x256xf32>
    }
    %mul3A_168 = arith.mulf %get3A_10, %while3A_167#0 : vector<1x256xf32>
    %swap3A = arith.constant 0 : index
    %swap3A_169 = arith.constant 0 : index
    %swap3A_170 = vector.load %arg8[%swap3A, %swap3A_169] : memref<2x256xf32, #tpu.memory_space<vmem>>, vector<1x256xf32>
    tpu.vector_store %arg8[%swap3A, %swap3A_169], %mul3A_168 {strides = array<i32>} : memref<2x256xf32, #tpu.memory_space<vmem>>, vector<1x256xf32>,
    %mul3A_171 = arith.mulf %get3A_10, %while3A_167#1 : vector<1x256xf32>
    %swap3A_172 = arith.constant 1 : index
    %swap3A_173 = arith.constant 0 : index
    %swap3A_174 = vector.load %arg8[%swap3A_172, %swap3A_173] : memref<2x256xf32, #tpu.memory_space<vmem>>, vector<1x256xf32>
    tpu.vector_store %arg8[%swap3A_172, %swap3A_173], %mul3A_171 {strides = array<i32>} : memref<2x256xf32, #tpu.memory_space<vmem>>, vector<1x256xf32>,
    return
  }
  func.func @transform_0(%arg0: i32) -> (i32, i32) {
    %c0_i32 = arith.constant 0 : i32
    %c0_i32_0 = arith.constant 0 : i32
    return %c0_i32, %arg0 : i32, i32
  }
  func.func @transform_1(%arg0: i32) -> (i32, i32) {
    %c0_i32 = arith.constant 0 : i32
    %c0_i32_0 = arith.constant 0 : i32
    return %c0_i32, %arg0 : i32, i32
  }
  func.func @transform_2(%arg0: i32) -> (i32, i32) {
    %c0_i32 = arith.constant 0 : i32
    %c0_i32_0 = arith.constant 0 : i32
    return %c0_i32, %arg0 : i32, i32
  }
  func.func @transform_3(%arg0: i32) -> (i32, i32) {
    %c0_i32 = arith.constant 0 : i32
    %c0_i32_0 = arith.constant 0 : i32
    %c0_i32_1 = arith.constant 0 : i32
    return %c0_i32, %c0_i32_0 : i32, i32
  }
  func.func @transform_4(%arg0: i32) -> (i32, i32) {
    %c0_i32 = arith.constant 0 : i32
    %c0_i32_0 = arith.constant 0 : i32
    %c0_i32_1 = arith.constant 0 : i32
    return %c0_i32, %c0_i32_0 : i32, i32
  }
  func.func @transform_5(%arg0: i32) -> (i32, i32) {
    %c0_i32 = arith.constant 0 : i32
    %c0_i32_0 = arith.constant 0 : i32
    %c0_i32_1 = arith.constant 0 : i32
    return %c0_i32, %c0_i32_0 : i32, i32
  }
  func.func @transform_6(%arg0: i32) -> (i32, i32) {
    %c0_i32 = arith.constant 0 : i32
    %c0_i32_0 = arith.constant 0 : i32
    %c0_i32_1 = arith.constant 0 : i32
    return %c0_i32, %c0_i32_0 : i32, i32
  }
  func.func @transform_7(%arg0: i32) -> (i32, i32) {
    %c0_i32 = arith.constant 0 : i32
    %c0_i32_0 = arith.constant 0 : i32
    return %c0_i32, %arg0 : i32, i32
  }
}

module attributes {stable_mosaic.version = 14 : i64} {
  func.func @_upd_body(%arg0: memref<2x10240xf32, #tpu.memory_space<vmem>>, %arg1: memref<2x10240xf32, #tpu.memory_space<vmem>>, %arg2: memref<2x32x10240xf32, #tpu.memory_space<vmem>>, %arg3: memref<1x1xf32, #tpu.memory_space<smem>>, %arg4: memref<2x10240xf32, #tpu.memory_space<vmem>>, %arg5: memref<10240x2xf32, #tpu.memory_space<vmem>>) attributes {dimension_semantics = [], scalar_prefetch = 0 : i64, scratch_operands = 0 : i64, tpu.core_type = #tpu.core_type<tc>} {
    %get3A = arith.constant 0 : index
    %get3A_0 = arith.constant 0 : index
    %get3A_1 = arith.constant 0 : index
    %get3A_2 = vector.load %arg2[%get3A, %get3A_0, %get3A_1] : memref<2x32x10240xf32, #tpu.memory_space<vmem>>, vector<1x32x10240xf32>
    %get3A_3 = vector.shape_cast %get3A_2 : vector<1x32x10240xf32> to vector<32x10240xf32>
    %reduce_sum3A = arith.constant dense<0.000000e+00> : vector<10240xf32>
    %reduce_sum3A_4 = vector.multi_reduction <add>, %get3A_3, %reduce_sum3A [0] : vector<32x10240xf32> to vector<10240xf32>
    %broadcast_in_dim3A = vector.shape_cast %reduce_sum3A_4 : vector<10240xf32> to vector<1x10240xf32>
    %get3A_5 = arith.constant 1 : index
    %get3A_6 = arith.constant 0 : index
    %get3A_7 = arith.constant 0 : index
    %get3A_8 = vector.load %arg2[%get3A_5, %get3A_6, %get3A_7] : memref<2x32x10240xf32, #tpu.memory_space<vmem>>, vector<1x32x10240xf32>
    %get3A_9 = vector.shape_cast %get3A_8 : vector<1x32x10240xf32> to vector<32x10240xf32>
    %reduce_sum3A_10 = arith.constant dense<0.000000e+00> : vector<10240xf32>
    %reduce_sum3A_11 = vector.multi_reduction <add>, %get3A_9, %reduce_sum3A_10 [0] : vector<32x10240xf32> to vector<10240xf32>
    %broadcast_in_dim3A_12 = vector.shape_cast %reduce_sum3A_11 : vector<10240xf32> to vector<1x10240xf32>
    %get3A_13 = arith.constant 0 : index
    %get3A_14 = arith.constant 0 : index
    %get3A_15 = memref.load %arg3[%get3A_13, %get3A_14] : memref<1x1xf32, #tpu.memory_space<smem>>
    %get3A_16 = arith.constant 0 : index
    %get3A_17 = arith.constant 0 : index
    %get3A_18 = vector.load %arg1[%get3A_16, %get3A_17] : memref<2x10240xf32, #tpu.memory_space<vmem>>, vector<1x10240xf32>
    %add3A = arith.addf %broadcast_in_dim3A, %get3A_18 : vector<1x10240xf32>
    %mul3A = vector.broadcast %get3A_15 : f32 to vector<1x10240xf32>
    %mul3A_19 = arith.mulf %mul3A, %add3A : vector<1x10240xf32>
    %get3A_20 = arith.constant 1 : index
    %get3A_21 = arith.constant 0 : index
    %get3A_22 = vector.load %arg1[%get3A_20, %get3A_21] : memref<2x10240xf32, #tpu.memory_space<vmem>>, vector<1x10240xf32>
    %add3A_23 = arith.addf %broadcast_in_dim3A_12, %get3A_22 : vector<1x10240xf32>
    %mul3A_24 = vector.broadcast %get3A_15 : f32 to vector<1x10240xf32>
    %mul3A_25 = arith.mulf %mul3A_24, %add3A_23 : vector<1x10240xf32>
    %mul3A_26 = arith.mulf %mul3A_19, %mul3A_19 : vector<1x10240xf32>
    %mul3A_27 = arith.mulf %mul3A_25, %mul3A_25 : vector<1x10240xf32>
    %add3A_28 = arith.addf %mul3A_26, %mul3A_27 : vector<1x10240xf32>
    %add3A_29 = arith.constant 9.99999968E-21 : f32
    %add3A_30 = vector.broadcast %add3A_29 : f32 to vector<1x10240xf32>
    %add3A_31 = arith.addf %add3A_28, %add3A_30 : vector<1x10240xf32>
    %sqrt3A = math.sqrt %add3A_31 : vector<1x10240xf32>
    %add3A_32 = arith.constant 9.99999971E-10 : f32
    %add3A_33 = vector.broadcast %add3A_32 : f32 to vector<1x10240xf32>
    %add3A_34 = arith.addf %sqrt3A, %add3A_33 : vector<1x10240xf32>
    %div3A = arith.constant 1.000000e-01 : f32
    %div3A_35 = vector.broadcast %div3A : f32 to vector<1x10240xf32>
    %div3A_36 = arith.divf %div3A_35, %add3A_34 : vector<1x10240xf32>
    %min3A = arith.constant 1.000000e+00 : f32
    %min3A_37 = vector.broadcast %min3A : f32 to vector<1x10240xf32>
    %min3A_38 = arith.minimumf %div3A_36, %min3A_37 : vector<1x10240xf32>
    %get3A_39 = arith.constant 0 : index
    %get3A_40 = arith.constant 0 : index
    %get3A_41 = vector.load %arg0[%get3A_39, %get3A_40] : memref<2x10240xf32, #tpu.memory_space<vmem>>, vector<1x10240xf32>
    %mul3A_42 = arith.mulf %mul3A_19, %min3A_38 : vector<1x10240xf32>
    %add3A_43 = arith.addf %get3A_41, %mul3A_42 : vector<1x10240xf32>
    %get3A_44 = arith.constant 1 : index
    %get3A_45 = arith.constant 0 : index
    %get3A_46 = vector.load %arg0[%get3A_44, %get3A_45] : memref<2x10240xf32, #tpu.memory_space<vmem>>, vector<1x10240xf32>
    %mul3A_47 = arith.mulf %mul3A_25, %min3A_38 : vector<1x10240xf32>
    %add3A_48 = arith.addf %get3A_46, %mul3A_47 : vector<1x10240xf32>
    %concatenate3A = tpu.concatenate %add3A_43, %add3A_48 in 0 : vector<1x10240xf32>, vector<1x10240xf32> -> vector<2x10240xf32>
    %swap3A = arith.constant 0 : index
    %swap3A_49 = arith.constant 0 : index
    %swap3A_50 = vector.load %arg4[%swap3A, %swap3A_49] : memref<2x10240xf32, #tpu.memory_space<vmem>>, vector<2x10240xf32>
    tpu.vector_store %arg4[%swap3A, %swap3A_49], %concatenate3A {strides = array<i32>} : memref<2x10240xf32, #tpu.memory_space<vmem>>, vector<2x10240xf32>,
    %transpose3A = tpu.transpose %concatenate3A, [1, 0] : vector<2x10240xf32> -> vector<10240x2xf32>
    %swap3A_51 = arith.constant 0 : index
    %swap3A_52 = arith.constant 0 : index
    %swap3A_53 = vector.load %arg5[%swap3A_51, %swap3A_52] : memref<10240x2xf32, #tpu.memory_space<vmem>>, vector<10240x2xf32>
    tpu.vector_store %arg5[%swap3A_51, %swap3A_52], %transpose3A {strides = array<i32>} : memref<10240x2xf32, #tpu.memory_space<vmem>>, vector<10240x2xf32>,
    return
  }
}

module attributes {stable_mosaic.version = 14 : i64} {
  func.func @_upd_body(%arg0: memref<2x10240xf32, #tpu.memory_space<vmem>>, %arg1: memref<2x10240xf32, #tpu.memory_space<vmem>>, %arg2: memref<2x32x10240xf32, #tpu.memory_space<vmem>>, %arg3: memref<1x1xf32, #tpu.memory_space<smem>>, %arg4: memref<2x10240xf32, #tpu.memory_space<vmem>>, %arg5: memref<10240x2xf32, #tpu.memory_space<vmem>>) attributes {dimension_semantics = [], scalar_prefetch = 0 : i64, scratch_operands = 0 : i64, tpu.core_type = #tpu.core_type<tc>} {
    %get3A = arith.constant 0 : index
    %get3A_0 = arith.constant 0 : index
    %get3A_1 = arith.constant 0 : index
    %get3A_2 = vector.load %arg2[%get3A, %get3A_0, %get3A_1] : memref<2x32x10240xf32, #tpu.memory_space<vmem>>, vector<1x32x10240xf32>
    %get3A_3 = vector.shape_cast %get3A_2 : vector<1x32x10240xf32> to vector<32x10240xf32>
    %reduce_sum3A = arith.constant dense<0.000000e+00> : vector<10240xf32>
    %reduce_sum3A_4 = vector.multi_reduction <add>, %get3A_3, %reduce_sum3A [0] : vector<32x10240xf32> to vector<10240xf32>
    %broadcast_in_dim3A = vector.shape_cast %reduce_sum3A_4 : vector<10240xf32> to vector<1x10240xf32>
    %get3A_5 = arith.constant 1 : index
    %get3A_6 = arith.constant 0 : index
    %get3A_7 = arith.constant 0 : index
    %get3A_8 = vector.load %arg2[%get3A_5, %get3A_6, %get3A_7] : memref<2x32x10240xf32, #tpu.memory_space<vmem>>, vector<1x32x10240xf32>
    %get3A_9 = vector.shape_cast %get3A_8 : vector<1x32x10240xf32> to vector<32x10240xf32>
    %reduce_sum3A_10 = arith.constant dense<0.000000e+00> : vector<10240xf32>
    %reduce_sum3A_11 = vector.multi_reduction <add>, %get3A_9, %reduce_sum3A_10 [0] : vector<32x10240xf32> to vector<10240xf32>
    %broadcast_in_dim3A_12 = vector.shape_cast %reduce_sum3A_11 : vector<10240xf32> to vector<1x10240xf32>
    %get3A_13 = arith.constant 0 : index
    %get3A_14 = arith.constant 0 : index
    %get3A_15 = memref.load %arg3[%get3A_13, %get3A_14] : memref<1x1xf32, #tpu.memory_space<smem>>
    %get3A_16 = arith.constant 0 : index
    %get3A_17 = arith.constant 0 : index
    %get3A_18 = vector.load %arg1[%get3A_16, %get3A_17] : memref<2x10240xf32, #tpu.memory_space<vmem>>, vector<1x10240xf32>
    %add3A = arith.addf %broadcast_in_dim3A, %get3A_18 : vector<1x10240xf32>
    %mul3A = vector.broadcast %get3A_15 : f32 to vector<1x10240xf32>
    %mul3A_19 = arith.mulf %mul3A, %add3A : vector<1x10240xf32>
    %get3A_20 = arith.constant 1 : index
    %get3A_21 = arith.constant 0 : index
    %get3A_22 = vector.load %arg1[%get3A_20, %get3A_21] : memref<2x10240xf32, #tpu.memory_space<vmem>>, vector<1x10240xf32>
    %add3A_23 = arith.addf %broadcast_in_dim3A_12, %get3A_22 : vector<1x10240xf32>
    %mul3A_24 = vector.broadcast %get3A_15 : f32 to vector<1x10240xf32>
    %mul3A_25 = arith.mulf %mul3A_24, %add3A_23 : vector<1x10240xf32>
    %mul3A_26 = arith.mulf %mul3A_19, %mul3A_19 : vector<1x10240xf32>
    %mul3A_27 = arith.mulf %mul3A_25, %mul3A_25 : vector<1x10240xf32>
    %add3A_28 = arith.addf %mul3A_26, %mul3A_27 : vector<1x10240xf32>
    %add3A_29 = arith.constant 9.99999968E-21 : f32
    %add3A_30 = vector.broadcast %add3A_29 : f32 to vector<1x10240xf32>
    %add3A_31 = arith.addf %add3A_28, %add3A_30 : vector<1x10240xf32>
    %sqrt3A = math.sqrt %add3A_31 : vector<1x10240xf32>
    %add3A_32 = arith.constant 9.99999971E-10 : f32
    %add3A_33 = vector.broadcast %add3A_32 : f32 to vector<1x10240xf32>
    %add3A_34 = arith.addf %sqrt3A, %add3A_33 : vector<1x10240xf32>
    %div3A = arith.constant 1.000000e-01 : f32
    %div3A_35 = vector.broadcast %div3A : f32 to vector<1x10240xf32>
    %div3A_36 = arith.divf %div3A_35, %add3A_34 : vector<1x10240xf32>
    %min3A = arith.constant 1.000000e+00 : f32
    %min3A_37 = vector.broadcast %min3A : f32 to vector<1x10240xf32>
    %min3A_38 = arith.minimumf %div3A_36, %min3A_37 : vector<1x10240xf32>
    %get3A_39 = arith.constant 0 : index
    %get3A_40 = arith.constant 0 : index
    %get3A_41 = vector.load %arg0[%get3A_39, %get3A_40] : memref<2x10240xf32, #tpu.memory_space<vmem>>, vector<1x10240xf32>
    %mul3A_42 = arith.mulf %mul3A_19, %min3A_38 : vector<1x10240xf32>
    %add3A_43 = arith.addf %get3A_41, %mul3A_42 : vector<1x10240xf32>
    %get3A_44 = arith.constant 1 : index
    %get3A_45 = arith.constant 0 : index
    %get3A_46 = vector.load %arg0[%get3A_44, %get3A_45] : memref<2x10240xf32, #tpu.memory_space<vmem>>, vector<1x10240xf32>
    %mul3A_47 = arith.mulf %mul3A_25, %min3A_38 : vector<1x10240xf32>
    %add3A_48 = arith.addf %get3A_46, %mul3A_47 : vector<1x10240xf32>
    %concatenate3A = tpu.concatenate %add3A_43, %add3A_48 in 0 : vector<1x10240xf32>, vector<1x10240xf32> -> vector<2x10240xf32>
    %swap3A = arith.constant 0 : index
    %swap3A_49 = arith.constant 0 : index
    %swap3A_50 = vector.load %arg4[%swap3A, %swap3A_49] : memref<2x10240xf32, #tpu.memory_space<vmem>>, vector<2x10240xf32>
    tpu.vector_store %arg4[%swap3A, %swap3A_49], %concatenate3A {strides = array<i32>} : memref<2x10240xf32, #tpu.memory_space<vmem>>, vector<2x10240xf32>,
    %transpose3A = tpu.transpose %concatenate3A, [1, 0] : vector<2x10240xf32> -> vector<10240x2xf32>
    %swap3A_51 = arith.constant 0 : index
    %swap3A_52 = arith.constant 0 : index
    %swap3A_53 = vector.load %arg5[%swap3A_51, %swap3A_52] : memref<10240x2xf32, #tpu.memory_space<vmem>>, vector<10240x2xf32>
    tpu.vector_store %arg5[%swap3A_51, %swap3A_52], %transpose3A {strides = array<i32>} : memref<10240x2xf32, #tpu.memory_space<vmem>>, vector<10240x2xf32>,
    return
  }
}

</mosaic_0001>

<sc_bundles>
// kernel: kernel.12.cloned.1.call-start
scs
__scs_entry_jumppad:
0x0: {  	(pc) =	sbr.rel $0x88, $3  }
0x1: {  	(tag) =	ssettag $0x0;
	lr =	simm.s32 $0x1  }
0x2: {  	[smem:$0x3F9D] =	sst lr;
	_ =	strace $0xD0000000  }
0x3: {  	_ = 	snop  }
0x4: {  	_ = 	snop  }
0x5: {  	_ = 	snop  }
0x6: {  	_ = 	snop  }
0x7: {  	_ = 	snop  }
__scs_overlays_trampoline_lowered:
0x8: {  	[smem:$0x3FAC] =	sst s0  }
0x9: {  	[smem:$0x3FAD] =	sst s1  }
0xa: {  	[smem:$0x3FAE] =	sst s2  }
0xb: {  	[smem:$0x3FAF] =	sst s3  }
0xc: {  	[smem:$0x3FB0] =	sst s4  }
0xd: {  	[smem:$0x3FB1] =	sst s5  }
0xe: {  	[smem:$0x3FB2] =	sst s6  }
0xf: {  	[smem:$0x3FB3] =	sst s7  }
0x10: {  	[smem:$0x3FB4] =	sst s8  }
0x11: {  	[smem:$0x3FB5] =	sst s9;
	s0 =	simm.s32 @!p0 $0x0  }
0x12: {  	s1 =	sld [smem:$0x3F9B];
	s0 =	simm.s32 @p0 $0x1  }
0x13: {  	[smem:$0x3FB6] =	sst s0;
	s0 =	simm.s32 @!p1 $0x0  }
0x14: {  	s2 =	sld [smem:$0x3F9A];
	s0 =	simm.s32 @p1 $0x1  }
0x15: {  	[smem:$0x3FB7] =	sst s0;
	s0 =	simm.s32 @!p2 $0x0  }
0x16: {  	s3 =	sld [smem:$0x3FDB];
	s0 =	simm.s32 @p2 $0x1  }
0x17: {  	s4 =	simm.s32 $0x1BF5;
	[smem:$0x3FB9] =	sst s0  }
0x18: {  	s0 =	sld [smem:$0x3F9C];
	_ =	swait.ge [sflag:s4], $0x0  }
0x19: {  	s7 =	sld [smem:$0x3F9D]  }
0x1a: {  	s8 =	sadd.s32 $0xFFFFE003, lr  }
0x1b: {  	s9 =	sadd.s32 $0xFFFFFEF7, lr;
	s5 =	simm.s32 $0xFFFFFFFF;
	p2 =	slt.u32 s8, $0xFFFFF086  }
0x1c: {  	p1 =	slt.u32 s9, $0xF7A;
	s5 =	simm.s32 @!p2 $0x0  }
0x1d: {  	s5 =	simm.s32 @p1 $0x1;
	p0 =	seq.s32 s7, s2  }
0x1e: {  	s7 =	smul.u32 @!p0 $0xF7A, s2;
	p2 =	seq.s32 @!p0 s5, $0x0  }
0x1f: {  	s9 =	smul.u32 $0xF7A, s1;
	s8 =	simm.s32 @!p0 $0x1BF5;
	p2 =	por !p2, p0  }
0x20: {  	[sflag:s8] =	ssyncset.s32 @!p0 $0xFFFFF086;
	s6 =	sadd.s32 @!p0 s3, s7;
	s7 =	simm.s32 @!p0 $0x108  }
0x21: {  	s3 =	sadd.s32 s3, s9;
	s6 =	sadd.s32 @!p0 $0x88, s6;
	s7 =	simm.s32 @p2 $0x1082  }
0x22: {  	[simem:s7], [sflag:s8] =	dma.local @!p0 [hbm:s6], $0xF7A  }
0x23: {  	s9 =	sor.u32 $0xD0000000, s2;
	s6 =	simm.s32 $0x108;
	_ =	swait.ge @!p0 [sflag:s8], $0x0  }
0x24: {  	s3 =	sadd.s32 $0x88, s3;
	s6 =	simm.s32 @!p1 $0x1082;
	[sflag:s4] =	ssyncset.s32 $0xFFFFF086  }
0x25: {  	[simem:s6], [sflag:s4] =	dma.local [hbm:s3], $0xF7A  }
0x26: {  	[smem:$0x3F9D] =	sst s1;
	(tag) =	ssettag s2;
	_ =	strace s9  }
0x27: {  	s1 =	sld [smem:$0x3FAD]  }
0x28: {  	s2 =	sld [smem:$0x3FAE]  }
0x29: {  	s4 =	sld [smem:$0x3FB0]  }
0x2a: {  	p0 =	seq.s32 s5, $0x0;
	s5 =	sld [smem:$0x3FB1]  }
0x2b: {  	s6 =	sld [smem:$0x3FB2]  }
0x2c: {  	s7 =	sld [smem:$0x3FB3]  }
0x2d: {  	s3 =	simm.s32 $0x108;
	s8 =	sld [smem:$0x3FB4]  }
0x2e: {  	s3 =	simm.s32 @!p0 $0x1082;
	s9 =	sld [smem:$0x3FB5]  }
0x2f: {  	lr =	sadd.s32 s0, s3;
	s0 =	sld [smem:$0x3FAC]  }
0x30: {  	s3 =	sld [smem:$0x3FAF]  }
0x31: {  	[smem:$0x3FB8] =	sst s10  }
0x32: {  	s10 =	sld [smem:$0x3FB6];
	_ =	sdelay $0x3  }
0x33: {  	p0 =	seq.s32 s10, $0x1;
	s10 =	sld [smem:$0x3FB8];
	_ =	sdelay $0x3  }
0x34: {  	[smem:$0x3FB8] =	sst s10  }
0x35: {  	s10 =	sld [smem:$0x3FB7];
	_ =	sdelay $0x3  }
0x36: {  	p1 =	seq.s32 s10, $0x1;
	s10 =	sld [smem:$0x3FB8];
	_ =	sdelay $0x3  }
0x37: {  	[smem:$0x3FB8] =	sst s10  }
0x38: {  	s10 =	sld [smem:$0x3FB9]  }
0x39: {  	_ = 	snop;
	(pc) =	sbr.ind lr, $3  }
0x3a: {  	_ = 	snop  }
0x3b: {  	_ = 	snop  }
0x3c: {  	p2 =	seq.s32 s10, $0x1;
	s10 =	sld [smem:$0x3FB8]  }
0x3d: {  	_ =	shalt  }
0x3e: {  	_ =	shalt  }
0x3f: {  	_ =	shalt  }
0x40: {  	_ =	shalt  }
0x41: {  	_ =	shalt  }
0x42: {  	_ =	shalt  }
0x43: {  	_ =	shalt  }
0x44: {  	_ =	shalt  }
0x45: {  	_ =	shalt  }
0x46: {  	_ =	shalt  }
0x47: {  	_ =	shalt  }
0x48: {  	_ =	shalt  }
0x49: {  	_ =	shalt  }
0x4a: {  	_ =	shalt  }
0x4b: {  	_ =	shalt  }
0x4c: {  	_ =	shalt  }
0x4d: {  	_ =	shalt  }
0x4e: {  	_ =	shalt  }
0x4f: {  	_ =	shalt  }
0x50: {  	_ =	shalt  }
0x51: {  	_ =	shalt  }
0x52: {  	_ =	shalt  }
0x53: {  	_ =	shalt  }
0x54: {  	_ =	shalt  }
0x55: {  	_ =	shalt  }
0x56: {  	_ =	shalt  }
0x57: {  	_ =	shalt  }
0x58: {  	_ =	shalt  }
0x59: {  	_ =	shalt  }
0x5a: {  	_ =	shalt  }
0x5b: {  	_ =	shalt  }
0x5c: {  	_ =	shalt  }
0x5d: {  	_ =	shalt  }
0x5e: {  	_ =	shalt  }
0x5f: {  	_ =	shalt  }
0x60: {  	_ =	shalt  }
0x61: {  	_ =	shalt  }
0x62: {  	_ =	shalt  }
0x63: {  	_ =	shalt  }
0x64: {  	_ =	shalt  }
0x65: {  	_ =	shalt  }
0x66: {  	_ =	shalt  }
0x67: {  	_ =	shalt  }
0x68: {  	_ =	shalt  }
0x69: {  	_ =	shalt  }
0x6a: {  	_ =	shalt  }
0x6b: {  	_ =	shalt  }
0x6c: {  	_ =	shalt  }
0x6d: {  	_ =	shalt  }
0x6e: {  	_ =	shalt  }
0x6f: {  	_ =	shalt  }
0x70: {  	_ =	shalt  }
0x71: {  	_ =	shalt  }
0x72: {  	_ =	shalt  }
0x73: {  	_ =	shalt  }
0x74: {  	_ =	shalt  }
0x75: {  	_ =	shalt  }
0x76: {  	_ =	shalt  }
0x77: {  	_ =	shalt  }
0x78: {  	_ =	shalt  }
0x79: {  	_ =	shalt  }
0x7a: {  	_ =	shalt  }
0x7b: {  	_ =	shalt  }
0x7c: {  	_ =	shalt  }
0x7d: {  	_ =	shalt  }
0x7e: {  	_ =	shalt  }
0x7f: {  	_ =	shalt  }
0x80: {  	_ =	shalt  }
0x81: {  	_ =	shalt  }
0x82: {  	_ =	shalt  }
0x83: {  	_ =	shalt  }
0x84: {  	_ =	shalt  }
0x85: {  	_ =	shalt  }
0x86: {  	_ =	shalt  }
0x87: {  	_ =	shalt  }
.Lfunc_end0:
.L_simem_size_0:
called_computation_lowered:
.L_overlay_start_0:
0x88: {  	s2 =	sld [smem:$0x3FD9]  }
0x89: {  	s3 =	sld [smem:$0x3FFE];
	_ =	sdelay $0x1  }
0x8a: {  	s1 =	srdreg.scid  }
0x8b: {  	s0 =	sand.u32 $0x1, s1  }
0x8c: {  	s17 =	sshll.u32 s0, $0xA;
	s2 =	sadd.s32 s3, s2  }
0x8d: {  	s2 =	sadd.s32 s2, s17  }
0x8e: {  	[smem:$0x3FC4] =	sst s2  }
0x8f: {  	_ = 	snop  }
0x90: {  	s2 =	sld [smem:$0x3FC7]  }
0x91: {  	s18 =	sld [smem:$0x3FD0];
	(tm) =	ssettm $0x1  }
0x92: {  	s4 =	sld [smem:$0x3FFB];
	_ =	sdelay $0x3  }
0x93: {  	_ =	strace s4  }
0x94: {  	s4 =	sld [smem:$0x3FFC];
	_ =	sdelay $0x3  }
0x95: {  	_ =	strace s4  }
0x96: {  	s4 =	sld [smem:$0x3FFD];
	_ =	sdelay $0x3  }
0x97: {  	_ =	strace s4  }
0x98: {  	_ =	strace $0x8FFFFFFF  }
0x99: {  	s19 =	sld [smem:$0x3FDB];
	_ =	sdelay $0x1  }
0x9a: {  	s5 =	simm.s32 $_scs_section_size  }
0x9b: {  	s6 =	simm.s32 $_size__tile_overlayer_lowered;
	s7 =	simm.s32 $_tile_overlayer_lowered  }
0x9c: {  	s22 =	simm.s32 $0x1BFF;
	s21 =	sshll.u32 s7, $0x1;
	s4 =	sadd.s32 s5, s19  }
0x9d: {  	s8 =	simm.s32 $0x0;
	s20 =	sshll.u32 s6, $0x1;
	s6 =	sadd.s32 s21, s4  }
0x9e: {  	[timem:s8], [sflag:s22] =	dma.local [hbm:s6], s20  }
0x9f: {  	_ =	swait.ge [sflag:s22], s20  }
0xa0: {  	s5 =	ssub.s32 $0x0, s20;
	[sflag:s22] =	ssyncset.done $0x0  }
0xa1: {  	[sflag:s22] =	ssyncadd.s32 s5;
	_ =	sdelay $0x1  }
0xa2: {  	s23 =	simm.s32 $0x1B8B  }
0xa3: {  	_ =	swait.ge [sflag:s23], $0x1  }
0xa4: {  	[sflag:s23] =	ssyncset.done $0x0  }
0xa5: {  	s25 =	simm.s32 $0x1B8E;
	s24 =	sld [smem:$0x3FFE];
	[sflag:s23] =	ssyncadd.s32 $0xFFFFFFFF  }
0xa6: {  	s26 =	simm.s32 $execute0_lowered;
	[smem:$0x3FD2] =	sst s25  }
0xa7: {  	s6 =	sshll.u32 s26, $0x1;
	_ =	strace $0x80000046;
	[dreg:$0x1] =	wrdreg $0xFFFFFFFF  }
0xa8: {  	s28 =	simm.s32 $_size_execute0_lowered;
	s4 =	sadd.s32 s4, s6;
	[dreg:$0x0] =	wrdreg $0x0  }
0xa9: {  	s6 =	sshll.u32 s28, $0x1;
	[dreg:$0x2] =	wrdreg s4  }
0xaa: {  	[dreg:$0x3] =	wrdreg s6  }
0xab: {  	[dreg:$0x4] =	wrdreg $0xC0  }
0xac: {  	_ =	task [dreg:s8], $0x5FFFF  }
0xad: {  	[dreg:$0x1] =	wrdreg $0xFFFFFFFF  }
0xae: {  	[dreg:$0x0] =	wrdreg $0x60  }
0xaf: {  	[dreg:$0x2] =	wrdreg s24  }
0xb0: {  	[dreg:$0x3] =	wrdreg s18  }
0xb1: {  	[dreg:$0x4] =	wrdreg s2  }
0xb2: {  	[dreg:$0x5] =	wrdreg $0x9  }
0xb3: {  	_ =	task.clear_ibuf [dreg:s8], $0x6FFFF;
	_ =	strace $0x90000046  }
0xb4: {  	s29 =	simm.s32 $0x9;
	_ =	strace $0x80000048  }
0xb5: {  	_ =	swait.ge [sflag:s29], $0x1  }
0xb6: {  	[sflag:s29] =	ssyncadd.s32 $0xFFFFFFFF  }
0xb7: {  	_ =	strace $0x90000048  }
0xb8: {  	_ =	sfence  }
0xb9: {  	s30 =	sld [smem:$0x0];
	_ =	sdelay $0x2  }
0xba: {  	s31 =	sshll.u32 s1, $0xD;
	s1 =	sshrl.u32 s1, $0x2  }
0xbb: {  	s3 =	sand.u32 $0x4000, s31;
	s1 =	sadd.s32 s1, s30  }
0xbc: {  	s0 =	sor.u32 s3, s0;
	s1 =	sshll.u32 s1, $0x11  }
0xbd: {  	s0 =	sor.u32 s1, s0  }
0xbe: {  	s0 =	sadd.s32 $0x8F2B, s0  }
0xbf: {  	[sflag:s0] =	ssyncadd.remote.s32 $0x1  }
0xc0: {  	_ =	sfence.sel $0xFFFF  }
0xc1: {  	[dreg:$0x0] =	wrdreg $0xFFFFFFFF;
	(pc) =	sbr.abs _section_cstart, $3  }
0xc2: {  	[dreg:$0x1] =	wrdreg $0xFFFFFFFF  }
0xc3: {  	_ =	task.clear_ibuf [dreg:s8], $0x2FFFF;
	_ =	strace $0x9FFFFFFF  }
0xc4: {  	(tm) =	ssettm $0x7FFFFFFF  }
0xc5: {  	_ =	shalt  }
tec
execute0_lowered:
.L_overlay_start_1:
0x0: {  	(tag) =	ssettag $0x1  }
0x1: {  	s5 =	rddreg [dreg:$0x0]  }
0x2: {  	s2 =	rddreg [dreg:$0x1]  }
0x3: {  	s6 =	rddreg [dreg:$0x2]  }
0x4: {  	s0 =	rddreg [dreg:$0x3];
	s4 =	srdreg.scid  }
0x5: {  	s1 =	stileid.u32;
	s3 =	simm.s32 $0x0;
	s15 =	simm.s32 $0xF000  }
0x6: {  	s16 =	simm.s32 $0x80;
	s17 =	simm.s32 $0x400;
	s18 =	simm.s32 $0x0  }
0x7: {  	s7 =	sand.u32 $0x1, s4;
	s19 =	sshll.u32 s1, $0x1;
	s13 =	smul.u32 $0x4E20, s1  }
0x8: {  	[smem:$0x7FF] =	sst s3;
	s11 =	sshrl.u32 s1, $0x2;
	s22 =	smul.u32 $0x9C40, s1  }
0x9: {  	s4 =	sadd.s32 $0x2600, s5;
	s10 =	sadd.s32 $0x3000, s5;
	s11 =	smul.u32 $0x14000, s11  }
0xa: {  	s8 =	sor.u32 s7, s19;
	_ =	strace $0x80000047;
	s14 =	smul.u32 $0x2710, s7  }
0xb: {  	s20 =	ssub.s32 $0x2, s7;
	s9 =	smul.u32 $0x2710, s8;
	s8 =	sshll.u32 s8, $0x7  }
0xc: {  	s25 =	smul.u32 $0x4E20, s7;
	s12 =	sshrl.u32 s20, $0x1;
	s8 =	sand.u32 $0x380, s8  }
0xd: {  	s12 =	ssub.s32 s20, s12;
	s23 =	sadd.s32 s14, s13;
	s13 =	simm.s32 $0x7800  }
0xe: {  	s14 =	simm.s32 $0xC800;
	s9 =	sand.u32 $0x7FF80, s9;
	s21 =	sor.u32 s11, s8  }
0xf: {  	s26 =	sand.u32 $0xFFF80, s23;
	s11 =	simm.s32 $0x1;
	s9 =	smin.u32 s9, $0x4BA00  }
0x10: {  	s8 =	sshrl.u32 s21, $0x3;
	s24 =	sadd.s32 $0x50000, s21;
	s29 =	smin.u32 s26, $0x4BA00  }
0x11: {  	s9 =	sshrl.u32 s9, $0x2;
	s28 =	sshrl.u32 s24, $0x3;
	s30 =	sshll.u32 s29, $0x1  }
0x12: {  	s31 =	ssub.s32 s23, s29;
	s5 =	sadd.s32 s6, s9;
	s6 =	sadd.s32 s10, s8  }
0x13: {  	s7 =	sadd.s32 s10, s28;
	s9 =	sadd.s32 s25, s22;
	s8 =	smax.u32 s12, $0x1  }
0x14: {  	v0 =	vimm.f32 $0.0e+00;
	s10 =	sadd.s32 $0x40, s31;
	s12 =	simm.s32 $0x5000;
	s9 =	ssub.s32 s9, s30  }
.LBB2_1:
0x15: {  	[tilespmem:s3], [sflag:$0x1] =	stream.linear.gather [hbm4b:s4+s3], $0x5000, $0x38;
	[tilespmem:$0x11800] =	vst v63  }
0x16: {  	_ =	swait.ge [sflag:s11], $0x5000  }
0x17: {  	[sflag:s11] =	ssyncset.done $0x0  }
0x18: {  	[sflag:s11] =	ssyncadd.s32 $0xFFFFB000  }
0x19: {  	[tilespmem:s12], [sflag:$0x1] =	stream.linear.gather [hbm4b:s2+s3], $0x2800, $0x38;
	[tilespmem:$0x11800] =	vst v63  }
0x1a: {  	_ =	swait.ge [sflag:s11], $0x2800  }
0x1b: {  	[sflag:s11] =	ssyncset.done $0x0  }
0x1c: {  	[sflag:s11] =	ssyncadd.s32 $0xFFFFD800  }
0x1d: {  	[tilespmem:s13], [sflag:$0x1] =	stream.linear.gather [hbm4b:s5+s3], $0x5000, $0x38;
	[tilespmem:$0x11800] =	vst v63  }
0x1e: {  	_ =	swait.ge [sflag:s11], $0x5000  }
0x1f: {  	[sflag:s11] =	ssyncset.done $0x0  }
0x20: {  	s19 =	simm.s32 $0x0;
	[sflag:s11] =	ssyncadd.s32 $0xFFFFB000  }
.LBB2_2:
0x21: {  	p0 =	sne.s32 s19, $0x9FC0  }
.Ltmp0:
0x22: {  	_ = 	snop;
	(pc) =	sbr.rel @p0 .LBB2_2-.Ltmp0, $4  }
0x23: {  	_ = 	snop  }
0x24: {  	s20 =	sshra.s32 s19, $0x2  }
0x25: {  	[tilespmem:s20+$0xC800] =	vst v0  }
0x26: {  	s19 =	sadd.s32 $0x40, s19;
	[tilespmem:s20+$0xF000] =	vst v0  }
0x27: {  	s19 =	simm.s32 $0x0;
	s20 =	smov.u32 s10  }
.LBB2_4:
0x28: {  	s22 =	sadd.s32 $0xFFFFFFC0, s20;
	s21 =	sadd.s32 s19, s9  }
0x29: {  	s22 =	sand.u32 $0x70, s22;
	s23 =	sand.u32 $0xFFFFFF00, s21  }
0x2a: {  	s22 =	sor.u32 s22, s23  }
0x2b: {  	v1 =	vld [tilespmem:s22+$0x7800];
	_ =	sdelay $0x1  }
0x2c: {  	v2 =	vld [tilespmem:s22+$0x7880];
	_ =	sdelay $0x2  }
0x2d: {  	v3 =	vshll.u32 v1, $0x1  }
0x2e: {  	v4 =	vand.u32 $0x7F, v1;
	v3 =	vand.u32 $0xFFFFFF00, v3  }
0x2f: {  	v19 =	vshll.u32 v2, $0x1;
	v3 =	vor.u32 v4, v3  }
0x30: {  	v6 =	vand.u32 $0x7F, v2;
	v4 =	vand.u32 $0xFFFFFF00, v19;
	v5 =	vor.u32 $0x80, v3  }
0x31: {  	v4 =	vor.u32 v6, v4  }
0x32: {  	v6 =	vor.u32 $0x80, v4;
	_ =	sdelay $0x1  }
0x33: {  	v3 =	vld.idx.msk [tilespmem:v3+s3+$0x0], $0xffff  }
0x34: {  	v5 =	vld.idx.msk [tilespmem:v5+s3+$0x0], $0xffff  }
0x35: {  	v4 =	vld.idx.msk [tilespmem:v4+s3+$0x0], $0xffff  }
0x36: {  	v6 =	vld.idx.msk [tilespmem:v6+s3+$0x0], $0xffff;
	_ =	sdelay $0x4  }
0x37: {  	v3 =	vsub.f32 v3, v4;
	v20 =	vsub.f32 v5, v6;
	_ =	sdelay $0x1  }
0x38: {  	v21 =	vmul.f32 v3, v3;
	v6 =	vmul.f32 v20, v20;
	_ =	sdelay $0x1  }
0x39: {  	v5 =	vadd.f32 v6, v21;
	_ =	sdelay $0x1  }
0x3a: {  	v5 =	vadd.f32 $9.999999680e-21, v5;
	_ =	sdelay $0x1  }
0x3b: {  	v22 =	vshra.s32 v5, $0x1;
	v7 =	vmul.f32 $5.000000000e-01, v5  }
0x3c: {  	v6 =	vsub.s32 $0x5F3759DF, v22  }
0x3d: {  	v8 =	vmul.f32 v6, v7;
	_ =	sdelay $0x1  }
0x3e: {  	v8 =	vmul.f32 v6, v8;
	_ =	sdelay $0x1  }
0x3f: {  	v8 =	vsub.f32 $1.500000000e+00, v8;
	_ =	sdelay $0x1  }
0x40: {  	v6 =	vmul.f32 v6, v8;
	_ =	sdelay $0x1  }
0x41: {  	v7 =	vmul.f32 v6, v7;
	_ =	sdelay $0x1  }
0x42: {  	v7 =	vmul.f32 v7, v6;
	_ =	sdelay $0x1  }
0x43: {  	v7 =	vsub.f32 $1.500000000e+00, v7;
	_ =	sdelay $0x1  }
0x44: {  	v6 =	vmul.f32 v7, v6;
	_ =	sdelay $0x1  }
0x45: {  	v5 =	vmul.f32 v6, v5  }
0x46: {  	v23 =	vld.idx.msk [tilespmem:v1+s12+$0x0], $0xffff  }
0x47: {  	v5 =	vadd.f32 $9.999999770e-03, v5;
	_ =	sdelay $0x1  }
0x48: {  	v5 =	vsub.f32 $0.0e+00, v5;
	_ =	sdelay $0x1  }
0x49: {  	v5 =	vmul.f32 v5, v23;
	_ =	sdelay $0x1  }
0x4a: {  	v3 =	vmul.f32 v5, v3  }
0x4b: {  	v4 =	vmul.f32 v5, v20  }
0x4c: {  	[tilespmem:v1+s14+$0x0] =	vst.idx.add.f32.msk $0xffff, v3;
	v3 =	vsub.f32 $0.0e+00, v3  }
0x4d: {  	s24 =	sadd.s32 $0xFFFFFFD0, s20;
	s25 =	sadd.s32 $0x20, s21;
	[tilespmem:v1+s15+$0x0] =	vst.idx.add.f32.msk $0xffff, v4;
	v1 =	vsub.f32 $0.0e+00, v4  }
0x4e: {  	s23 =	sand.u32 $0xFFFFFF00, s25;
	s22 =	sand.u32 $0x70, s24;
	[tilespmem:v2+s14+$0x0] =	vst.idx.add.f32.msk $0xffff, v3  }
0x4f: {  	s22 =	sor.u32 s22, s23;
	[tilespmem:v2+s15+$0x0] =	vst.idx.add.f32.msk $0xffff, v1  }
0x50: {  	v1 =	vld [tilespmem:s22+$0x7800]  }
0x51: {  	v2 =	vld [tilespmem:s22+$0x7880];
	_ =	sdelay $0x3  }
0x52: {  	v3 =	vshll.u32 v1, $0x1  }
0x53: {  	v24 =	vand.u32 $0x7F, v1;
	v25 =	vshll.u32 v2, $0x1;
	v3 =	vand.u32 $0xFFFFFF00, v3  }
0x54: {  	v27 =	vand.u32 $0x7F, v2;
	v4 =	vand.u32 $0xFFFFFF00, v25;
	v3 =	vor.u32 v24, v3  }
0x55: {  	v4 =	vor.u32 v27, v4  }
0x56: {  	v26 =	vor.u32 $0x80, v3  }
0x57: {  	v6 =	vor.u32 $0x80, v4;
	_ =	sdelay $0x1  }
0x58: {  	v3 =	vld.idx.msk [tilespmem:v3+s3+$0x0], $0xffff  }
0x59: {  	v4 =	vld.idx.msk [tilespmem:v4+s3+$0x0], $0xffff  }
0x5a: {  	v5 =	vld.idx.msk [tilespmem:v26+s3+$0x0], $0xffff  }
0x5b: {  	v6 =	vld.idx.msk [tilespmem:v6+s3+$0x0], $0xffff;
	_ =	sdelay $0x4  }
0x5c: {  	v3 =	vsub.f32 v3, v4;
	v28 =	vsub.f32 v5, v6;
	_ =	sdelay $0x1  }
0x5d: {  	v29 =	vmul.f32 v3, v3;
	v6 =	vmul.f32 v28, v28;
	_ =	sdelay $0x1  }
0x5e: {  	v5 =	vadd.f32 v6, v29;
	_ =	sdelay $0x1  }
0x5f: {  	v5 =	vadd.f32 $9.999999680e-21, v5;
	_ =	sdelay $0x1  }
0x60: {  	v30 =	vshra.s32 v5, $0x1;
	v31 =	vmul.f32 $5.000000000e-01, v5  }
0x61: {  	v6 =	vsub.s32 $0x5F3759DF, v30  }
0x62: {  	v32 =	vmul.f32 v6, v31;
	_ =	sdelay $0x1  }
0x63: {  	v8 =	vmul.f32 v6, v32;
	_ =	sdelay $0x1  }
0x64: {  	v8 =	vsub.f32 $1.500000000e+00, v8;
	_ =	sdelay $0x1  }
0x65: {  	v6 =	vmul.f32 v6, v8;
	_ =	sdelay $0x1  }
0x66: {  	v7 =	vmul.f32 v6, v31;
	_ =	sdelay $0x1  }
0x67: {  	v7 =	vmul.f32 v7, v6;
	_ =	sdelay $0x1  }
0x68: {  	v7 =	vsub.f32 $1.500000000e+00, v7;
	_ =	sdelay $0x1  }
0x69: {  	v6 =	vmul.f32 v7, v6;
	_ =	sdelay $0x1  }
0x6a: {  	v5 =	vmul.f32 v6, v5  }
0x6b: {  	v33 =	vld.idx.msk [tilespmem:v1+s12+$0x0], $0xffff  }
0x6c: {  	v5 =	vadd.f32 $9.999999770e-03, v5;
	_ =	sdelay $0x1  }
0x6d: {  	v5 =	vsub.f32 $0.0e+00, v5;
	_ =	sdelay $0x1  }
0x6e: {  	v5 =	vmul.f32 v5, v33;
	_ =	sdelay $0x1  }
0x6f: {  	v3 =	vmul.f32 v5, v3  }
0x70: {  	v4 =	vmul.f32 v5, v28  }
0x71: {  	[tilespmem:v1+s14+$0x0] =	vst.idx.add.f32.msk $0xffff, v3;
	v3 =	vsub.f32 $0.0e+00, v3  }
0x72: {  	s26 =	sadd.s32 $0xFFFFFFE0, s20;
	s28 =	sadd.s32 $0x40, s21;
	[tilespmem:v1+s15+$0x0] =	vst.idx.add.f32.msk $0xffff, v4;
	v1 =	vsub.f32 $0.0e+00, v4  }
0x73: {  	s23 =	sand.u32 $0xFFFFFF00, s28;
	s22 =	sand.u32 $0x70, s26;
	[tilespmem:v2+s14+$0x0] =	vst.idx.add.f32.msk $0xffff, v3  }
0x74: {  	s22 =	sor.u32 s22, s23;
	[tilespmem:v2+s15+$0x0] =	vst.idx.add.f32.msk $0xffff, v1  }
0x75: {  	v1 =	vld [tilespmem:s22+$0x7800]  }
0x76: {  	v2 =	vld [tilespmem:s22+$0x7880];
	_ =	sdelay $0x3  }
0x77: {  	v3 =	vshll.u32 v1, $0x1  }
0x78: {  	v34 =	vand.u32 $0x7F, v1;
	v35 =	vshll.u32 v2, $0x1;
	v3 =	vand.u32 $0xFFFFFF00, v3  }
0x79: {  	v37 =	vand.u32 $0x7F, v2;
	v4 =	vand.u32 $0xFFFFFF00, v35;
	v3 =	vor.u32 v34, v3  }
0x7a: {  	v4 =	vor.u32 v37, v4  }
0x7b: {  	v36 =	vor.u32 $0x80, v3  }
0x7c: {  	v6 =	vor.u32 $0x80, v4;
	_ =	sdelay $0x1  }
0x7d: {  	v3 =	vld.idx.msk [tilespmem:v3+s3+$0x0], $0xffff  }
0x7e: {  	v4 =	vld.idx.msk [tilespmem:v4+s3+$0x0], $0xffff  }
0x7f: {  	v5 =	vld.idx.msk [tilespmem:v36+s3+$0x0], $0xffff  }
0x80: {  	v6 =	vld.idx.msk [tilespmem:v6+s3+$0x0], $0xffff;
	_ =	sdelay $0x4  }
0x81: {  	v3 =	vsub.f32 v3, v4;
	v38 =	vsub.f32 v5, v6;
	_ =	sdelay $0x1  }
0x82: {  	v39 =	vmul.f32 v3, v3;
	v6 =	vmul.f32 v38, v38;
	_ =	sdelay $0x1  }
0x83: {  	v5 =	vadd.f32 v6, v39;
	_ =	sdelay $0x1  }
0x84: {  	v5 =	vadd.f32 $9.999999680e-21, v5;
	_ =	sdelay $0x1  }
0x85: {  	v40 =	vshra.s32 v5, $0x1;
	v41 =	vmul.f32 $5.000000000e-01, v5  }
0x86: {  	v6 =	vsub.s32 $0x5F3759DF, v40  }
0x87: {  	v42 =	vmul.f32 v6, v41;
	_ =	sdelay $0x1  }
0x88: {  	v8 =	vmul.f32 v6, v42;
	_ =	sdelay $0x1  }
0x89: {  	v8 =	vsub.f32 $1.500000000e+00, v8;
	_ =	sdelay $0x1  }
0x8a: {  	v6 =	vmul.f32 v6, v8;
	_ =	sdelay $0x1  }
0x8b: {  	v7 =	vmul.f32 v6, v41;
	_ =	sdelay $0x1  }
0x8c: {  	v7 =	vmul.f32 v7, v6;
	_ =	sdelay $0x1  }
0x8d: {  	v7 =	vsub.f32 $1.500000000e+00, v7;
	_ =	sdelay $0x1  }
0x8e: {  	v6 =	vmul.f32 v7, v6;
	_ =	sdelay $0x1  }
0x8f: {  	v5 =	vmul.f32 v6, v5  }
0x90: {  	v43 =	vld.idx.msk [tilespmem:v1+s12+$0x0], $0xffff  }
0x91: {  	v5 =	vadd.f32 $9.999999770e-03, v5;
	_ =	sdelay $0x1  }
0x92: {  	v5 =	vsub.f32 $0.0e+00, v5;
	_ =	sdelay $0x1  }
0x93: {  	v5 =	vmul.f32 v5, v43;
	_ =	sdelay $0x1  }
0x94: {  	v3 =	vmul.f32 v5, v3  }
0x95: {  	v4 =	vmul.f32 v5, v38  }
0x96: {  	[tilespmem:v1+s14+$0x0] =	vst.idx.add.f32.msk $0xffff, v3;
	v3 =	vsub.f32 $0.0e+00, v3  }
0x97: {  	s29 =	sadd.s32 $0xFFFFFFF0, s20;
	s30 =	sadd.s32 $0x60, s21;
	[tilespmem:v1+s15+$0x0] =	vst.idx.add.f32.msk $0xffff, v4;
	v1 =	vsub.f32 $0.0e+00, v4  }
0x98: {  	s23 =	sand.u32 $0xFFFFFF00, s30;
	s22 =	sand.u32 $0x70, s29;
	[tilespmem:v2+s14+$0x0] =	vst.idx.add.f32.msk $0xffff, v3  }
0x99: {  	s22 =	sor.u32 s22, s23;
	[tilespmem:v2+s15+$0x0] =	vst.idx.add.f32.msk $0xffff, v1  }
0x9a: {  	v1 =	vld [tilespmem:s22+$0x7800]  }
0x9b: {  	v2 =	vld [tilespmem:s22+$0x7880];
	_ =	sdelay $0x3  }
0x9c: {  	v3 =	vshll.u32 v1, $0x1  }
0x9d: {  	v44 =	vand.u32 $0x7F, v1;
	v45 =	vshll.u32 v2, $0x1;
	v3 =	vand.u32 $0xFFFFFF00, v3  }
0x9e: {  	v47 =	vand.u32 $0x7F, v2;
	v4 =	vand.u32 $0xFFFFFF00, v45;
	v3 =	vor.u32 v44, v3  }
0x9f: {  	v4 =	vor.u32 v47, v4  }
0xa0: {  	v46 =	vor.u32 $0x80, v3  }
0xa1: {  	v6 =	vor.u32 $0x80, v4;
	_ =	sdelay $0x1  }
0xa2: {  	v3 =	vld.idx.msk [tilespmem:v3+s3+$0x0], $0xffff  }
0xa3: {  	v4 =	vld.idx.msk [tilespmem:v4+s3+$0x0], $0xffff  }
0xa4: {  	v5 =	vld.idx.msk [tilespmem:v46+s3+$0x0], $0xffff  }
0xa5: {  	v6 =	vld.idx.msk [tilespmem:v6+s3+$0x0], $0xffff;
	_ =	sdelay $0x4  }
0xa6: {  	v3 =	vsub.f32 v3, v4;
	v48 =	vsub.f32 v5, v6;
	_ =	sdelay $0x1  }
0xa7: {  	v49 =	vmul.f32 v3, v3;
	v6 =	vmul.f32 v48, v48;
	_ =	sdelay $0x1  }
0xa8: {  	v5 =	vadd.f32 v6, v49;
	_ =	sdelay $0x1  }
0xa9: {  	v5 =	vadd.f32 $9.999999680e-21, v5;
	_ =	sdelay $0x1  }
0xaa: {  	v50 =	vshra.s32 v5, $0x1;
	v51 =	vmul.f32 $5.000000000e-01, v5  }
0xab: {  	v6 =	vsub.s32 $0x5F3759DF, v50  }
0xac: {  	v52 =	vmul.f32 v6, v51;
	_ =	sdelay $0x1  }
0xad: {  	v8 =	vmul.f32 v6, v52;
	_ =	sdelay $0x1  }
0xae: {  	v8 =	vsub.f32 $1.500000000e+00, v8;
	_ =	sdelay $0x1  }
0xaf: {  	v6 =	vmul.f32 v6, v8;
	_ =	sdelay $0x1  }
0xb0: {  	v7 =	vmul.f32 v6, v51;
	_ =	sdelay $0x1  }
0xb1: {  	v7 =	vmul.f32 v7, v6;
	_ =	sdelay $0x1  }
0xb2: {  	v7 =	vsub.f32 $1.500000000e+00, v7;
	_ =	sdelay $0x1  }
0xb3: {  	v6 =	vmul.f32 v7, v6;
	_ =	sdelay $0x1  }
0xb4: {  	v5 =	vmul.f32 v6, v5  }
0xb5: {  	v53 =	vld.idx.msk [tilespmem:v1+s12+$0x0], $0xffff  }
0xb6: {  	v5 =	vadd.f32 $9.999999770e-03, v5;
	_ =	sdelay $0x1  }
0xb7: {  	v5 =	vsub.f32 $0.0e+00, v5;
	_ =	sdelay $0x1  }
0xb8: {  	v5 =	vmul.f32 v5, v53;
	_ =	sdelay $0x1  }
0xb9: {  	v3 =	vmul.f32 v5, v3  }
0xba: {  	v4 =	vmul.f32 v5, v48  }
0xbb: {  	[tilespmem:v1+s14+$0x0] =	vst.idx.add.f32.msk $0xffff, v3;
	v3 =	vsub.f32 $0.0e+00, v3  }
0xbc: {  	s21 =	sadd.s32 $0x80, s21;
	[tilespmem:v1+s15+$0x0] =	vst.idx.add.f32.msk $0xffff, v4;
	v1 =	vsub.f32 $0.0e+00, v4  }
0xbd: {  	s31 =	sand.u32 $0x70, s20;
	s21 =	sand.u32 $0xFFFFFF00, s21;
	[tilespmem:v2+s14+$0x0] =	vst.idx.add.f32.msk $0xffff, v3  }
0xbe: {  	s21 =	sor.u32 s31, s21;
	[tilespmem:v2+s15+$0x0] =	vst.idx.add.f32.msk $0xffff, v1  }
0xbf: {  	v1 =	vld [tilespmem:s21+$0x7800]  }
0xc0: {  	v2 =	vld [tilespmem:s21+$0x7880];
	_ =	sdelay $0x3  }
0xc1: {  	v3 =	vshll.u32 v1, $0x1  }
0xc2: {  	v54 =	vand.u32 $0x7F, v1;
	v55 =	vshll.u32 v2, $0x1;
	v3 =	vand.u32 $0xFFFFFF00, v3  }
0xc3: {  	v57 =	vand.u32 $0x7F, v2;
	v4 =	vand.u32 $0xFFFFFF00, v55;
	v3 =	vor.u32 v54, v3  }
0xc4: {  	v4 =	vor.u32 v57, v4  }
0xc5: {  	v56 =	vor.u32 $0x80, v3  }
0xc6: {  	v6 =	vor.u32 $0x80, v4;
	_ =	sdelay $0x1  }
0xc7: {  	v3 =	vld.idx.msk [tilespmem:v3+s3+$0x0], $0xffff  }
0xc8: {  	v4 =	vld.idx.msk [tilespmem:v4+s3+$0x0], $0xffff  }
0xc9: {  	v5 =	vld.idx.msk [tilespmem:v56+s3+$0x0], $0xffff  }
0xca: {  	v6 =	vld.idx.msk [tilespmem:v6+s3+$0x0], $0xffff;
	_ =	sdelay $0x4  }
0xcb: {  	v3 =	vsub.f32 v3, v4;
	v58 =	vsub.f32 v5, v6;
	_ =	sdelay $0x1  }
0xcc: {  	v59 =	vmul.f32 v3, v3;
	v6 =	vmul.f32 v58, v58;
	_ =	sdelay $0x1  }
0xcd: {  	v5 =	vadd.f32 v6, v59;
	_ =	sdelay $0x1  }
0xce: {  	v5 =	vadd.f32 $9.999999680e-21, v5;
	_ =	sdelay $0x1  }
0xcf: {  	v60 =	vshra.s32 v5, $0x1;
	v61 =	vmul.f32 $5.000000000e-01, v5  }
0xd0: {  	v6 =	vsub.s32 $0x5F3759DF, v60  }
0xd1: {  	v62 =	vmul.f32 v6, v61;
	_ =	sdelay $0x1  }
0xd2: {  	v8 =	vmul.f32 v6, v62;
	_ =	sdelay $0x1  }
0xd3: {  	v8 =	vsub.f32 $1.500000000e+00, v8;
	_ =	sdelay $0x1  }
0xd4: {  	v6 =	vmul.f32 v6, v8;
	_ =	sdelay $0x1  }
0xd5: {  	v7 =	vmul.f32 v6, v61;
	_ =	sdelay $0x1  }
0xd6: {  	v7 =	vmul.f32 v7, v6;
	_ =	sdelay $0x1  }
0xd7: {  	v7 =	vsub.f32 $1.500000000e+00, v7;
	_ =	sdelay $0x1  }
0xd8: {  	v6 =	vmul.f32 v7, v6;
	_ =	sdelay $0x1  }
0xd9: {  	v5 =	vmul.f32 v6, v5  }
0xda: {  	v63 =	vld.idx.msk [tilespmem:v1+s12+$0x0], $0xffff  }
0xdb: {  	v5 =	vadd.f32 $9.999999770e-03, v5;
	_ =	sdelay $0x1  }
0xdc: {  	v5 =	vsub.f32 $0.0e+00, v5;
	_ =	sdelay $0x1  }
0xdd: {  	v5 =	vmul.f32 v5, v63;
	_ =	sdelay $0x1  }
0xde: {  	p0 =	sne.s32 s19, $0x4D80;
	v3 =	vmul.f32 v5, v3  }
.Ltmp1:
0xdf: {  	v4 =	vmul.f32 v5, v58;
	(pc) =	sbr.rel @p0 .LBB2_4-.Ltmp1, $4  }
0xe0: {  	[tilespmem:v1+s14+$0x0] =	vst.idx.add.f32.msk $0xffff, v3;
	v3 =	vsub.f32 $0.0e+00, v3  }
0xe1: {  	[tilespmem:v1+s15+$0x0] =	vst.idx.add.f32.msk $0xffff, v4;
	v1 =	vsub.f32 $0.0e+00, v4  }
0xe2: {  	[tilespmem:v2+s14+$0x0] =	vst.idx.add.f32.msk $0xffff, v3  }
0xe3: {  	s20 =	sadd.s32 $0x50, s20;
	s19 =	sadd.s32 $0xA0, s19;
	[tilespmem:v2+s15+$0x0] =	vst.idx.add.f32.msk $0xffff, v1  }
0xe4: {  	[hbm4b:s6+s16] =	stream.strided.scatter [tilespmem:s14], [sflag:$0x1], $0x2800, s17, s16, $0x38;
	[tilespmem:$0x11800] =	vst v63  }
0xe5: {  	s18 =	sadd.s32 $0x1, s18;
	_ =	swait.ge [sflag:s11], $0x2800  }
0xe6: {  	p0 =	sne.s32 s18, s8;
	[sflag:s11] =	ssyncset.done $0x0  }
.Ltmp2:
0xe7: {  	[sflag:s11] =	ssyncadd.s32 $0xFFFFD800;
	(pc) =	sbr.rel @p0 .LBB2_1-.Ltmp2, $4  }
0xe8: {  	[hbm4b:s7+s16] =	stream.strided.scatter [tilespmem:s15], [sflag:$0x1], $0x2800, s17, s16, $0x38;
	[tilespmem:$0x11800] =	vst v63  }
0xe9: {  	_ =	swait.ge [sflag:s11], $0x2800  }
0xea: {  	[sflag:s11] =	ssyncset.done $0x0  }
0xeb: {  	[sflag:s11] =	ssyncadd.s32 $0xFFFFD800  }
0xec: {  	_ =	sfence.sel $0x180000  }
0xed: {  	[bflag:$0x0] =	sbarrier.arrive $0xFFFF  }
0xee: {  	p0 =	sne.s32 s1, $0x0;
	_ =	strace $0x90000047  }
0xef: {  	s0 =	sadd.s32 @!p0 $0x100000, s0;
	[bflag:$0x2] =	sbarrier.arrive $0xFFFF  }
0xf0: {  	[sflag:s0] =	ssyncadd.tile.s32 @!p0 $0x1;
	_ =	shalt  }
.Lfunc_end2:
_tile_overlayer_lowered:
.L_overlay_start_2:
0xf1: {  	(tag) =	ssettag $0x2  }
0xf2: {  	s0 =	rddreg [dreg:$0x0];
	s2 =	stileid.u32  }
0xf3: {  	s1 =	rddreg [dreg:$0x1];
	p0 =	sne.s32 s2, $0x0  }
0xf4: {  	s3 =	rddreg [dreg:$0x2];
	[bflag:$0x3] =	sbarrier.arrive $0xFFFF;
	s2 =	simm.s32 @!p0 $0x1C01  }
0xf5: {  	[timem:s3], [sflag:s2] =	dma.local @!p0 [hbm:s0], s1  }
0xf6: {  	s0 =	simm.s32 @!p0 $0x1  }
0xf7: {  	_ =	swait.ge @!p0 [sflag:s0], s1  }
0xf8: {  	s1 =	ssub.s32 @!p0 $0x0, s1;
	[sflag:s0] =	ssyncset.done @!p0 $0x0  }
0xf9: {  	[sflag:s0] =	ssyncadd.s32 @!p0 s1  }
0xfa: {  	[bflag:$0x3] =	sbarrier.arrive $0xFFFF  }
0xfb: {  	_ =	shalt  }

// kernel: kernel.15.cloned.1.call-start
scs
__scs_entry_jumppad:
0x0: {  	(pc) =	sbr.rel $0x88, $3  }
0x1: {  	(tag) =	ssettag $0x0;
	lr =	simm.s32 $0x1  }
0x2: {  	[smem:$0x3F9D] =	sst lr;
	_ =	strace $0xD0000000  }
0x3: {  	_ = 	snop  }
0x4: {  	_ = 	snop  }
0x5: {  	_ = 	snop  }
0x6: {  	_ = 	snop  }
0x7: {  	_ = 	snop  }
__scs_overlays_trampoline_lowered:
0x8: {  	[smem:$0x3FAC] =	sst s0  }
0x9: {  	[smem:$0x3FAD] =	sst s1  }
0xa: {  	[smem:$0x3FAE] =	sst s2  }
0xb: {  	[smem:$0x3FAF] =	sst s3  }
0xc: {  	[smem:$0x3FB0] =	sst s4  }
0xd: {  	[smem:$0x3FB1] =	sst s5  }
0xe: {  	[smem:$0x3FB2] =	sst s6  }
0xf: {  	[smem:$0x3FB3] =	sst s7  }
0x10: {  	[smem:$0x3FB4] =	sst s8  }
0x11: {  	[smem:$0x3FB5] =	sst s9;
	s0 =	simm.s32 @!p0 $0x0  }
0x12: {  	s1 =	sld [smem:$0x3F9B];
	s0 =	simm.s32 @p0 $0x1  }
0x13: {  	[smem:$0x3FB6] =	sst s0;
	s0 =	simm.s32 @!p1 $0x0  }
0x14: {  	s2 =	sld [smem:$0x3F9A];
	s0 =	simm.s32 @p1 $0x1  }
0x15: {  	[smem:$0x3FB7] =	sst s0;
	s0 =	simm.s32 @!p2 $0x0  }
0x16: {  	s3 =	sld [smem:$0x3FDB];
	s0 =	simm.s32 @p2 $0x1  }
0x17: {  	s4 =	simm.s32 $0x1BF5;
	[smem:$0x3FB9] =	sst s0  }
0x18: {  	s0 =	sld [smem:$0x3F9C];
	_ =	swait.ge [sflag:s4], $0x0  }
0x19: {  	s7 =	sld [smem:$0x3F9D]  }
0x1a: {  	s8 =	sadd.s32 $0xFFFFE003, lr  }
0x1b: {  	s9 =	sadd.s32 $0xFFFFFEF7, lr;
	s5 =	simm.s32 $0xFFFFFFFF;
	p2 =	slt.u32 s8, $0xFFFFF086  }
0x1c: {  	p1 =	slt.u32 s9, $0xF7A;
	s5 =	simm.s32 @!p2 $0x0  }
0x1d: {  	s5 =	simm.s32 @p1 $0x1;
	p0 =	seq.s32 s7, s2  }
0x1e: {  	s7 =	smul.u32 @!p0 $0xF7A, s2;
	p2 =	seq.s32 @!p0 s5, $0x0  }
0x1f: {  	s9 =	smul.u32 $0xF7A, s1;
	s8 =	simm.s32 @!p0 $0x1BF5;
	p2 =	por !p2, p0  }
0x20: {  	[sflag:s8] =	ssyncset.s32 @!p0 $0xFFFFF086;
	s6 =	sadd.s32 @!p0 s3, s7;
	s7 =	simm.s32 @!p0 $0x108  }
0x21: {  	s3 =	sadd.s32 s3, s9;
	s6 =	sadd.s32 @!p0 $0x88, s6;
	s7 =	simm.s32 @p2 $0x1082  }
0x22: {  	[simem:s7], [sflag:s8] =	dma.local @!p0 [hbm:s6], $0xF7A  }
0x23: {  	s9 =	sor.u32 $0xD0000000, s2;
	s6 =	simm.s32 $0x108;
	_ =	swait.ge @!p0 [sflag:s8], $0x0  }
0x24: {  	s3 =	sadd.s32 $0x88, s3;
	s6 =	simm.s32 @!p1 $0x1082;
	[sflag:s4] =	ssyncset.s32 $0xFFFFF086  }
0x25: {  	[simem:s6], [sflag:s4] =	dma.local [hbm:s3], $0xF7A  }
0x26: {  	[smem:$0x3F9D] =	sst s1;
	(tag) =	ssettag s2;
	_ =	strace s9  }
0x27: {  	s1 =	sld [smem:$0x3FAD]  }
0x28: {  	s2 =	sld [smem:$0x3FAE]  }
0x29: {  	s4 =	sld [smem:$0x3FB0]  }
0x2a: {  	p0 =	seq.s32 s5, $0x0;
	s5 =	sld [smem:$0x3FB1]  }
0x2b: {  	s6 =	sld [smem:$0x3FB2]  }
0x2c: {  	s7 =	sld [smem:$0x3FB3]  }
0x2d: {  	s3 =	simm.s32 $0x108;
	s8 =	sld [smem:$0x3FB4]  }
0x2e: {  	s3 =	simm.s32 @!p0 $0x1082;
	s9 =	sld [smem:$0x3FB5]  }
0x2f: {  	lr =	sadd.s32 s0, s3;
	s0 =	sld [smem:$0x3FAC]  }
0x30: {  	s3 =	sld [smem:$0x3FAF]  }
0x31: {  	[smem:$0x3FB8] =	sst s10  }
0x32: {  	s10 =	sld [smem:$0x3FB6];
	_ =	sdelay $0x3  }
0x33: {  	p0 =	seq.s32 s10, $0x1;
	s10 =	sld [smem:$0x3FB8];
	_ =	sdelay $0x3  }
0x34: {  	[smem:$0x3FB8] =	sst s10  }
0x35: {  	s10 =	sld [smem:$0x3FB7];
	_ =	sdelay $0x3  }
0x36: {  	p1 =	seq.s32 s10, $0x1;
	s10 =	sld [smem:$0x3FB8];
	_ =	sdelay $0x3  }
0x37: {  	[smem:$0x3FB8] =	sst s10  }
0x38: {  	s10 =	sld [smem:$0x3FB9]  }
0x39: {  	_ = 	snop;
	(pc) =	sbr.ind lr, $3  }
0x3a: {  	_ = 	snop  }
0x3b: {  	_ = 	snop  }
0x3c: {  	p2 =	seq.s32 s10, $0x1;
	s10 =	sld [smem:$0x3FB8]  }
0x3d: {  	_ =	shalt  }
0x3e: {  	_ =	shalt  }
0x3f: {  	_ =	shalt  }
0x40: {  	_ =	shalt  }
0x41: {  	_ =	shalt  }
0x42: {  	_ =	shalt  }
0x43: {  	_ =	shalt  }
0x44: {  	_ =	shalt  }
0x45: {  	_ =	shalt  }
0x46: {  	_ =	shalt  }
0x47: {  	_ =	shalt  }
0x48: {  	_ =	shalt  }
0x49: {  	_ =	shalt  }
0x4a: {  	_ =	shalt  }
0x4b: {  	_ =	shalt  }
0x4c: {  	_ =	shalt  }
0x4d: {  	_ =	shalt  }
0x4e: {  	_ =	shalt  }
0x4f: {  	_ =	shalt  }
0x50: {  	_ =	shalt  }
0x51: {  	_ =	shalt  }
0x52: {  	_ =	shalt  }
0x53: {  	_ =	shalt  }
0x54: {  	_ =	shalt  }
0x55: {  	_ =	shalt  }
0x56: {  	_ =	shalt  }
0x57: {  	_ =	shalt  }
0x58: {  	_ =	shalt  }
0x59: {  	_ =	shalt  }
0x5a: {  	_ =	shalt  }
0x5b: {  	_ =	shalt  }
0x5c: {  	_ =	shalt  }
0x5d: {  	_ =	shalt  }
0x5e: {  	_ =	shalt  }
0x5f: {  	_ =	shalt  }
0x60: {  	_ =	shalt  }
0x61: {  	_ =	shalt  }
0x62: {  	_ =	shalt  }
0x63: {  	_ =	shalt  }
0x64: {  	_ =	shalt  }
0x65: {  	_ =	shalt  }
0x66: {  	_ =	shalt  }
0x67: {  	_ =	shalt  }
0x68: {  	_ =	shalt  }
0x69: {  	_ =	shalt  }
0x6a: {  	_ =	shalt  }
0x6b: {  	_ =	shalt  }
0x6c: {  	_ =	shalt  }
0x6d: {  	_ =	shalt  }
0x6e: {  	_ =	shalt  }
0x6f: {  	_ =	shalt  }
0x70: {  	_ =	shalt  }
0x71: {  	_ =	shalt  }
0x72: {  	_ =	shalt  }
0x73: {  	_ =	shalt  }
0x74: {  	_ =	shalt  }
0x75: {  	_ =	shalt  }
0x76: {  	_ =	shalt  }
0x77: {  	_ =	shalt  }
0x78: {  	_ =	shalt  }
0x79: {  	_ =	shalt  }
0x7a: {  	_ =	shalt  }
0x7b: {  	_ =	shalt  }
0x7c: {  	_ =	shalt  }
0x7d: {  	_ =	shalt  }
0x7e: {  	_ =	shalt  }
0x7f: {  	_ =	shalt  }
0x80: {  	_ =	shalt  }
0x81: {  	_ =	shalt  }
0x82: {  	_ =	shalt  }
0x83: {  	_ =	shalt  }
0x84: {  	_ =	shalt  }
0x85: {  	_ =	shalt  }
0x86: {  	_ =	shalt  }
0x87: {  	_ =	shalt  }
.Lfunc_end0:
.L_simem_size_0:
called_computation.1_lowered:
.L_overlay_start_0:
0x88: {  	s2 =	sld [smem:$0x3FD9]  }
0x89: {  	s3 =	sld [smem:$0x3FFE];
	_ =	sdelay $0x1  }
0x8a: {  	s1 =	srdreg.scid  }
0x8b: {  	s0 =	sand.u32 $0x1, s1  }
0x8c: {  	s17 =	sshll.u32 s0, $0xA;
	s2 =	sadd.s32 s3, s2  }
0x8d: {  	s2 =	sadd.s32 s2, s17  }
0x8e: {  	[smem:$0x3FC4] =	sst s2  }
0x8f: {  	_ = 	snop  }
0x90: {  	s2 =	sld [smem:$0x3FC7]  }
0x91: {  	s18 =	sld [smem:$0x3FD0];
	(tm) =	ssettm $0x1  }
0x92: {  	s4 =	sld [smem:$0x3FFB];
	_ =	sdelay $0x3  }
0x93: {  	_ =	strace s4  }
0x94: {  	s4 =	sld [smem:$0x3FFC];
	_ =	sdelay $0x3  }
0x95: {  	_ =	strace s4  }
0x96: {  	s4 =	sld [smem:$0x3FFD];
	_ =	sdelay $0x3  }
0x97: {  	_ =	strace s4  }
0x98: {  	_ =	strace $0x8FFFFFFF  }
0x99: {  	s19 =	sld [smem:$0x3FDB];
	_ =	sdelay $0x1  }
0x9a: {  	s5 =	simm.s32 $_scs_section_size  }
0x9b: {  	s6 =	simm.s32 $_size__tile_overlayer_lowered;
	s7 =	simm.s32 $_tile_overlayer_lowered  }
0x9c: {  	s22 =	simm.s32 $0x1BFF;
	s21 =	sshll.u32 s7, $0x1;
	s4 =	sadd.s32 s5, s19  }
0x9d: {  	s8 =	simm.s32 $0x0;
	s20 =	sshll.u32 s6, $0x1;
	s6 =	sadd.s32 s21, s4  }
0x9e: {  	[timem:s8], [sflag:s22] =	dma.local [hbm:s6], s20  }
0x9f: {  	_ =	swait.ge [sflag:s22], s20  }
0xa0: {  	s5 =	ssub.s32 $0x0, s20;
	[sflag:s22] =	ssyncset.done $0x0  }
0xa1: {  	[sflag:s22] =	ssyncadd.s32 s5;
	_ =	sdelay $0x1  }
0xa2: {  	s23 =	simm.s32 $0x1B8B  }
0xa3: {  	_ =	swait.ge [sflag:s23], $0x1  }
0xa4: {  	[sflag:s23] =	ssyncset.done $0x0  }
0xa5: {  	s25 =	simm.s32 $0x1B8E;
	s24 =	sld [smem:$0x3FFE];
	[sflag:s23] =	ssyncadd.s32 $0xFFFFFFFF  }
0xa6: {  	s26 =	simm.s32 $execute0_lowered;
	[smem:$0x3FD2] =	sst s25  }
0xa7: {  	s6 =	sshll.u32 s26, $0x1;
	_ =	strace $0x80000049;
	[dreg:$0x1] =	wrdreg $0xFFFFFFFF  }
0xa8: {  	s28 =	simm.s32 $_size_execute0_lowered;
	s4 =	sadd.s32 s4, s6;
	[dreg:$0x0] =	wrdreg $0x0  }
0xa9: {  	s6 =	sshll.u32 s28, $0x1;
	[dreg:$0x2] =	wrdreg s4  }
0xaa: {  	[dreg:$0x3] =	wrdreg s6  }
0xab: {  	[dreg:$0x4] =	wrdreg $0xC0  }
0xac: {  	_ =	task [dreg:s8], $0x5FFFF  }
0xad: {  	[dreg:$0x1] =	wrdreg $0xFFFFFFFF  }
0xae: {  	[dreg:$0x0] =	wrdreg $0x60  }
0xaf: {  	[dreg:$0x2] =	wrdreg s24  }
0xb0: {  	[dreg:$0x3] =	wrdreg s18  }
0xb1: {  	[dreg:$0x4] =	wrdreg s2  }
0xb2: {  	[dreg:$0x5] =	wrdreg $0x9  }
0xb3: {  	_ =	task.clear_ibuf [dreg:s8], $0x6FFFF;
	_ =	strace $0x90000049  }
0xb4: {  	s29 =	simm.s32 $0x9;
	_ =	strace $0x8000004B  }
0xb5: {  	_ =	swait.ge [sflag:s29], $0x1  }
0xb6: {  	[sflag:s29] =	ssyncadd.s32 $0xFFFFFFFF  }
0xb7: {  	_ =	strace $0x9000004B  }
0xb8: {  	_ =	sfence  }
0xb9: {  	s30 =	sld [smem:$0x0];
	_ =	sdelay $0x2  }
0xba: {  	s31 =	sshll.u32 s1, $0xD;
	s1 =	sshrl.u32 s1, $0x2  }
0xbb: {  	s3 =	sand.u32 $0x4000, s31;
	s1 =	sadd.s32 s1, s30  }
0xbc: {  	s0 =	sor.u32 s3, s0;
	s1 =	sshll.u32 s1, $0x11  }
0xbd: {  	s0 =	sor.u32 s1, s0  }
0xbe: {  	s0 =	sadd.s32 $0x8F2B, s0  }
0xbf: {  	[sflag:s0] =	ssyncadd.remote.s32 $0x1  }
0xc0: {  	_ =	sfence.sel $0xFFFF  }
0xc1: {  	[dreg:$0x0] =	wrdreg $0xFFFFFFFF;
	(pc) =	sbr.abs _section_cstart, $3  }
0xc2: {  	[dreg:$0x1] =	wrdreg $0xFFFFFFFF  }
0xc3: {  	_ =	task.clear_ibuf [dreg:s8], $0x2FFFF;
	_ =	strace $0x9FFFFFFF  }
0xc4: {  	(tm) =	ssettm $0x7FFFFFFF  }
0xc5: {  	_ =	shalt  }
tec
execute0_lowered:
.L_overlay_start_1:
0x0: {  	(tag) =	ssettag $0x1  }
0x1: {  	s5 =	rddreg [dreg:$0x0]  }
0x2: {  	s2 =	rddreg [dreg:$0x1]  }
0x3: {  	s6 =	rddreg [dreg:$0x2]  }
0x4: {  	s0 =	rddreg [dreg:$0x3];
	s4 =	srdreg.scid  }
0x5: {  	s1 =	stileid.u32;
	s3 =	simm.s32 $0x0;
	s15 =	simm.s32 $0xF000  }
0x6: {  	s16 =	simm.s32 $0x80;
	s17 =	simm.s32 $0x400;
	s18 =	simm.s32 $0x0  }
0x7: {  	s7 =	sand.u32 $0x1, s4;
	s19 =	sshll.u32 s1, $0x1;
	s13 =	smul.u32 $0x4E20, s1  }
0x8: {  	[smem:$0x7FF] =	sst s3;
	s11 =	sshrl.u32 s1, $0x2;
	s22 =	smul.u32 $0x9C40, s1  }
0x9: {  	s4 =	sadd.s32 $0x2600, s5;
	s10 =	sadd.s32 $0x3000, s5;
	s11 =	smul.u32 $0x14000, s11  }
0xa: {  	s8 =	sor.u32 s7, s19;
	_ =	strace $0x8000004A;
	s14 =	smul.u32 $0x2710, s7  }
0xb: {  	s20 =	ssub.s32 $0x2, s7;
	s9 =	smul.u32 $0x2710, s8;
	s8 =	sshll.u32 s8, $0x7  }
0xc: {  	s25 =	smul.u32 $0x4E20, s7;
	s12 =	sshrl.u32 s20, $0x1;
	s8 =	sand.u32 $0x380, s8  }
0xd: {  	s12 =	ssub.s32 s20, s12;
	s23 =	sadd.s32 s14, s13;
	s13 =	simm.s32 $0x7800  }
0xe: {  	s14 =	simm.s32 $0xC800;
	s9 =	sand.u32 $0x7FF80, s9;
	s21 =	sor.u32 s11, s8  }
0xf: {  	s26 =	sand.u32 $0xFFF80, s23;
	s11 =	simm.s32 $0x1;
	s9 =	smin.u32 s9, $0x4BA00  }
0x10: {  	s8 =	sshrl.u32 s21, $0x3;
	s24 =	sadd.s32 $0x50000, s21;
	s29 =	smin.u32 s26, $0x4BA00  }
0x11: {  	s9 =	sshrl.u32 s9, $0x2;
	s28 =	sshrl.u32 s24, $0x3;
	s30 =	sshll.u32 s29, $0x1  }
0x12: {  	s31 =	ssub.s32 s23, s29;
	s5 =	sadd.s32 s6, s9;
	s6 =	sadd.s32 s10, s8  }
0x13: {  	s7 =	sadd.s32 s10, s28;
	s9 =	sadd.s32 s25, s22;
	s8 =	smax.u32 s12, $0x1  }
0x14: {  	v0 =	vimm.f32 $0.0e+00;
	s10 =	sadd.s32 $0x40, s31;
	s12 =	simm.s32 $0x5000;
	s9 =	ssub.s32 s9, s30  }
.LBB2_1:
0x15: {  	[tilespmem:s3], [sflag:$0x1] =	stream.linear.gather [hbm4b:s4+s3], $0x5000, $0x38;
	[tilespmem:$0x11800] =	vst v63  }
0x16: {  	_ =	swait.ge [sflag:s11], $0x5000  }
0x17: {  	[sflag:s11] =	ssyncset.done $0x0  }
0x18: {  	[sflag:s11] =	ssyncadd.s32 $0xFFFFB000  }
0x19: {  	[tilespmem:s12], [sflag:$0x1] =	stream.linear.gather [hbm4b:s2+s3], $0x2800, $0x38;
	[tilespmem:$0x11800] =	vst v63  }
0x1a: {  	_ =	swait.ge [sflag:s11], $0x2800  }
0x1b: {  	[sflag:s11] =	ssyncset.done $0x0  }
0x1c: {  	[sflag:s11] =	ssyncadd.s32 $0xFFFFD800  }
0x1d: {  	[tilespmem:s13], [sflag:$0x1] =	stream.linear.gather [hbm4b:s5+s3], $0x5000, $0x38;
	[tilespmem:$0x11800] =	vst v63  }
0x1e: {  	_ =	swait.ge [sflag:s11], $0x5000  }
0x1f: {  	[sflag:s11] =	ssyncset.done $0x0  }
0x20: {  	s19 =	simm.s32 $0x0;
	[sflag:s11] =	ssyncadd.s32 $0xFFFFB000  }
.LBB2_2:
0x21: {  	p0 =	sne.s32 s19, $0x9FC0  }
.Ltmp0:
0x22: {  	_ = 	snop;
	(pc) =	sbr.rel @p0 .LBB2_2-.Ltmp0, $4  }
0x23: {  	_ = 	snop  }
0x24: {  	s20 =	sshra.s32 s19, $0x2  }
0x25: {  	[tilespmem:s20+$0xC800] =	vst v0  }
0x26: {  	s19 =	sadd.s32 $0x40, s19;
	[tilespmem:s20+$0xF000] =	vst v0  }
0x27: {  	s19 =	simm.s32 $0x0;
	s20 =	smov.u32 s10  }
.LBB2_4:
0x28: {  	s22 =	sadd.s32 $0xFFFFFFC0, s20;
	s21 =	sadd.s32 s19, s9  }
0x29: {  	s22 =	sand.u32 $0x70, s22;
	s23 =	sand.u32 $0xFFFFFF00, s21  }
0x2a: {  	s22 =	sor.u32 s22, s23  }
0x2b: {  	v1 =	vld [tilespmem:s22+$0x7800];
	_ =	sdelay $0x1  }
0x2c: {  	v2 =	vld [tilespmem:s22+$0x7880];
	_ =	sdelay $0x2  }
0x2d: {  	v3 =	vshll.u32 v1, $0x1  }
0x2e: {  	v4 =	vand.u32 $0x7F, v1;
	v3 =	vand.u32 $0xFFFFFF00, v3  }
0x2f: {  	v19 =	vshll.u32 v2, $0x1;
	v3 =	vor.u32 v4, v3  }
0x30: {  	v6 =	vand.u32 $0x7F, v2;
	v4 =	vand.u32 $0xFFFFFF00, v19;
	v5 =	vor.u32 $0x80, v3  }
0x31: {  	v4 =	vor.u32 v6, v4  }
0x32: {  	v6 =	vor.u32 $0x80, v4;
	_ =	sdelay $0x1  }
0x33: {  	v3 =	vld.idx.msk [tilespmem:v3+s3+$0x0], $0xffff  }
0x34: {  	v5 =	vld.idx.msk [tilespmem:v5+s3+$0x0], $0xffff  }
0x35: {  	v4 =	vld.idx.msk [tilespmem:v4+s3+$0x0], $0xffff  }
0x36: {  	v6 =	vld.idx.msk [tilespmem:v6+s3+$0x0], $0xffff;
	_ =	sdelay $0x4  }
0x37: {  	v3 =	vsub.f32 v3, v4;
	v20 =	vsub.f32 v5, v6;
	_ =	sdelay $0x1  }
0x38: {  	v21 =	vmul.f32 v3, v3;
	v6 =	vmul.f32 v20, v20;
	_ =	sdelay $0x1  }
0x39: {  	v5 =	vadd.f32 v6, v21;
	_ =	sdelay $0x1  }
0x3a: {  	v5 =	vadd.f32 $9.999999680e-21, v5;
	_ =	sdelay $0x1  }
0x3b: {  	v22 =	vshra.s32 v5, $0x1;
	v7 =	vmul.f32 $5.000000000e-01, v5  }
0x3c: {  	v6 =	vsub.s32 $0x5F3759DF, v22  }
0x3d: {  	v8 =	vmul.f32 v6, v7;
	_ =	sdelay $0x1  }
0x3e: {  	v8 =	vmul.f32 v6, v8;
	_ =	sdelay $0x1  }
0x3f: {  	v8 =	vsub.f32 $1.500000000e+00, v8;
	_ =	sdelay $0x1  }
0x40: {  	v6 =	vmul.f32 v6, v8;
	_ =	sdelay $0x1  }
0x41: {  	v7 =	vmul.f32 v6, v7;
	_ =	sdelay $0x1  }
0x42: {  	v7 =	vmul.f32 v7, v6;
	_ =	sdelay $0x1  }
0x43: {  	v7 =	vsub.f32 $1.500000000e+00, v7;
	_ =	sdelay $0x1  }
0x44: {  	v6 =	vmul.f32 v7, v6;
	_ =	sdelay $0x1  }
0x45: {  	v5 =	vmul.f32 v6, v5  }
0x46: {  	v23 =	vld.idx.msk [tilespmem:v1+s12+$0x0], $0xffff  }
0x47: {  	v5 =	vadd.f32 $9.999999770e-03, v5;
	_ =	sdelay $0x1  }
0x48: {  	v5 =	vsub.f32 $0.0e+00, v5;
	_ =	sdelay $0x1  }
0x49: {  	v5 =	vmul.f32 v5, v23;
	_ =	sdelay $0x1  }
0x4a: {  	v3 =	vmul.f32 v5, v3  }
0x4b: {  	v4 =	vmul.f32 v5, v20  }
0x4c: {  	[tilespmem:v1+s14+$0x0] =	vst.idx.add.f32.msk $0xffff, v3;
	v3 =	vsub.f32 $0.0e+00, v3  }
0x4d: {  	s24 =	sadd.s32 $0xFFFFFFD0, s20;
	s25 =	sadd.s32 $0x20, s21;
	[tilespmem:v1+s15+$0x0] =	vst.idx.add.f32.msk $0xffff, v4;
	v1 =	vsub.f32 $0.0e+00, v4  }
0x4e: {  	s23 =	sand.u32 $0xFFFFFF00, s25;
	s22 =	sand.u32 $0x70, s24;
	[tilespmem:v2+s14+$0x0] =	vst.idx.add.f32.msk $0xffff, v3  }
0x4f: {  	s22 =	sor.u32 s22, s23;
	[tilespmem:v2+s15+$0x0] =	vst.idx.add.f32.msk $0xffff, v1  }
0x50: {  	v1 =	vld [tilespmem:s22+$0x7800]  }
0x51: {  	v2 =	vld [tilespmem:s22+$0x7880];
	_ =	sdelay $0x3  }
0x52: {  	v3 =	vshll.u32 v1, $0x1  }
0x53: {  	v24 =	vand.u32 $0x7F, v1;
	v25 =	vshll.u32 v2, $0x1;
	v3 =	vand.u32 $0xFFFFFF00, v3  }
0x54: {  	v27 =	vand.u32 $0x7F, v2;
	v4 =	vand.u32 $0xFFFFFF00, v25;
	v3 =	vor.u32 v24, v3  }
0x55: {  	v4 =	vor.u32 v27, v4  }
0x56: {  	v26 =	vor.u32 $0x80, v3  }
0x57: {  	v6 =	vor.u32 $0x80, v4;
	_ =	sdelay $0x1  }
0x58: {  	v3 =	vld.idx.msk [tilespmem:v3+s3+$0x0], $0xffff  }
0x59: {  	v4 =	vld.idx.msk [tilespmem:v4+s3+$0x0], $0xffff  }
0x5a: {  	v5 =	vld.idx.msk [tilespmem:v26+s3+$0x0], $0xffff  }
0x5b: {  	v6 =	vld.idx.msk [tilespmem:v6+s3+$0x0], $0xffff;
	_ =	sdelay $0x4  }
0x5c: {  	v3 =	vsub.f32 v3, v4;
	v28 =	vsub.f32 v5, v6;
	_ =	sdelay $0x1  }
0x5d: {  	v29 =	vmul.f32 v3, v3;
	v6 =	vmul.f32 v28, v28;
	_ =	sdelay $0x1  }
0x5e: {  	v5 =	vadd.f32 v6, v29;
	_ =	sdelay $0x1  }
0x5f: {  	v5 =	vadd.f32 $9.999999680e-21, v5;
	_ =	sdelay $0x1  }
0x60: {  	v30 =	vshra.s32 v5, $0x1;
	v31 =	vmul.f32 $5.000000000e-01, v5  }
0x61: {  	v6 =	vsub.s32 $0x5F3759DF, v30  }
0x62: {  	v32 =	vmul.f32 v6, v31;
	_ =	sdelay $0x1  }
0x63: {  	v8 =	vmul.f32 v6, v32;
	_ =	sdelay $0x1  }
0x64: {  	v8 =	vsub.f32 $1.500000000e+00, v8;
	_ =	sdelay $0x1  }
0x65: {  	v6 =	vmul.f32 v6, v8;
	_ =	sdelay $0x1  }
0x66: {  	v7 =	vmul.f32 v6, v31;
	_ =	sdelay $0x1  }
0x67: {  	v7 =	vmul.f32 v7, v6;
	_ =	sdelay $0x1  }
0x68: {  	v7 =	vsub.f32 $1.500000000e+00, v7;
	_ =	sdelay $0x1  }
0x69: {  	v6 =	vmul.f32 v7, v6;
	_ =	sdelay $0x1  }
0x6a: {  	v5 =	vmul.f32 v6, v5  }
0x6b: {  	v33 =	vld.idx.msk [tilespmem:v1+s12+$0x0], $0xffff  }
0x6c: {  	v5 =	vadd.f32 $9.999999770e-03, v5;
	_ =	sdelay $0x1  }
0x6d: {  	v5 =	vsub.f32 $0.0e+00, v5;
	_ =	sdelay $0x1  }
0x6e: {  	v5 =	vmul.f32 v5, v33;
	_ =	sdelay $0x1  }
0x6f: {  	v3 =	vmul.f32 v5, v3  }
0x70: {  	v4 =	vmul.f32 v5, v28  }
0x71: {  	[tilespmem:v1+s14+$0x0] =	vst.idx.add.f32.msk $0xffff, v3;
	v3 =	vsub.f32 $0.0e+00, v3  }
0x72: {  	s26 =	sadd.s32 $0xFFFFFFE0, s20;
	s28 =	sadd.s32 $0x40, s21;
	[tilespmem:v1+s15+$0x0] =	vst.idx.add.f32.msk $0xffff, v4;
	v1 =	vsub.f32 $0.0e+00, v4  }
0x73: {  	s23 =	sand.u32 $0xFFFFFF00, s28;
	s22 =	sand.u32 $0x70, s26;
	[tilespmem:v2+s14+$0x0] =	vst.idx.add.f32.msk $0xffff, v3  }
0x74: {  	s22 =	sor.u32 s22, s23;
	[tilespmem:v2+s15+$0x0] =	vst.idx.add.f32.msk $0xffff, v1  }
0x75: {  	v1 =	vld [tilespmem:s22+$0x7800]  }
0x76: {  	v2 =	vld [tilespmem:s22+$0x7880];
	_ =	sdelay $0x3  }
0x77: {  	v3 =	vshll.u32 v1, $0x1  }
0x78: {  	v34 =	vand.u32 $0x7F, v1;
	v35 =	vshll.u32 v2, $0x1;
	v3 =	vand.u32 $0xFFFFFF00, v3  }
0x79: {  	v37 =	vand.u32 $0x7F, v2;
	v4 =	vand.u32 $0xFFFFFF00, v35;
	v3 =	vor.u32 v34, v3  }
0x7a: {  	v4 =	vor.u32 v37, v4  }
0x7b: {  	v36 =	vor.u32 $0x80, v3  }
0x7c: {  	v6 =	vor.u32 $0x80, v4;
	_ =	sdelay $0x1  }
0x7d: {  	v3 =	vld.idx.msk [tilespmem:v3+s3+$0x0], $0xffff  }
0x7e: {  	v4 =	vld.idx.msk [tilespmem:v4+s3+$0x0], $0xffff  }
0x7f: {  	v5 =	vld.idx.msk [tilespmem:v36+s3+$0x0], $0xffff  }
0x80: {  	v6 =	vld.idx.msk [tilespmem:v6+s3+$0x0], $0xffff;
	_ =	sdelay $0x4  }
0x81: {  	v3 =	vsub.f32 v3, v4;
	v38 =	vsub.f32 v5, v6;
	_ =	sdelay $0x1  }
0x82: {  	v39 =	vmul.f32 v3, v3;
	v6 =	vmul.f32 v38, v38;
	_ =	sdelay $0x1  }
0x83: {  	v5 =	vadd.f32 v6, v39;
	_ =	sdelay $0x1  }
0x84: {  	v5 =	vadd.f32 $9.999999680e-21, v5;
	_ =	sdelay $0x1  }
0x85: {  	v40 =	vshra.s32 v5, $0x1;
	v41 =	vmul.f32 $5.000000000e-01, v5  }
0x86: {  	v6 =	vsub.s32 $0x5F3759DF, v40  }
0x87: {  	v42 =	vmul.f32 v6, v41;
	_ =	sdelay $0x1  }
0x88: {  	v8 =	vmul.f32 v6, v42;
	_ =	sdelay $0x1  }
0x89: {  	v8 =	vsub.f32 $1.500000000e+00, v8;
	_ =	sdelay $0x1  }
0x8a: {  	v6 =	vmul.f32 v6, v8;
	_ =	sdelay $0x1  }
0x8b: {  	v7 =	vmul.f32 v6, v41;
	_ =	sdelay $0x1  }
0x8c: {  	v7 =	vmul.f32 v7, v6;
	_ =	sdelay $0x1  }
0x8d: {  	v7 =	vsub.f32 $1.500000000e+00, v7;
	_ =	sdelay $0x1  }
0x8e: {  	v6 =	vmul.f32 v7, v6;
	_ =	sdelay $0x1  }
0x8f: {  	v5 =	vmul.f32 v6, v5  }
0x90: {  	v43 =	vld.idx.msk [tilespmem:v1+s12+$0x0], $0xffff  }
0x91: {  	v5 =	vadd.f32 $9.999999770e-03, v5;
	_ =	sdelay $0x1  }
0x92: {  	v5 =	vsub.f32 $0.0e+00, v5;
	_ =	sdelay $0x1  }
0x93: {  	v5 =	vmul.f32 v5, v43;
	_ =	sdelay $0x1  }
0x94: {  	v3 =	vmul.f32 v5, v3  }
0x95: {  	v4 =	vmul.f32 v5, v38  }
0x96: {  	[tilespmem:v1+s14+$0x0] =	vst.idx.add.f32.msk $0xffff, v3;
	v3 =	vsub.f32 $0.0e+00, v3  }
0x97: {  	s29 =	sadd.s32 $0xFFFFFFF0, s20;
	s30 =	sadd.s32 $0x60, s21;
	[tilespmem:v1+s15+$0x0] =	vst.idx.add.f32.msk $0xffff, v4;
	v1 =	vsub.f32 $0.0e+00, v4  }
0x98: {  	s23 =	sand.u32 $0xFFFFFF00, s30;
	s22 =	sand.u32 $0x70, s29;
	[tilespmem:v2+s14+$0x0] =	vst.idx.add.f32.msk $0xffff, v3  }
0x99: {  	s22 =	sor.u32 s22, s23;
	[tilespmem:v2+s15+$0x0] =	vst.idx.add.f32.msk $0xffff, v1  }
0x9a: {  	v1 =	vld [tilespmem:s22+$0x7800]  }
0x9b: {  	v2 =	vld [tilespmem:s22+$0x7880];
	_ =	sdelay $0x3  }
0x9c: {  	v3 =	vshll.u32 v1, $0x1  }
0x9d: {  	v44 =	vand.u32 $0x7F, v1;
	v45 =	vshll.u32 v2, $0x1;
	v3 =	vand.u32 $0xFFFFFF00, v3  }
0x9e: {  	v47 =	vand.u32 $0x7F, v2;
	v4 =	vand.u32 $0xFFFFFF00, v45;
	v3 =	vor.u32 v44, v3  }
0x9f: {  	v4 =	vor.u32 v47, v4  }
0xa0: {  	v46 =	vor.u32 $0x80, v3  }
0xa1: {  	v6 =	vor.u32 $0x80, v4;
	_ =	sdelay $0x1  }
0xa2: {  	v3 =	vld.idx.msk [tilespmem:v3+s3+$0x0], $0xffff  }
0xa3: {  	v4 =	vld.idx.msk [tilespmem:v4+s3+$0x0], $0xffff  }
0xa4: {  	v5 =	vld.idx.msk [tilespmem:v46+s3+$0x0], $0xffff  }
0xa5: {  	v6 =	vld.idx.msk [tilespmem:v6+s3+$0x0], $0xffff;
	_ =	sdelay $0x4  }
0xa6: {  	v3 =	vsub.f32 v3, v4;
	v48 =	vsub.f32 v5, v6;
	_ =	sdelay $0x1  }
0xa7: {  	v49 =	vmul.f32 v3, v3;
	v6 =	vmul.f32 v48, v48;
	_ =	sdelay $0x1  }
0xa8: {  	v5 =	vadd.f32 v6, v49;
	_ =	sdelay $0x1  }
0xa9: {  	v5 =	vadd.f32 $9.999999680e-21, v5;
	_ =	sdelay $0x1  }
0xaa: {  	v50 =	vshra.s32 v5, $0x1;
	v51 =	vmul.f32 $5.000000000e-01, v5  }
0xab: {  	v6 =	vsub.s32 $0x5F3759DF, v50  }
0xac: {  	v52 =	vmul.f32 v6, v51;
	_ =	sdelay $0x1  }
0xad: {  	v8 =	vmul.f32 v6, v52;
	_ =	sdelay $0x1  }
0xae: {  	v8 =	vsub.f32 $1.500000000e+00, v8;
	_ =	sdelay $0x1  }
0xaf: {  	v6 =	vmul.f32 v6, v8;
	_ =	sdelay $0x1  }
0xb0: {  	v7 =	vmul.f32 v6, v51;
	_ =	sdelay $0x1  }
0xb1: {  	v7 =	vmul.f32 v7, v6;
	_ =	sdelay $0x1  }
0xb2: {  	v7 =	vsub.f32 $1.500000000e+00, v7;
	_ =	sdelay $0x1  }
0xb3: {  	v6 =	vmul.f32 v7, v6;
	_ =	sdelay $0x1  }
0xb4: {  	v5 =	vmul.f32 v6, v5  }
0xb5: {  	v53 =	vld.idx.msk [tilespmem:v1+s12+$0x0], $0xffff  }
0xb6: {  	v5 =	vadd.f32 $9.999999770e-03, v5;
	_ =	sdelay $0x1  }
0xb7: {  	v5 =	vsub.f32 $0.0e+00, v5;
	_ =	sdelay $0x1  }
0xb8: {  	v5 =	vmul.f32 v5, v53;
	_ =	sdelay $0x1  }
0xb9: {  	v3 =	vmul.f32 v5, v3  }
0xba: {  	v4 =	vmul.f32 v5, v48  }
0xbb: {  	[tilespmem:v1+s14+$0x0] =	vst.idx.add.f32.msk $0xffff, v3;
	v3 =	vsub.f32 $0.0e+00, v3  }
0xbc: {  	s21 =	sadd.s32 $0x80, s21;
	[tilespmem:v1+s15+$0x0] =	vst.idx.add.f32.msk $0xffff, v4;
	v1 =	vsub.f32 $0.0e+00, v4  }
0xbd: {  	s31 =	sand.u32 $0x70, s20;
	s21 =	sand.u32 $0xFFFFFF00, s21;
	[tilespmem:v2+s14+$0x0] =	vst.idx.add.f32.msk $0xffff, v3  }
0xbe: {  	s21 =	sor.u32 s31, s21;
	[tilespmem:v2+s15+$0x0] =	vst.idx.add.f32.msk $0xffff, v1  }
0xbf: {  	v1 =	vld [tilespmem:s21+$0x7800]  }
0xc0: {  	v2 =	vld [tilespmem:s21+$0x7880];
	_ =	sdelay $0x3  }
0xc1: {  	v3 =	vshll.u32 v1, $0x1  }
0xc2: {  	v54 =	vand.u32 $0x7F, v1;
	v55 =	vshll.u32 v2, $0x1;
	v3 =	vand.u32 $0xFFFFFF00, v3  }
0xc3: {  	v57 =	vand.u32 $0x7F, v2;
	v4 =	vand.u32 $0xFFFFFF00, v55;
	v3 =	vor.u32 v54, v3  }
0xc4: {  	v4 =	vor.u32 v57, v4  }
0xc5: {  	v56 =	vor.u32 $0x80, v3  }
0xc6: {  	v6 =	vor.u32 $0x80, v4;
	_ =	sdelay $0x1  }
0xc7: {  	v3 =	vld.idx.msk [tilespmem:v3+s3+$0x0], $0xffff  }
0xc8: {  	v4 =	vld.idx.msk [tilespmem:v4+s3+$0x0], $0xffff  }
0xc9: {  	v5 =	vld.idx.msk [tilespmem:v56+s3+$0x0], $0xffff  }
0xca: {  	v6 =	vld.idx.msk [tilespmem:v6+s3+$0x0], $0xffff;
	_ =	sdelay $0x4  }
0xcb: {  	v3 =	vsub.f32 v3, v4;
	v58 =	vsub.f32 v5, v6;
	_ =	sdelay $0x1  }
0xcc: {  	v59 =	vmul.f32 v3, v3;
	v6 =	vmul.f32 v58, v58;
	_ =	sdelay $0x1  }
0xcd: {  	v5 =	vadd.f32 v6, v59;
	_ =	sdelay $0x1  }
0xce: {  	v5 =	vadd.f32 $9.999999680e-21, v5;
	_ =	sdelay $0x1  }
0xcf: {  	v60 =	vshra.s32 v5, $0x1;
	v61 =	vmul.f32 $5.000000000e-01, v5  }
0xd0: {  	v6 =	vsub.s32 $0x5F3759DF, v60  }
0xd1: {  	v62 =	vmul.f32 v6, v61;
	_ =	sdelay $0x1  }
0xd2: {  	v8 =	vmul.f32 v6, v62;
	_ =	sdelay $0x1  }
0xd3: {  	v8 =	vsub.f32 $1.500000000e+00, v8;
	_ =	sdelay $0x1  }
0xd4: {  	v6 =	vmul.f32 v6, v8;
	_ =	sdelay $0x1  }
0xd5: {  	v7 =	vmul.f32 v6, v61;
	_ =	sdelay $0x1  }
0xd6: {  	v7 =	vmul.f32 v7, v6;
	_ =	sdelay $0x1  }
0xd7: {  	v7 =	vsub.f32 $1.500000000e+00, v7;
	_ =	sdelay $0x1  }
0xd8: {  	v6 =	vmul.f32 v7, v6;
	_ =	sdelay $0x1  }
0xd9: {  	v5 =	vmul.f32 v6, v5  }
0xda: {  	v63 =	vld.idx.msk [tilespmem:v1+s12+$0x0], $0xffff  }
0xdb: {  	v5 =	vadd.f32 $9.999999770e-03, v5;
	_ =	sdelay $0x1  }
0xdc: {  	v5 =	vsub.f32 $0.0e+00, v5;
	_ =	sdelay $0x1  }
0xdd: {  	v5 =	vmul.f32 v5, v63;
	_ =	sdelay $0x1  }
0xde: {  	p0 =	sne.s32 s19, $0x4D80;
	v3 =	vmul.f32 v5, v3  }
.Ltmp1:
0xdf: {  	v4 =	vmul.f32 v5, v58;
	(pc) =	sbr.rel @p0 .LBB2_4-.Ltmp1, $4  }
0xe0: {  	[tilespmem:v1+s14+$0x0] =	vst.idx.add.f32.msk $0xffff, v3;
	v3 =	vsub.f32 $0.0e+00, v3  }
0xe1: {  	[tilespmem:v1+s15+$0x0] =	vst.idx.add.f32.msk $0xffff, v4;
	v1 =	vsub.f32 $0.0e+00, v4  }
0xe2: {  	[tilespmem:v2+s14+$0x0] =	vst.idx.add.f32.msk $0xffff, v3  }
0xe3: {  	s20 =	sadd.s32 $0x50, s20;
	s19 =	sadd.s32 $0xA0, s19;
	[tilespmem:v2+s15+$0x0] =	vst.idx.add.f32.msk $0xffff, v1  }
0xe4: {  	[hbm4b:s6+s16] =	stream.strided.scatter [tilespmem:s14], [sflag:$0x1], $0x2800, s17, s16, $0x38;
	[tilespmem:$0x11800] =	vst v63  }
0xe5: {  	s18 =	sadd.s32 $0x1, s18;
	_ =	swait.ge [sflag:s11], $0x2800  }
0xe6: {  	p0 =	sne.s32 s18, s8;
	[sflag:s11] =	ssyncset.done $0x0  }
.Ltmp2:
0xe7: {  	[sflag:s11] =	ssyncadd.s32 $0xFFFFD800;
	(pc) =	sbr.rel @p0 .LBB2_1-.Ltmp2, $4  }
0xe8: {  	[hbm4b:s7+s16] =	stream.strided.scatter [tilespmem:s15], [sflag:$0x1], $0x2800, s17, s16, $0x38;
	[tilespmem:$0x11800] =	vst v63  }
0xe9: {  	_ =	swait.ge [sflag:s11], $0x2800  }
0xea: {  	[sflag:s11] =	ssyncset.done $0x0  }
0xeb: {  	[sflag:s11] =	ssyncadd.s32 $0xFFFFD800  }
0xec: {  	_ =	sfence.sel $0x180000  }
0xed: {  	[bflag:$0x0] =	sbarrier.arrive $0xFFFF  }
0xee: {  	p0 =	sne.s32 s1, $0x0;
	_ =	strace $0x9000004A  }
0xef: {  	s0 =	sadd.s32 @!p0 $0x100000, s0;
	[bflag:$0x2] =	sbarrier.arrive $0xFFFF  }
0xf0: {  	[sflag:s0] =	ssyncadd.tile.s32 @!p0 $0x1;
	_ =	shalt  }
.Lfunc_end2:
_tile_overlayer_lowered:
.L_overlay_start_2:
0xf1: {  	(tag) =	ssettag $0x2  }
0xf2: {  	s0 =	rddreg [dreg:$0x0];
	s2 =	stileid.u32  }
0xf3: {  	s1 =	rddreg [dreg:$0x1];
	p0 =	sne.s32 s2, $0x0  }
0xf4: {  	s3 =	rddreg [dreg:$0x2];
	[bflag:$0x3] =	sbarrier.arrive $0xFFFF;
	s2 =	simm.s32 @!p0 $0x1C01  }
0xf5: {  	[timem:s3], [sflag:s2] =	dma.local @!p0 [hbm:s0], s1  }
0xf6: {  	s0 =	simm.s32 @!p0 $0x1  }
0xf7: {  	_ =	swait.ge @!p0 [sflag:s0], s1  }
0xf8: {  	s1 =	ssub.s32 @!p0 $0x0, s1;
	[sflag:s0] =	ssyncset.done @!p0 $0x0  }
0xf9: {  	[sflag:s0] =	ssyncadd.s32 @!p0 s1  }
0xfa: {  	[bflag:$0x3] =	sbarrier.arrive $0xFFFF  }
0xfb: {  	_ =	shalt  }

// kernel: kernel.18.cloned.1.call-start
scs
__scs_entry_jumppad:
0x0: {  	(pc) =	sbr.rel $0x88, $3  }
0x1: {  	(tag) =	ssettag $0x0;
	lr =	simm.s32 $0x1  }
0x2: {  	[smem:$0x3F9D] =	sst lr;
	_ =	strace $0xD0000000  }
0x3: {  	_ = 	snop  }
0x4: {  	_ = 	snop  }
0x5: {  	_ = 	snop  }
0x6: {  	_ = 	snop  }
0x7: {  	_ = 	snop  }
__scs_overlays_trampoline_lowered:
0x8: {  	[smem:$0x3FAC] =	sst s0  }
0x9: {  	[smem:$0x3FAD] =	sst s1  }
0xa: {  	[smem:$0x3FAE] =	sst s2  }
0xb: {  	[smem:$0x3FAF] =	sst s3  }
0xc: {  	[smem:$0x3FB0] =	sst s4  }
0xd: {  	[smem:$0x3FB1] =	sst s5  }
0xe: {  	[smem:$0x3FB2] =	sst s6  }
0xf: {  	[smem:$0x3FB3] =	sst s7  }
0x10: {  	[smem:$0x3FB4] =	sst s8  }
0x11: {  	[smem:$0x3FB5] =	sst s9;
	s0 =	simm.s32 @!p0 $0x0  }
0x12: {  	s1 =	sld [smem:$0x3F9B];
	s0 =	simm.s32 @p0 $0x1  }
0x13: {  	[smem:$0x3FB6] =	sst s0;
	s0 =	simm.s32 @!p1 $0x0  }
0x14: {  	s2 =	sld [smem:$0x3F9A];
	s0 =	simm.s32 @p1 $0x1  }
0x15: {  	[smem:$0x3FB7] =	sst s0;
	s0 =	simm.s32 @!p2 $0x0  }
0x16: {  	s3 =	sld [smem:$0x3FDB];
	s0 =	simm.s32 @p2 $0x1  }
0x17: {  	s4 =	simm.s32 $0x1BF5;
	[smem:$0x3FB9] =	sst s0  }
0x18: {  	s0 =	sld [smem:$0x3F9C];
	_ =	swait.ge [sflag:s4], $0x0  }
0x19: {  	s7 =	sld [smem:$0x3F9D]  }
0x1a: {  	s8 =	sadd.s32 $0xFFFFE003, lr  }
0x1b: {  	s9 =	sadd.s32 $0xFFFFFEF7, lr;
	s5 =	simm.s32 $0xFFFFFFFF;
	p2 =	slt.u32 s8, $0xFFFFF086  }
0x1c: {  	p1 =	slt.u32 s9, $0xF7A;
	s5 =	simm.s32 @!p2 $0x0  }
0x1d: {  	s5 =	simm.s32 @p1 $0x1;
	p0 =	seq.s32 s7, s2  }
0x1e: {  	s7 =	smul.u32 @!p0 $0xF7A, s2;
	p2 =	seq.s32 @!p0 s5, $0x0  }
0x1f: {  	s9 =	smul.u32 $0xF7A, s1;
	s8 =	simm.s32 @!p0 $0x1BF5;
	p2 =	por !p2, p0  }
0x20: {  	[sflag:s8] =	ssyncset.s32 @!p0 $0xFFFFF086;
	s6 =	sadd.s32 @!p0 s3, s7;
	s7 =	simm.s32 @!p0 $0x108  }
0x21: {  	s3 =	sadd.s32 s3, s9;
	s6 =	sadd.s32 @!p0 $0x88, s6;
	s7 =	simm.s32 @p2 $0x1082  }
0x22: {  	[simem:s7], [sflag:s8] =	dma.local @!p0 [hbm:s6], $0xF7A  }
0x23: {  	s9 =	sor.u32 $0xD0000000, s2;
	s6 =	simm.s32 $0x108;
	_ =	swait.ge @!p0 [sflag:s8], $0x0  }
0x24: {  	s3 =	sadd.s32 $0x88, s3;
	s6 =	simm.s32 @!p1 $0x1082;
	[sflag:s4] =	ssyncset.s32 $0xFFFFF086  }
0x25: {  	[simem:s6], [sflag:s4] =	dma.local [hbm:s3], $0xF7A  }
0x26: {  	[smem:$0x3F9D] =	sst s1;
	(tag) =	ssettag s2;
	_ =	strace s9  }
0x27: {  	s1 =	sld [smem:$0x3FAD]  }
0x28: {  	s2 =	sld [smem:$0x3FAE]  }
0x29: {  	s4 =	sld [smem:$0x3FB0]  }
0x2a: {  	p0 =	seq.s32 s5, $0x0;
	s5 =	sld [smem:$0x3FB1]  }
0x2b: {  	s6 =	sld [smem:$0x3FB2]  }
0x2c: {  	s7 =	sld [smem:$0x3FB3]  }
0x2d: {  	s3 =	simm.s32 $0x108;
	s8 =	sld [smem:$0x3FB4]  }
0x2e: {  	s3 =	simm.s32 @!p0 $0x1082;
	s9 =	sld [smem:$0x3FB5]  }
0x2f: {  	lr =	sadd.s32 s0, s3;
	s0 =	sld [smem:$0x3FAC]  }
0x30: {  	s3 =	sld [smem:$0x3FAF]  }
0x31: {  	[smem:$0x3FB8] =	sst s10  }
0x32: {  	s10 =	sld [smem:$0x3FB6];
	_ =	sdelay $0x3  }
0x33: {  	p0 =	seq.s32 s10, $0x1;
	s10 =	sld [smem:$0x3FB8];
	_ =	sdelay $0x3  }
0x34: {  	[smem:$0x3FB8] =	sst s10  }
0x35: {  	s10 =	sld [smem:$0x3FB7];
	_ =	sdelay $0x3  }
0x36: {  	p1 =	seq.s32 s10, $0x1;
	s10 =	sld [smem:$0x3FB8];
	_ =	sdelay $0x3  }
0x37: {  	[smem:$0x3FB8] =	sst s10  }
0x38: {  	s10 =	sld [smem:$0x3FB9]  }
0x39: {  	_ = 	snop;
	(pc) =	sbr.ind lr, $3  }
0x3a: {  	_ = 	snop  }
0x3b: {  	_ = 	snop  }
0x3c: {  	p2 =	seq.s32 s10, $0x1;
	s10 =	sld [smem:$0x3FB8]  }
0x3d: {  	_ =	shalt  }
0x3e: {  	_ =	shalt  }
0x3f: {  	_ =	shalt  }
0x40: {  	_ =	shalt  }
0x41: {  	_ =	shalt  }
0x42: {  	_ =	shalt  }
0x43: {  	_ =	shalt  }
0x44: {  	_ =	shalt  }
0x45: {  	_ =	shalt  }
0x46: {  	_ =	shalt  }
0x47: {  	_ =	shalt  }
0x48: {  	_ =	shalt  }
0x49: {  	_ =	shalt  }
0x4a: {  	_ =	shalt  }
0x4b: {  	_ =	shalt  }
0x4c: {  	_ =	shalt  }
0x4d: {  	_ =	shalt  }
0x4e: {  	_ =	shalt  }
0x4f: {  	_ =	shalt  }
0x50: {  	_ =	shalt  }
0x51: {  	_ =	shalt  }
0x52: {  	_ =	shalt  }
0x53: {  	_ =	shalt  }
0x54: {  	_ =	shalt  }
0x55: {  	_ =	shalt  }
0x56: {  	_ =	shalt  }
0x57: {  	_ =	shalt  }
0x58: {  	_ =	shalt  }
0x59: {  	_ =	shalt  }
0x5a: {  	_ =	shalt  }
0x5b: {  	_ =	shalt  }
0x5c: {  	_ =	shalt  }
0x5d: {  	_ =	shalt  }
0x5e: {  	_ =	shalt  }
0x5f: {  	_ =	shalt  }
0x60: {  	_ =	shalt  }
0x61: {  	_ =	shalt  }
0x62: {  	_ =	shalt  }
0x63: {  	_ =	shalt  }
0x64: {  	_ =	shalt  }
0x65: {  	_ =	shalt  }
0x66: {  	_ =	shalt  }
0x67: {  	_ =	shalt  }
0x68: {  	_ =	shalt  }
0x69: {  	_ =	shalt  }
0x6a: {  	_ =	shalt  }
0x6b: {  	_ =	shalt  }
0x6c: {  	_ =	shalt  }
0x6d: {  	_ =	shalt  }
0x6e: {  	_ =	shalt  }
0x6f: {  	_ =	shalt  }
0x70: {  	_ =	shalt  }
0x71: {  	_ =	shalt  }
0x72: {  	_ =	shalt  }
0x73: {  	_ =	shalt  }
0x74: {  	_ =	shalt  }
0x75: {  	_ =	shalt  }
0x76: {  	_ =	shalt  }
0x77: {  	_ =	shalt  }
0x78: {  	_ =	shalt  }
0x79: {  	_ =	shalt  }
0x7a: {  	_ =	shalt  }
0x7b: {  	_ =	shalt  }
0x7c: {  	_ =	shalt  }
0x7d: {  	_ =	shalt  }
0x7e: {  	_ =	shalt  }
0x7f: {  	_ =	shalt  }
0x80: {  	_ =	shalt  }
0x81: {  	_ =	shalt  }
0x82: {  	_ =	shalt  }
0x83: {  	_ =	shalt  }
0x84: {  	_ =	shalt  }
0x85: {  	_ =	shalt  }
0x86: {  	_ =	shalt  }
0x87: {  	_ =	shalt  }
.Lfunc_end0:
.L_simem_size_0:
called_computation.2_lowered:
.L_overlay_start_0:
0x88: {  	s2 =	sld [smem:$0x3FD9]  }
0x89: {  	s3 =	sld [smem:$0x3FFE];
	_ =	sdelay $0x1  }
0x8a: {  	s1 =	srdreg.scid  }
0x8b: {  	s0 =	sand.u32 $0x1, s1  }
0x8c: {  	s17 =	sshll.u32 s0, $0xA;
	s2 =	sadd.s32 s3, s2  }
0x8d: {  	s2 =	sadd.s32 s2, s17  }
0x8e: {  	[smem:$0x3FC4] =	sst s2  }
0x8f: {  	_ = 	snop  }
0x90: {  	s2 =	sld [smem:$0x3FC7]  }
0x91: {  	s18 =	sld [smem:$0x3FD0];
	(tm) =	ssettm $0x1  }
0x92: {  	s4 =	sld [smem:$0x3FFB];
	_ =	sdelay $0x3  }
0x93: {  	_ =	strace s4  }
0x94: {  	s4 =	sld [smem:$0x3FFC];
	_ =	sdelay $0x3  }
0x95: {  	_ =	strace s4  }
0x96: {  	s4 =	sld [smem:$0x3FFD];
	_ =	sdelay $0x3  }
0x97: {  	_ =	strace s4  }
0x98: {  	_ =	strace $0x8FFFFFFF  }
0x99: {  	s19 =	sld [smem:$0x3FDB];
	_ =	sdelay $0x1  }
0x9a: {  	s5 =	simm.s32 $_scs_section_size  }
0x9b: {  	s6 =	simm.s32 $_size__tile_overlayer_lowered;
	s7 =	simm.s32 $_tile_overlayer_lowered  }
0x9c: {  	s22 =	simm.s32 $0x1BFF;
	s21 =	sshll.u32 s7, $0x1;
	s4 =	sadd.s32 s5, s19  }
0x9d: {  	s8 =	simm.s32 $0x0;
	s20 =	sshll.u32 s6, $0x1;
	s6 =	sadd.s32 s21, s4  }
0x9e: {  	[timem:s8], [sflag:s22] =	dma.local [hbm:s6], s20  }
0x9f: {  	_ =	swait.ge [sflag:s22], s20  }
0xa0: {  	s5 =	ssub.s32 $0x0, s20;
	[sflag:s22] =	ssyncset.done $0x0  }
0xa1: {  	[sflag:s22] =	ssyncadd.s32 s5;
	_ =	sdelay $0x1  }
0xa2: {  	s23 =	simm.s32 $0x1B8B  }
0xa3: {  	_ =	swait.ge [sflag:s23], $0x1  }
0xa4: {  	[sflag:s23] =	ssyncset.done $0x0  }
0xa5: {  	s25 =	simm.s32 $0x1B8E;
	s24 =	sld [smem:$0x3FFE];
	[sflag:s23] =	ssyncadd.s32 $0xFFFFFFFF  }
0xa6: {  	s26 =	simm.s32 $execute0_lowered;
	[smem:$0x3FD2] =	sst s25  }
0xa7: {  	s6 =	sshll.u32 s26, $0x1;
	_ =	strace $0x8000004C;
	[dreg:$0x1] =	wrdreg $0xFFFFFFFF  }
0xa8: {  	s28 =	simm.s32 $_size_execute0_lowered;
	s4 =	sadd.s32 s4, s6;
	[dreg:$0x0] =	wrdreg $0x0  }
0xa9: {  	s6 =	sshll.u32 s28, $0x1;
	[dreg:$0x2] =	wrdreg s4  }
0xaa: {  	[dreg:$0x3] =	wrdreg s6  }
0xab: {  	[dreg:$0x4] =	wrdreg $0xC0  }
0xac: {  	_ =	task [dreg:s8], $0x5FFFF  }
0xad: {  	[dreg:$0x1] =	wrdreg $0xFFFFFFFF  }
0xae: {  	[dreg:$0x0] =	wrdreg $0x60  }
0xaf: {  	[dreg:$0x2] =	wrdreg s24  }
0xb0: {  	[dreg:$0x3] =	wrdreg s18  }
0xb1: {  	[dreg:$0x4] =	wrdreg s2  }
0xb2: {  	[dreg:$0x5] =	wrdreg $0x9  }
0xb3: {  	_ =	task.clear_ibuf [dreg:s8], $0x6FFFF;
	_ =	strace $0x9000004C  }
0xb4: {  	s29 =	simm.s32 $0x9;
	_ =	strace $0x8000004E  }
0xb5: {  	_ =	swait.ge [sflag:s29], $0x1  }
0xb6: {  	[sflag:s29] =	ssyncadd.s32 $0xFFFFFFFF  }
0xb7: {  	_ =	strace $0x9000004E  }
0xb8: {  	_ =	sfence  }
0xb9: {  	s30 =	sld [smem:$0x0];
	_ =	sdelay $0x2  }
0xba: {  	s31 =	sshll.u32 s1, $0xD;
	s1 =	sshrl.u32 s1, $0x2  }
0xbb: {  	s3 =	sand.u32 $0x4000, s31;
	s1 =	sadd.s32 s1, s30  }
0xbc: {  	s0 =	sor.u32 s3, s0;
	s1 =	sshll.u32 s1, $0x11  }
0xbd: {  	s0 =	sor.u32 s1, s0  }
0xbe: {  	s0 =	sadd.s32 $0x8F2B, s0  }
0xbf: {  	[sflag:s0] =	ssyncadd.remote.s32 $0x1  }
0xc0: {  	_ =	sfence.sel $0xFFFF  }
0xc1: {  	[dreg:$0x0] =	wrdreg $0xFFFFFFFF;
	(pc) =	sbr.abs _section_cstart, $3  }
0xc2: {  	[dreg:$0x1] =	wrdreg $0xFFFFFFFF  }
0xc3: {  	_ =	task.clear_ibuf [dreg:s8], $0x2FFFF;
	_ =	strace $0x9FFFFFFF  }
0xc4: {  	(tm) =	ssettm $0x7FFFFFFF  }
0xc5: {  	_ =	shalt  }
tec
execute0_lowered:
.L_overlay_start_1:
0x0: {  	(tag) =	ssettag $0x1  }
0x1: {  	s5 =	rddreg [dreg:$0x0]  }
0x2: {  	s2 =	rddreg [dreg:$0x1]  }
0x3: {  	s6 =	rddreg [dreg:$0x2]  }
0x4: {  	s0 =	rddreg [dreg:$0x3];
	s4 =	srdreg.scid  }
0x5: {  	s1 =	stileid.u32;
	s3 =	simm.s32 $0x0;
	s15 =	simm.s32 $0xF000  }
0x6: {  	s16 =	simm.s32 $0x80;
	s17 =	simm.s32 $0x400;
	s18 =	simm.s32 $0x0  }
0x7: {  	s7 =	sand.u32 $0x1, s4;
	s19 =	sshll.u32 s1, $0x1;
	s13 =	smul.u32 $0x4E20, s1  }
0x8: {  	[smem:$0x7FF] =	sst s3;
	s11 =	sshrl.u32 s1, $0x2;
	s22 =	smul.u32 $0x9C40, s1  }
0x9: {  	s4 =	sadd.s32 $0x2600, s5;
	s10 =	sadd.s32 $0x3000, s5;
	s11 =	smul.u32 $0x14000, s11  }
0xa: {  	s8 =	sor.u32 s7, s19;
	_ =	strace $0x8000004D;
	s14 =	smul.u32 $0x2710, s7  }
0xb: {  	s20 =	ssub.s32 $0x2, s7;
	s9 =	smul.u32 $0x2710, s8;
	s8 =	sshll.u32 s8, $0x7  }
0xc: {  	s25 =	smul.u32 $0x4E20, s7;
	s12 =	sshrl.u32 s20, $0x1;
	s8 =	sand.u32 $0x380, s8  }
0xd: {  	s12 =	ssub.s32 s20, s12;
	s23 =	sadd.s32 s14, s13;
	s13 =	simm.s32 $0x7800  }
0xe: {  	s14 =	simm.s32 $0xC800;
	s9 =	sand.u32 $0x7FF80, s9;
	s21 =	sor.u32 s11, s8  }
0xf: {  	s26 =	sand.u32 $0xFFF80, s23;
	s11 =	simm.s32 $0x1;
	s9 =	smin.u32 s9, $0x4BA00  }
0x10: {  	s8 =	sshrl.u32 s21, $0x3;
	s24 =	sadd.s32 $0x50000, s21;
	s29 =	smin.u32 s26, $0x4BA00  }
0x11: {  	s9 =	sshrl.u32 s9, $0x2;
	s28 =	sshrl.u32 s24, $0x3;
	s30 =	sshll.u32 s29, $0x1  }
0x12: {  	s31 =	ssub.s32 s23, s29;
	s5 =	sadd.s32 s6, s9;
	s6 =	sadd.s32 s10, s8  }
0x13: {  	s7 =	sadd.s32 s10, s28;
	s9 =	sadd.s32 s25, s22;
	s8 =	smax.u32 s12, $0x1  }
0x14: {  	v0 =	vimm.f32 $0.0e+00;
	s10 =	sadd.s32 $0x40, s31;
	s12 =	simm.s32 $0x5000;
	s9 =	ssub.s32 s9, s30  }
.LBB2_1:
0x15: {  	[tilespmem:s3], [sflag:$0x1] =	stream.linear.gather [hbm4b:s4+s3], $0x5000, $0x38;
	[tilespmem:$0x11800] =	vst v63  }
0x16: {  	_ =	swait.ge [sflag:s11], $0x5000  }
0x17: {  	[sflag:s11] =	ssyncset.done $0x0  }
0x18: {  	[sflag:s11] =	ssyncadd.s32 $0xFFFFB000  }
0x19: {  	[tilespmem:s12], [sflag:$0x1] =	stream.linear.gather [hbm4b:s2+s3], $0x2800, $0x38;
	[tilespmem:$0x11800] =	vst v63  }
0x1a: {  	_ =	swait.ge [sflag:s11], $0x2800  }
0x1b: {  	[sflag:s11] =	ssyncset.done $0x0  }
0x1c: {  	[sflag:s11] =	ssyncadd.s32 $0xFFFFD800  }
0x1d: {  	[tilespmem:s13], [sflag:$0x1] =	stream.linear.gather [hbm4b:s5+s3], $0x5000, $0x38;
	[tilespmem:$0x11800] =	vst v63  }
0x1e: {  	_ =	swait.ge [sflag:s11], $0x5000  }
0x1f: {  	[sflag:s11] =	ssyncset.done $0x0  }
0x20: {  	s19 =	simm.s32 $0x0;
	[sflag:s11] =	ssyncadd.s32 $0xFFFFB000  }
.LBB2_2:
0x21: {  	p0 =	sne.s32 s19, $0x9FC0  }
.Ltmp0:
0x22: {  	_ = 	snop;
	(pc) =	sbr.rel @p0 .LBB2_2-.Ltmp0, $4  }
0x23: {  	_ = 	snop  }
0x24: {  	s20 =	sshra.s32 s19, $0x2  }
0x25: {  	[tilespmem:s20+$0xC800] =	vst v0  }
0x26: {  	s19 =	sadd.s32 $0x40, s19;
	[tilespmem:s20+$0xF000] =	vst v0  }
0x27: {  	s19 =	simm.s32 $0x0;
	s20 =	smov.u32 s10  }
.LBB2_4:
0x28: {  	s22 =	sadd.s32 $0xFFFFFFC0, s20;
	s21 =	sadd.s32 s19, s9  }
0x29: {  	s22 =	sand.u32 $0x70, s22;
	s23 =	sand.u32 $0xFFFFFF00, s21  }
0x2a: {  	s22 =	sor.u32 s22, s23  }
0x2b: {  	v1 =	vld [tilespmem:s22+$0x7800];
	_ =	sdelay $0x1  }
0x2c: {  	v2 =	vld [tilespmem:s22+$0x7880];
	_ =	sdelay $0x2  }
0x2d: {  	v3 =	vshll.u32 v1, $0x1  }
0x2e: {  	v4 =	vand.u32 $0x7F, v1;
	v3 =	vand.u32 $0xFFFFFF00, v3  }
0x2f: {  	v19 =	vshll.u32 v2, $0x1;
	v3 =	vor.u32 v4, v3  }
0x30: {  	v6 =	vand.u32 $0x7F, v2;
	v4 =	vand.u32 $0xFFFFFF00, v19;
	v5 =	vor.u32 $0x80, v3  }
0x31: {  	v4 =	vor.u32 v6, v4  }
0x32: {  	v6 =	vor.u32 $0x80, v4;
	_ =	sdelay $0x1  }
0x33: {  	v3 =	vld.idx.msk [tilespmem:v3+s3+$0x0], $0xffff  }
0x34: {  	v5 =	vld.idx.msk [tilespmem:v5+s3+$0x0], $0xffff  }
0x35: {  	v4 =	vld.idx.msk [tilespmem:v4+s3+$0x0], $0xffff  }
0x36: {  	v6 =	vld.idx.msk [tilespmem:v6+s3+$0x0], $0xffff;
	_ =	sdelay $0x4  }
0x37: {  	v3 =	vsub.f32 v3, v4;
	v20 =	vsub.f32 v5, v6;
	_ =	sdelay $0x1  }
0x38: {  	v21 =	vmul.f32 v3, v3;
	v6 =	vmul.f32 v20, v20;
	_ =	sdelay $0x1  }
0x39: {  	v5 =	vadd.f32 v6, v21;
	_ =	sdelay $0x1  }
0x3a: {  	v5 =	vadd.f32 $9.999999680e-21, v5;
	_ =	sdelay $0x1  }
0x3b: {  	v22 =	vshra.s32 v5, $0x1;
	v7 =	vmul.f32 $5.000000000e-01, v5  }
0x3c: {  	v6 =	vsub.s32 $0x5F3759DF, v22  }
0x3d: {  	v8 =	vmul.f32 v6, v7;
	_ =	sdelay $0x1  }
0x3e: {  	v8 =	vmul.f32 v6, v8;
	_ =	sdelay $0x1  }
0x3f: {  	v8 =	vsub.f32 $1.500000000e+00, v8;
	_ =	sdelay $0x1  }
0x40: {  	v6 =	vmul.f32 v6, v8;
	_ =	sdelay $0x1  }
0x41: {  	v7 =	vmul.f32 v6, v7;
	_ =	sdelay $0x1  }
0x42: {  	v7 =	vmul.f32 v7, v6;
	_ =	sdelay $0x1  }
0x43: {  	v7 =	vsub.f32 $1.500000000e+00, v7;
	_ =	sdelay $0x1  }
0x44: {  	v6 =	vmul.f32 v7, v6;
	_ =	sdelay $0x1  }
0x45: {  	v5 =	vmul.f32 v6, v5  }
0x46: {  	v23 =	vld.idx.msk [tilespmem:v1+s12+$0x0], $0xffff  }
0x47: {  	v5 =	vadd.f32 $9.999999770e-03, v5;
	_ =	sdelay $0x1  }
0x48: {  	v5 =	vsub.f32 $0.0e+00, v5;
	_ =	sdelay $0x1  }
0x49: {  	v5 =	vmul.f32 v5, v23;
	_ =	sdelay $0x1  }
0x4a: {  	v3 =	vmul.f32 v5, v3  }
0x4b: {  	v4 =	vmul.f32 v5, v20  }
0x4c: {  	[tilespmem:v1+s14+$0x0] =	vst.idx.add.f32.msk $0xffff, v3;
	v3 =	vsub.f32 $0.0e+00, v3  }
0x4d: {  	s24 =	sadd.s32 $0xFFFFFFD0, s20;
	s25 =	sadd.s32 $0x20, s21;
	[tilespmem:v1+s15+$0x0] =	vst.idx.add.f32.msk $0xffff, v4;
	v1 =	vsub.f32 $0.0e+00, v4  }
0x4e: {  	s23 =	sand.u32 $0xFFFFFF00, s25;
	s22 =	sand.u32 $0x70, s24;
	[tilespmem:v2+s14+$0x0] =	vst.idx.add.f32.msk $0xffff, v3  }
0x4f: {  	s22 =	sor.u32 s22, s23;
	[tilespmem:v2+s15+$0x0] =	vst.idx.add.f32.msk $0xffff, v1  }
0x50: {  	v1 =	vld [tilespmem:s22+$0x7800]  }
0x51: {  	v2 =	vld [tilespmem:s22+$0x7880];
	_ =	sdelay $0x3  }
0x52: {  	v3 =	vshll.u32 v1, $0x1  }
0x53: {  	v24 =	vand.u32 $0x7F, v1;
	v25 =	vshll.u32 v2, $0x1;
	v3 =	vand.u32 $0xFFFFFF00, v3  }
0x54: {  	v27 =	vand.u32 $0x7F, v2;
	v4 =	vand.u32 $0xFFFFFF00, v25;
	v3 =	vor.u32 v24, v3  }
0x55: {  	v4 =	vor.u32 v27, v4  }
0x56: {  	v26 =	vor.u32 $0x80, v3  }
0x57: {  	v6 =	vor.u32 $0x80, v4;
	_ =	sdelay $0x1  }
0x58: {  	v3 =	vld.idx.msk [tilespmem:v3+s3+$0x0], $0xffff  }
0x59: {  	v4 =	vld.idx.msk [tilespmem:v4+s3+$0x0], $0xffff  }
0x5a: {  	v5 =	vld.idx.msk [tilespmem:v26+s3+$0x0], $0xffff  }
0x5b: {  	v6 =	vld.idx.msk [tilespmem:v6+s3+$0x0], $0xffff;
	_ =	sdelay $0x4  }
0x5c: {  	v3 =	vsub.f32 v3, v4;
	v28 =	vsub.f32 v5, v6;
	_ =	sdelay $0x1  }
0x5d: {  	v29 =	vmul.f32 v3, v3;
	v6 =	vmul.f32 v28, v28;
	_ =	sdelay $0x1  }
0x5e: {  	v5 =	vadd.f32 v6, v29;
	_ =	sdelay $0x1  }
0x5f: {  	v5 =	vadd.f32 $9.999999680e-21, v5;
	_ =	sdelay $0x1  }
0x60: {  	v30 =	vshra.s32 v5, $0x1;
	v31 =	vmul.f32 $5.000000000e-01, v5  }
0x61: {  	v6 =	vsub.s32 $0x5F3759DF, v30  }
0x62: {  	v32 =	vmul.f32 v6, v31;
	_ =	sdelay $0x1  }
0x63: {  	v8 =	vmul.f32 v6, v32;
	_ =	sdelay $0x1  }
0x64: {  	v8 =	vsub.f32 $1.500000000e+00, v8;
	_ =	sdelay $0x1  }
0x65: {  	v6 =	vmul.f32 v6, v8;
	_ =	sdelay $0x1  }
0x66: {  	v7 =	vmul.f32 v6, v31;
	_ =	sdelay $0x1  }
0x67: {  	v7 =	vmul.f32 v7, v6;
	_ =	sdelay $0x1  }
0x68: {  	v7 =	vsub.f32 $1.500000000e+00, v7;
	_ =	sdelay $0x1  }
0x69: {  	v6 =	vmul.f32 v7, v6;
	_ =	sdelay $0x1  }
0x6a: {  	v5 =	vmul.f32 v6, v5  }
0x6b: {  	v33 =	vld.idx.msk [tilespmem:v1+s12+$0x0], $0xffff  }
0x6c: {  	v5 =	vadd.f32 $9.999999770e-03, v5;
	_ =	sdelay $0x1  }
0x6d: {  	v5 =	vsub.f32 $0.0e+00, v5;
	_ =	sdelay $0x1  }
0x6e: {  	v5 =	vmul.f32 v5, v33;
	_ =	sdelay $0x1  }
0x6f: {  	v3 =	vmul.f32 v5, v3  }
0x70: {  	v4 =	vmul.f32 v5, v28  }
0x71: {  	[tilespmem:v1+s14+$0x0] =	vst.idx.add.f32.msk $0xffff, v3;
	v3 =	vsub.f32 $0.0e+00, v3  }
0x72: {  	s26 =	sadd.s32 $0xFFFFFFE0, s20;
	s28 =	sadd.s32 $0x40, s21;
	[tilespmem:v1+s15+$0x0] =	vst.idx.add.f32.msk $0xffff, v4;
	v1 =	vsub.f32 $0.0e+00, v4  }
0x73: {  	s23 =	sand.u32 $0xFFFFFF00, s28;
	s22 =	sand.u32 $0x70, s26;
	[tilespmem:v2+s14+$0x0] =	vst.idx.add.f32.msk $0xffff, v3  }
0x74: {  	s22 =	sor.u32 s22, s23;
	[tilespmem:v2+s15+$0x0] =	vst.idx.add.f32.msk $0xffff, v1  }
0x75: {  	v1 =	vld [tilespmem:s22+$0x7800]  }
0x76: {  	v2 =	vld [tilespmem:s22+$0x7880];
	_ =	sdelay $0x3  }
0x77: {  	v3 =	vshll.u32 v1, $0x1  }
0x78: {  	v34 =	vand.u32 $0x7F, v1;
	v35 =	vshll.u32 v2, $0x1;
	v3 =	vand.u32 $0xFFFFFF00, v3  }
0x79: {  	v37 =	vand.u32 $0x7F, v2;
	v4 =	vand.u32 $0xFFFFFF00, v35;
	v3 =	vor.u32 v34, v3  }
0x7a: {  	v4 =	vor.u32 v37, v4  }
0x7b: {  	v36 =	vor.u32 $0x80, v3  }
0x7c: {  	v6 =	vor.u32 $0x80, v4;
	_ =	sdelay $0x1  }
0x7d: {  	v3 =	vld.idx.msk [tilespmem:v3+s3+$0x0], $0xffff  }
0x7e: {  	v4 =	vld.idx.msk [tilespmem:v4+s3+$0x0], $0xffff  }
0x7f: {  	v5 =	vld.idx.msk [tilespmem:v36+s3+$0x0], $0xffff  }
0x80: {  	v6 =	vld.idx.msk [tilespmem:v6+s3+$0x0], $0xffff;
	_ =	sdelay $0x4  }
0x81: {  	v3 =	vsub.f32 v3, v4;
	v38 =	vsub.f32 v5, v6;
	_ =	sdelay $0x1  }
0x82: {  	v39 =	vmul.f32 v3, v3;
	v6 =	vmul.f32 v38, v38;
	_ =	sdelay $0x1  }
0x83: {  	v5 =	vadd.f32 v6, v39;
	_ =	sdelay $0x1  }
0x84: {  	v5 =	vadd.f32 $9.999999680e-21, v5;
	_ =	sdelay $0x1  }
0x85: {  	v40 =	vshra.s32 v5, $0x1;
	v41 =	vmul.f32 $5.000000000e-01, v5  }
0x86: {  	v6 =	vsub.s32 $0x5F3759DF, v40  }
0x87: {  	v42 =	vmul.f32 v6, v41;
	_ =	sdelay $0x1  }
0x88: {  	v8 =	vmul.f32 v6, v42;
	_ =	sdelay $0x1  }
0x89: {  	v8 =	vsub.f32 $1.500000000e+00, v8;
	_ =	sdelay $0x1  }
0x8a: {  	v6 =	vmul.f32 v6, v8;
	_ =	sdelay $0x1  }
0x8b: {  	v7 =	vmul.f32 v6, v41;
	_ =	sdelay $0x1  }
0x8c: {  	v7 =	vmul.f32 v7, v6;
	_ =	sdelay $0x1  }
0x8d: {  	v7 =	vsub.f32 $1.500000000e+00, v7;
	_ =	sdelay $0x1  }
0x8e: {  	v6 =	vmul.f32 v7, v6;
	_ =	sdelay $0x1  }
0x8f: {  	v5 =	vmul.f32 v6, v5  }
0x90: {  	v43 =	vld.idx.msk [tilespmem:v1+s12+$0x0], $0xffff  }
0x91: {  	v5 =	vadd.f32 $9.999999770e-03, v5;
	_ =	sdelay $0x1  }
0x92: {  	v5 =	vsub.f32 $0.0e+00, v5;
	_ =	sdelay $0x1  }
0x93: {  	v5 =	vmul.f32 v5, v43;
	_ =	sdelay $0x1  }
0x94: {  	v3 =	vmul.f32 v5, v3  }
0x95: {  	v4 =	vmul.f32 v5, v38  }
0x96: {  	[tilespmem:v1+s14+$0x0] =	vst.idx.add.f32.msk $0xffff, v3;
	v3 =	vsub.f32 $0.0e+00, v3  }
0x97: {  	s29 =	sadd.s32 $0xFFFFFFF0, s20;
	s30 =	sadd.s32 $0x60, s21;
	[tilespmem:v1+s15+$0x0] =	vst.idx.add.f32.msk $0xffff, v4;
	v1 =	vsub.f32 $0.0e+00, v4  }
0x98: {  	s23 =	sand.u32 $0xFFFFFF00, s30;
	s22 =	sand.u32 $0x70, s29;
	[tilespmem:v2+s14+$0x0] =	vst.idx.add.f32.msk $0xffff, v3  }
0x99: {  	s22 =	sor.u32 s22, s23;
	[tilespmem:v2+s15+$0x0] =	vst.idx.add.f32.msk $0xffff, v1  }
0x9a: {  	v1 =	vld [tilespmem:s22+$0x7800]  }
0x9b: {  	v2 =	vld [tilespmem:s22+$0x7880];
	_ =	sdelay $0x3  }
0x9c: {  	v3 =	vshll.u32 v1, $0x1  }
0x9d: {  	v44 =	vand.u32 $0x7F, v1;
	v45 =	vshll.u32 v2, $0x1;
	v3 =	vand.u32 $0xFFFFFF00, v3  }
0x9e: {  	v47 =	vand.u32 $0x7F, v2;
	v4 =	vand.u32 $0xFFFFFF00, v45;
	v3 =	vor.u32 v44, v3  }
0x9f: {  	v4 =	vor.u32 v47, v4  }
0xa0: {  	v46 =	vor.u32 $0x80, v3  }
0xa1: {  	v6 =	vor.u32 $0x80, v4;
	_ =	sdelay $0x1  }
0xa2: {  	v3 =	vld.idx.msk [tilespmem:v3+s3+$0x0], $0xffff  }
0xa3: {  	v4 =	vld.idx.msk [tilespmem:v4+s3+$0x0], $0xffff  }
0xa4: {  	v5 =	vld.idx.msk [tilespmem:v46+s3+$0x0], $0xffff  }
0xa5: {  	v6 =	vld.idx.msk [tilespmem:v6+s3+$0x0], $0xffff;
	_ =	sdelay $0x4  }
0xa6: {  	v3 =	vsub.f32 v3, v4;
	v48 =	vsub.f32 v5, v6;
	_ =	sdelay $0x1  }
0xa7: {  	v49 =	vmul.f32 v3, v3;
	v6 =	vmul.f32 v48, v48;
	_ =	sdelay $0x1  }
0xa8: {  	v5 =	vadd.f32 v6, v49;
	_ =	sdelay $0x1  }
0xa9: {  	v5 =	vadd.f32 $9.999999680e-21, v5;
	_ =	sdelay $0x1  }
0xaa: {  	v50 =	vshra.s32 v5, $0x1;
	v51 =	vmul.f32 $5.000000000e-01, v5  }
0xab: {  	v6 =	vsub.s32 $0x5F3759DF, v50  }
0xac: {  	v52 =	vmul.f32 v6, v51;
	_ =	sdelay $0x1  }
0xad: {  	v8 =	vmul.f32 v6, v52;
	_ =	sdelay $0x1  }
0xae: {  	v8 =	vsub.f32 $1.500000000e+00, v8;
	_ =	sdelay $0x1  }
0xaf: {  	v6 =	vmul.f32 v6, v8;
	_ =	sdelay $0x1  }
0xb0: {  	v7 =	vmul.f32 v6, v51;
	_ =	sdelay $0x1  }
0xb1: {  	v7 =	vmul.f32 v7, v6;
	_ =	sdelay $0x1  }
0xb2: {  	v7 =	vsub.f32 $1.500000000e+00, v7;
	_ =	sdelay $0x1  }
0xb3: {  	v6 =	vmul.f32 v7, v6;
	_ =	sdelay $0x1  }
0xb4: {  	v5 =	vmul.f32 v6, v5  }
0xb5: {  	v53 =	vld.idx.msk [tilespmem:v1+s12+$0x0], $0xffff  }
0xb6: {  	v5 =	vadd.f32 $9.999999770e-03, v5;
	_ =	sdelay $0x1  }
0xb7: {  	v5 =	vsub.f32 $0.0e+00, v5;
	_ =	sdelay $0x1  }
0xb8: {  	v5 =	vmul.f32 v5, v53;
	_ =	sdelay $0x1  }
0xb9: {  	v3 =	vmul.f32 v5, v3  }
0xba: {  	v4 =	vmul.f32 v5, v48  }
0xbb: {  	[tilespmem:v1+s14+$0x0] =	vst.idx.add.f32.msk $0xffff, v3;
	v3 =	vsub.f32 $0.0e+00, v3  }
0xbc: {  	s21 =	sadd.s32 $0x80, s21;
	[tilespmem:v1+s15+$0x0] =	vst.idx.add.f32.msk $0xffff, v4;
	v1 =	vsub.f32 $0.0e+00, v4  }
0xbd: {  	s31 =	sand.u32 $0x70, s20;
	s21 =	sand.u32 $0xFFFFFF00, s21;
	[tilespmem:v2+s14+$0x0] =	vst.idx.add.f32.msk $0xffff, v3  }
0xbe: {  	s21 =	sor.u32 s31, s21;
	[tilespmem:v2+s15+$0x0] =	vst.idx.add.f32.msk $0xffff, v1  }
0xbf: {  	v1 =	vld [tilespmem:s21+$0x7800]  }
0xc0: {  	v2 =	vld [tilespmem:s21+$0x7880];
	_ =	sdelay $0x3  }
0xc1: {  	v3 =	vshll.u32 v1, $0x1  }
0xc2: {  	v54 =	vand.u32 $0x7F, v1;
	v55 =	vshll.u32 v2, $0x1;
	v3 =	vand.u32 $0xFFFFFF00, v3  }
0xc3: {  	v57 =	vand.u32 $0x7F, v2;
	v4 =	vand.u32 $0xFFFFFF00, v55;
	v3 =	vor.u32 v54, v3  }
0xc4: {  	v4 =	vor.u32 v57, v4  }
0xc5: {  	v56 =	vor.u32 $0x80, v3  }
0xc6: {  	v6 =	vor.u32 $0x80, v4;
	_ =	sdelay $0x1  }
0xc7: {  	v3 =	vld.idx.msk [tilespmem:v3+s3+$0x0], $0xffff  }
0xc8: {  	v4 =	vld.idx.msk [tilespmem:v4+s3+$0x0], $0xffff  }
0xc9: {  	v5 =	vld.idx.msk [tilespmem:v56+s3+$0x0], $0xffff  }
0xca: {  	v6 =	vld.idx.msk [tilespmem:v6+s3+$0x0], $0xffff;
	_ =	sdelay $0x4  }
0xcb: {  	v3 =	vsub.f32 v3, v4;
	v58 =	vsub.f32 v5, v6;
	_ =	sdelay $0x1  }
0xcc: {  	v59 =	vmul.f32 v3, v3;
	v6 =	vmul.f32 v58, v58;
	_ =	sdelay $0x1  }
0xcd: {  	v5 =	vadd.f32 v6, v59;
	_ =	sdelay $0x1  }
0xce: {  	v5 =	vadd.f32 $9.999999680e-21, v5;
	_ =	sdelay $0x1  }
0xcf: {  	v60 =	vshra.s32 v5, $0x1;
	v61 =	vmul.f32 $5.000000000e-01, v5  }
0xd0: {  	v6 =	vsub.s32 $0x5F3759DF, v60  }
0xd1: {  	v62 =	vmul.f32 v6, v61;
	_ =	sdelay $0x1  }
0xd2: {  	v8 =	vmul.f32 v6, v62;
	_ =	sdelay $0x1  }
0xd3: {  	v8 =	vsub.f32 $1.500000000e+00, v8;
	_ =	sdelay $0x1  }
0xd4: {  	v6 =	vmul.f32 v6, v8;
	_ =	sdelay $0x1  }
0xd5: {  	v7 =	vmul.f32 v6, v61;
	_ =	sdelay $0x1  }
0xd6: {  	v7 =	vmul.f32 v7, v6;
	_ =	sdelay $0x1  }
0xd7: {  	v7 =	vsub.f32 $1.500000000e+00, v7;
	_ =	sdelay $0x1  }
0xd8: {  	v6 =	vmul.f32 v7, v6;
	_ =	sdelay $0x1  }
0xd9: {  	v5 =	vmul.f32 v6, v5  }
0xda: {  	v63 =	vld.idx.msk [tilespmem:v1+s12+$0x0], $0xffff  }
0xdb: {  	v5 =	vadd.f32 $9.999999770e-03, v5;
	_ =	sdelay $0x1  }
0xdc: {  	v5 =	vsub.f32 $0.0e+00, v5;
	_ =	sdelay $0x1  }
0xdd: {  	v5 =	vmul.f32 v5, v63;
	_ =	sdelay $0x1  }
0xde: {  	p0 =	sne.s32 s19, $0x4D80;
	v3 =	vmul.f32 v5, v3  }
.Ltmp1:
0xdf: {  	v4 =	vmul.f32 v5, v58;
	(pc) =	sbr.rel @p0 .LBB2_4-.Ltmp1, $4  }
0xe0: {  	[tilespmem:v1+s14+$0x0] =	vst.idx.add.f32.msk $0xffff, v3;
	v3 =	vsub.f32 $0.0e+00, v3  }
0xe1: {  	[tilespmem:v1+s15+$0x0] =	vst.idx.add.f32.msk $0xffff, v4;
	v1 =	vsub.f32 $0.0e+00, v4  }
0xe2: {  	[tilespmem:v2+s14+$0x0] =	vst.idx.add.f32.msk $0xffff, v3  }
0xe3: {  	s20 =	sadd.s32 $0x50, s20;
	s19 =	sadd.s32 $0xA0, s19;
	[tilespmem:v2+s15+$0x0] =	vst.idx.add.f32.msk $0xffff, v1  }
0xe4: {  	[hbm4b:s6+s16] =	stream.strided.scatter [tilespmem:s14], [sflag:$0x1], $0x2800, s17, s16, $0x38;
	[tilespmem:$0x11800] =	vst v63  }
0xe5: {  	s18 =	sadd.s32 $0x1, s18;
	_ =	swait.ge [sflag:s11], $0x2800  }
0xe6: {  	p0 =	sne.s32 s18, s8;
	[sflag:s11] =	ssyncset.done $0x0  }
.Ltmp2:
0xe7: {  	[sflag:s11] =	ssyncadd.s32 $0xFFFFD800;
	(pc) =	sbr.rel @p0 .LBB2_1-.Ltmp2, $4  }
0xe8: {  	[hbm4b:s7+s16] =	stream.strided.scatter [tilespmem:s15], [sflag:$0x1], $0x2800, s17, s16, $0x38;
	[tilespmem:$0x11800] =	vst v63  }
0xe9: {  	_ =	swait.ge [sflag:s11], $0x2800  }
0xea: {  	[sflag:s11] =	ssyncset.done $0x0  }
0xeb: {  	[sflag:s11] =	ssyncadd.s32 $0xFFFFD800  }
0xec: {  	_ =	sfence.sel $0x180000  }
0xed: {  	[bflag:$0x0] =	sbarrier.arrive $0xFFFF  }
0xee: {  	p0 =	sne.s32 s1, $0x0;
	_ =	strace $0x9000004D  }
0xef: {  	s0 =	sadd.s32 @!p0 $0x100000, s0;
	[bflag:$0x2] =	sbarrier.arrive $0xFFFF  }
0xf0: {  	[sflag:s0] =	ssyncadd.tile.s32 @!p0 $0x1;
	_ =	shalt  }
.Lfunc_end2:
_tile_overlayer_lowered:
.L_overlay_start_2:
0xf1: {  	(tag) =	ssettag $0x2  }
0xf2: {  	s0 =	rddreg [dreg:$0x0];
	s2 =	stileid.u32  }
0xf3: {  	s1 =	rddreg [dreg:$0x1];
	p0 =	sne.s32 s2, $0x0  }
0xf4: {  	s3 =	rddreg [dreg:$0x2];
	[bflag:$0x3] =	sbarrier.arrive $0xFFFF;
	s2 =	simm.s32 @!p0 $0x1C01  }
0xf5: {  	[timem:s3], [sflag:s2] =	dma.local @!p0 [hbm:s0], s1  }
0xf6: {  	s0 =	simm.s32 @!p0 $0x1  }
0xf7: {  	_ =	swait.ge @!p0 [sflag:s0], s1  }
0xf8: {  	s1 =	ssub.s32 @!p0 $0x0, s1;
	[sflag:s0] =	ssyncset.done @!p0 $0x0  }
0xf9: {  	[sflag:s0] =	ssyncadd.s32 @!p0 s1  }
0xfa: {  	[bflag:$0x3] =	sbarrier.arrive $0xFFFF  }
0xfb: {  	_ =	shalt  }

</sc_bundles>
